<compile_context>
chip_gen: v7x
topology: tpu7x:2x2x1
jax: 0.10.2.dev20260603
libtpu: 0.0.44.dev20260713+nightly
codegen_flags: <defaults>
</compile_context>

<pallas_src>
import functools

import jax
import jax.numpy as jnp
import numpy as _np
from jax import lax
from jax.experimental import pallas as pl
from jax.experimental.pallas import tpu as pltpu
from jax.experimental.pallas import tpu_sc as plsc

_N = 10000
_E = 320000
_D = 128
_K = 32

_NC = 2
_NS = 16
_NW = _NC * _NS
_CW = 125
_EPW = _E // _NW
_NCH = _EPW // _CW
_EROWS = _E // _CW
_NP = 10240
_SLC = _NP // _NS
_RB = 2000


def _deg_body(src_hbm, dst_hbm, out_hbm, idx_v, val_v, z_v, od_sh, id_sh,
              sa):
    c = lax.axis_index("c")
    s = lax.axis_index("s")
    w = c * _NS + s

    zv = jnp.zeros((16,), jnp.float32)

    def zfill(i, carry):
        z_v[pl.ds(i * 16, 16)] = zv
        return carry

    lax.fori_loop(0, _SLC // 16, zfill, 0)
    ov = jnp.full((16,), 1.0, jnp.float32)
    for j in range(8):
        val_v[pl.ds(j * 16, 16)] = ov

    pltpu.sync_copy(z_v, od_sh.at[pl.ds(s * _SLC, _SLC)])
    pltpu.sync_copy(z_v, id_sh.at[pl.ds(s * _SLC, _SLC)])
    plsc.subcore_barrier()

    val = val_v.at[pl.ds(0, _CW)]

    def scat_all(edge_hbm, tgt_sh):
        pltpu.sync_copy(edge_hbm.at[pl.ds(w * _NCH, _NCH)], idx_v)

        def body(k, carry):
            pltpu.make_async_copy(val, tgt_sh.at[idx_v.at[k]],
                                  sa).start(add=True)

            @pl.when(k >= 4)
            def _():
                pltpu.make_async_copy(val, tgt_sh.at[idx_v.at[0]], sa).wait()

            return carry

        lax.fori_loop(0, _NCH, body, 0)
        for _i in range(4):
            pltpu.make_async_copy(val, tgt_sh.at[idx_v.at[0]], sa).wait()

    scat_all(src_hbm, od_sh)
    scat_all(dst_hbm, id_sh)

    plsc.subcore_barrier()
    pltpu.sync_copy(od_sh.at[pl.ds(s * _SLC, _SLC)],
                    out_hbm.at[pl.ds(c * _NP + s * _SLC, _SLC)])
    pltpu.sync_copy(id_sh.at[pl.ds(s * _SLC, _SLC)],
                    out_hbm.at[pl.ds((2 + c) * _NP + s * _SLC, _SLC)])


@functools.cache
def _deg_kernel():
    return pl.kernel(
        _deg_body,
        out_type=jax.ShapeDtypeStruct((4 * _NP,), jnp.float32),
        mesh=plsc.VectorSubcoreMesh(
            core_axis_name="c", subcore_axis_name="s",
            num_cores=_NC, num_subcores=_NS),
        scratch_types=[
            pltpu.VMEM((_NCH, _CW), jnp.int32),
            pltpu.VMEM((128,), jnp.float32),
            pltpu.VMEM((_SLC,), jnp.float32),
            pltpu.VMEM_SHARED((_NP,), jnp.float32),
            pltpu.VMEM_SHARED((_NP,), jnp.float32),
            pltpu.SemaphoreType.DMA,
        ],
    )


_PH = 2
_CPP = _NCH // _PH


def _agg_body(src_hbm, dst_hbm, h_hbm, out_hbm, idxs_v, idxd_v, rows_v,
              acc_sh, sg, ss):
    c = lax.axis_index("c")
    s = lax.axis_index("s")
    w = c * _NS + s

    zv = jnp.zeros((16,), jnp.float32)

    def zfill(i, carry):
        rows_v[0, i // 8, pl.ds((i % 8) * 16, 16)] = zv
        return carry

    lax.fori_loop(0, 80 * 8, zfill, 0)
    for i in range(_SLC // 80):
        pltpu.sync_copy(rows_v.at[0, pl.ds(0, 80)],
                        acc_sh.at[pl.ds(s * _SLC + i * 80, 80)])
    plsc.subcore_barrier()

    def g_desc(k, b):
        return pltpu.make_async_copy(h_hbm.at[idxs_v.at[k]], rows_v.at[b],
                                     sg.at[b])

    def s_desc(k, b):
        return pltpu.make_async_copy(rows_v.at[b], acc_sh.at[idxd_v.at[k]],
                                     ss.at[b])

    for p in range(_PH):
        base = w * _NCH + p * _CPP
        pltpu.sync_copy(src_hbm.at[pl.ds(base, _CPP)], idxs_v)
        pltpu.sync_copy(dst_hbm.at[pl.ds(base, _CPP)], idxd_v)

        g_desc(0, 0).start()
        g_desc(1, 1).start()
        g_desc(0, 0).wait()
        s_desc(0, 0).start(add=True)

        def body(k, carry):
            b = lax.rem(k, 2)
            bn = 1 - b
            s_desc(k - 1, bn).wait()
            g_desc(k + 1, bn).start()
            g_desc(k, b).wait()
            s_desc(k, b).start(add=True)
            return carry

        lax.fori_loop(1, _CPP - 1, body, 0)

        g_desc(_CPP - 1, 1).wait()
        s_desc(_CPP - 1, 1).start(add=True)
        s_desc(_CPP - 2, 0).wait()
        s_desc(_CPP - 1, 1).wait()

    plsc.subcore_barrier()
    pltpu.sync_copy(acc_sh.at[pl.ds(s * _SLC, _SLC)],
                    out_hbm.at[c, pl.ds(s * _SLC, _SLC)])


@functools.cache
def _agg_kernel():
    return pl.kernel(
        _agg_body,
        out_type=jax.ShapeDtypeStruct((_NC, _NP, _D), jnp.float32),
        mesh=plsc.VectorSubcoreMesh(
            core_axis_name="c", subcore_axis_name="s",
            num_cores=_NC, num_subcores=_NS),
        scratch_types=[
            pltpu.VMEM((_CPP, _CW), jnp.int32),
            pltpu.VMEM((_CPP, _CW), jnp.int32),
            pltpu.VMEM((2, _CW, _D), jnp.float32),
            pltpu.VMEM_SHARED((_NP, _D), jnp.float32),
            pltpu.SemaphoreType.DMA((2,)),
            pltpu.SemaphoreType.DMA((2,)),
        ],
    )


def _bitonic_stages():
    stages = []
    k = 2
    while k <= _D:
        j = k // 2
        while j >= 1:
            stages.append((k, j))
            j //= 2
        k *= 2
    return stages


_BSTAGES = _bitonic_stages()


def _proj_body(f_ref, w_ref, d_ref, o_ref):
    h = jnp.dot(f_ref[...], w_ref[...], preferred_element_type=jnp.float32)

    lane = lax.broadcasted_iota(jnp.int32, (1, _D), 1)
    s = h
    for k, j in _BSTAGES:
        hi = (lane & j) != 0
        partner = jnp.where(hi, pltpu.roll(s, j, 1),
                            pltpu.roll(s, _D - j, 1))
        mask_min = ((lane & k) == 0) == jnp.logical_not(hi)
        s = jnp.where(mask_min, jnp.minimum(s, partner),
                      jnp.maximum(s, partner))
    thr = lax.slice(s, (0, _D - _K), (_RB, _D - _K + 1))
    keep = h >= thr

    dg = d_ref[...]
    od = jnp.maximum(dg[:, 0:1] + dg[:, 1:2], 1.0)
    ind = jnp.maximum(dg[:, 2:3] + dg[:, 3:4], 1.0)
    scale = lax.rsqrt(od * ind)
    o_ref[...] = jnp.where(keep, h, 0.0) * scale


_proj_kernel = pl.pallas_call(
    _proj_body,
    grid=(_N // _RB,),
    in_specs=[
        pl.BlockSpec((_RB, _D), lambda i: (i, 0)),
        pl.BlockSpec((_D, _D), lambda i: (0, 0)),
        pl.BlockSpec((_RB, 4), lambda i: (i, 0)),
    ],
    out_specs=pl.BlockSpec((_RB, _D), lambda i: (i, 0)),
    out_shape=jax.ShapeDtypeStruct((_N, _D), jnp.float32),
)


def _merge_body(p_ref, b_ref, o_ref):
    o_ref[...] = p_ref[0] + p_ref[1] + b_ref[0]


_merge_kernel = pl.pallas_call(
    _merge_body,
    grid=(_N // _RB,),
    in_specs=[
        pl.BlockSpec((_NC, _RB, _D), lambda i: (0, i, 0)),
        pl.BlockSpec((1, _D), lambda i: (0, 0)),
    ],
    out_specs=pl.BlockSpec((_RB, _D), lambda i: (i, 0)),
    out_shape=jax.ShapeDtypeStruct((_N, _D), jnp.float32),
)


def kernel(edge_index, feat, W, bias):
    src2d = edge_index[0].astype(jnp.int32).reshape(_EROWS, _CW)
    dst2d = edge_index[1].astype(jnp.int32).reshape(_EROWS, _CW)
    degp = _deg_kernel()(src2d, dst2d)
    degs = degp.reshape(4, _NP)[:, :_N].T
    hs = _proj_kernel(feat, W, degs)
    parts = _agg_kernel()(src2d, dst2d, hs)
    return _merge_kernel(parts, bias.reshape(1, _D))

# --- scband reference (transcript-rebuilt; emitter-appended) ---
"""Pipeline reference for scband-max-kgcnconv-11768210391446 (READ-ONLY COPY).

The authoritative reference and input builder live on the scoring server;
editing this copy changes nothing except your own understanding.
"""

import jax, jax.numpy as jnp
import numpy as np

N = 10000
E = 320000
D = 128
K = 32


def setup_inputs(seed: int = 0) -> dict:
    key = jax.random.key(seed)
    k1, k2, k3 = jax.random.split(key, 3)
    feat = jax.random.normal(k1, (N, D), dtype=jnp.float32)
    edge_index = jax.random.randint(k2, (2, E), 0, N)
    # xavier_uniform for weight [in_feats, out_feats]
    limit = float(np.sqrt(6.0 / (D + D)))
    W = jax.random.uniform(k3, (D, D), minval=-limit, maxval=limit, dtype=jnp.float32)
    bias = jnp.zeros((D,), dtype=jnp.float32)
    return {"edge_index": edge_index, "feat": feat, "W": W, "bias": bias}


def reference(edge_index, feat, W, bias):
    src = edge_index[0]
    dst = edge_index[1]
    # linear projection
    h = feat @ W
    # MaxK nonlinearity: keep top-k per row, zero elsewhere (fallback path of MaxKFunction)
    _, idx = jax.lax.top_k(h, K)
    rows = jnp.arange(h.shape[0])[:, None]
    mask = jnp.zeros_like(h).at[rows, idx].set(1.0)
    h_sparse = h * mask
    # left norm (out-degree^-0.5), applied to source features
    out_deg = jnp.clip(jnp.bincount(src, length=N).astype(jnp.float32), 1.0, None)
    norm_left = out_deg ** (-0.5)
    h_sparse = h_sparse * norm_left[:, None]
    # right norm (in-degree^-0.5) applied per-node to ndata['h'] as in _aggregate_with_dgl
    in_deg = jnp.clip(jnp.bincount(dst, length=N).astype(jnp.float32), 1.0, None)
    norm_right = in_deg ** (-0.5)
    h_sparse = h_sparse * norm_right[:, None]
    # message passing: copy_u + sum reduce onto dst
    msg = h_sparse[src]
    out = jax.ops.segment_sum(msg, dst, num_segments=N)
    out = out + bias
    return out

if __name__ == "__main__":
    import jax
    _d = setup_inputs()
    print(jax.jit(kernel)(*tuple(_d.values())))

</pallas_src>

<mosaic_0001>
#map = affine_map<(d0, d1) -> (0, 0)>
#map1 = affine_map<(d0, d1) -> (0)>
module attributes {stable_mosaic.version = 14 : i64} {
  func.func @_deg_body(%arg0: i32, %arg1: i32, %arg2: memref<2560x125xi32, #tpu.memory_space<hbm>>, %arg3: memref<2560x125xi32, #tpu.memory_space<hbm>>, %arg4: memref<40960xf32, #tpu.memory_space<hbm>>, %arg5: memref<80x125xi32, #tpu.memory_space<vmem>>, %arg6: memref<128xf32, #tpu.memory_space<vmem>>, %arg7: memref<640xf32, #tpu.memory_space<vmem>>, %arg8: memref<10240xf32, #tpu.memory_space<vmem_shared>>, %arg9: memref<10240xf32, #tpu.memory_space<vmem_shared>>, %arg10: memref<!tpu.dma_semaphore, #tpu.memory_space<semaphore_mem>>) attributes {dimension_semantics = [#tpu.dimension_semantics<core_parallel>, #tpu.dimension_semantics<subcore_parallel>], iteration_bounds = array<i64: 2, 16>, scalar_prefetch = 0 : i64, scratch_operands = 6 : i64, tpu.core_type = #tpu.core_type<sc_vector_subcore>, window_params = [{transform_indices = #map}, {transform_indices = #map}, {transform_indices = #map1}]} {
    %mul3A = arith.constant 16 : i32
    %mul3A_0 = arith.muli %arg0, %mul3A : i32
    %add3A = arith.addi %mul3A_0, %arg1 : i32
    %broadcast_in_dim3A = arith.constant 0.000000e+00 : f32
    %broadcast_in_dim3A_1 = vector.broadcast %broadcast_in_dim3A : f32 to vector<16xf32>
    %scan3A = arith.constant 0 : i32
    %scan3A_2 = arith.constant 0 : i32
    %scan3A_3 = arith.constant 40 : i32
    %scan3A_4 = arith.addi %scan3A_2, %scan3A_3 : i32
    %scan3A_5 = arith.constant 1 : i32
    scf.for %scan3A_140 = %scan3A_2 to %scan3A_4 step %scan3A_5  : i32 {
      %mul3A_141 = arith.constant 16 : i32
      %mul3A_142 = arith.muli %scan3A_140, %mul3A_141 : i32
      %swap3A_143 = arith.index_cast %mul3A_142 : i32 to index
      %swap3A_144 = tpu.vector_load %arg7[%swap3A_143] {strides = array<i32>} : memref<640xf32, #tpu.memory_space<vmem>>, vector<16xf32>,
      %swap3A_145 = vector.shape_cast %swap3A_144 : vector<16xf32> to vector<16xf32>
      %swap3A_146 = vector.shape_cast %broadcast_in_dim3A_1 : vector<16xf32> to vector<16xf32>
      tpu.vector_store %arg7[%swap3A_143], %swap3A_146 {strides = array<i32>} : memref<640xf32, #tpu.memory_space<vmem>>, vector<16xf32>,
    }
    %scan3A_6 = arith.constant 40 : i32
    %broadcast_in_dim3A_7 = arith.constant 1.000000e+00 : f32
    %broadcast_in_dim3A_8 = vector.broadcast %broadcast_in_dim3A_7 : f32 to vector<16xf32>
    %swap3A = arith.constant 0 : index
    %swap3A_9 = tpu.vector_load %arg6[%swap3A] {strides = array<i32>} : memref<128xf32, #tpu.memory_space<vmem>>, vector<16xf32>,
    %swap3A_10 = vector.shape_cast %swap3A_9 : vector<16xf32> to vector<16xf32>
    %swap3A_11 = vector.shape_cast %broadcast_in_dim3A_8 : vector<16xf32> to vector<16xf32>
    tpu.vector_store %arg6[%swap3A], %swap3A_11 {strides = array<i32>} : memref<128xf32, #tpu.memory_space<vmem>>, vector<16xf32>,
    %swap3A_12 = arith.constant 16 : index
    %swap3A_13 = tpu.vector_load %arg6[%swap3A_12] {strides = array<i32>} : memref<128xf32, #tpu.memory_space<vmem>>, vector<16xf32>,
    %swap3A_14 = vector.shape_cast %swap3A_13 : vector<16xf32> to vector<16xf32>
    %swap3A_15 = vector.shape_cast %broadcast_in_dim3A_8 : vector<16xf32> to vector<16xf32>
    tpu.vector_store %arg6[%swap3A_12], %swap3A_15 {strides = array<i32>} : memref<128xf32, #tpu.memory_space<vmem>>, vector<16xf32>,
    %swap3A_16 = arith.constant 32 : index
    %swap3A_17 = tpu.vector_load %arg6[%swap3A_16] {strides = array<i32>} : memref<128xf32, #tpu.memory_space<vmem>>, vector<16xf32>,
    %swap3A_18 = vector.shape_cast %swap3A_17 : vector<16xf32> to vector<16xf32>
    %swap3A_19 = vector.shape_cast %broadcast_in_dim3A_8 : vector<16xf32> to vector<16xf32>
    tpu.vector_store %arg6[%swap3A_16], %swap3A_19 {strides = array<i32>} : memref<128xf32, #tpu.memory_space<vmem>>, vector<16xf32>,
    %swap3A_20 = arith.constant 48 : index
    %swap3A_21 = tpu.vector_load %arg6[%swap3A_20] {strides = array<i32>} : memref<128xf32, #tpu.memory_space<vmem>>, vector<16xf32>,
    %swap3A_22 = vector.shape_cast %swap3A_21 : vector<16xf32> to vector<16xf32>
    %swap3A_23 = vector.shape_cast %broadcast_in_dim3A_8 : vector<16xf32> to vector<16xf32>
    tpu.vector_store %arg6[%swap3A_20], %swap3A_23 {strides = array<i32>} : memref<128xf32, #tpu.memory_space<vmem>>, vector<16xf32>,
    %swap3A_24 = arith.constant 64 : index
    %swap3A_25 = tpu.vector_load %arg6[%swap3A_24] {strides = array<i32>} : memref<128xf32, #tpu.memory_space<vmem>>, vector<16xf32>,
    %swap3A_26 = vector.shape_cast %swap3A_25 : vector<16xf32> to vector<16xf32>
    %swap3A_27 = vector.shape_cast %broadcast_in_dim3A_8 : vector<16xf32> to vector<16xf32>
    tpu.vector_store %arg6[%swap3A_24], %swap3A_27 {strides = array<i32>} : memref<128xf32, #tpu.memory_space<vmem>>, vector<16xf32>,
    %swap3A_28 = arith.constant 80 : index
    %swap3A_29 = tpu.vector_load %arg6[%swap3A_28] {strides = array<i32>} : memref<128xf32, #tpu.memory_space<vmem>>, vector<16xf32>,
    %swap3A_30 = vector.shape_cast %swap3A_29 : vector<16xf32> to vector<16xf32>
    %swap3A_31 = vector.shape_cast %broadcast_in_dim3A_8 : vector<16xf32> to vector<16xf32>
    tpu.vector_store %arg6[%swap3A_28], %swap3A_31 {strides = array<i32>} : memref<128xf32, #tpu.memory_space<vmem>>, vector<16xf32>,
    %swap3A_32 = arith.constant 96 : index
    %swap3A_33 = tpu.vector_load %arg6[%swap3A_32] {strides = array<i32>} : memref<128xf32, #tpu.memory_space<vmem>>, vector<16xf32>,
    %swap3A_34 = vector.shape_cast %swap3A_33 : vector<16xf32> to vector<16xf32>
    %swap3A_35 = vector.shape_cast %broadcast_in_dim3A_8 : vector<16xf32> to vector<16xf32>
    tpu.vector_store %arg6[%swap3A_32], %swap3A_35 {strides = array<i32>} : memref<128xf32, #tpu.memory_space<vmem>>, vector<16xf32>,
    %swap3A_36 = arith.constant 112 : index
    %swap3A_37 = tpu.vector_load %arg6[%swap3A_36] {strides = array<i32>} : memref<128xf32, #tpu.memory_space<vmem>>, vector<16xf32>,
    %swap3A_38 = vector.shape_cast %swap3A_37 : vector<16xf32> to vector<16xf32>
    %swap3A_39 = vector.shape_cast %broadcast_in_dim3A_8 : vector<16xf32> to vector<16xf32>
    tpu.vector_store %arg6[%swap3A_36], %swap3A_39 {strides = array<i32>} : memref<128xf32, #tpu.memory_space<vmem>>, vector<16xf32>,
    %mul3A_40 = arith.constant 640 : i32
    %mul3A_41 = arith.muli %arg1, %mul3A_40 : i32
    "tpu.region"() ({
      %run_scoped3A = tpu.sem_alloc : memref<!tpu.dma_semaphore, #tpu.memory_space<semaphore_mem>>
      %dma_start3A = tpu.memref_slice %arg8[%mul3A_41] : memref<10240xf32, #tpu.memory_space<vmem_shared>> -> memref<640xf32, #tpu.memory_space<vmem_shared>>
      %dma_start3A_140 = tpu.memref_slice %arg8[%mul3A_41] : memref<10240xf32, #tpu.memory_space<vmem_shared>> -> memref<640xf32, #tpu.memory_space<vmem_shared>>
      tpu.enqueue_dma source(%arg7 : memref<640xf32, #tpu.memory_space<vmem>>) target(%dma_start3A_140 : memref<640xf32, #tpu.memory_space<vmem_shared>>) target_semaphore(%run_scoped3A : memref<!tpu.dma_semaphore, #tpu.memory_space<semaphore_mem>>)
      %dma_wait3A_141 = tpu.memref_slice %arg8[%mul3A_41] : memref<10240xf32, #tpu.memory_space<vmem_shared>> -> memref<640xf32, #tpu.memory_space<vmem_shared>>
      %dma_wait3A_142 = tpu.memref_slice %arg8[%mul3A_41] : memref<10240xf32, #tpu.memory_space<vmem_shared>> -> memref<640xf32, #tpu.memory_space<vmem_shared>>
      tpu.wait_dma2 semaphore(%run_scoped3A : memref<!tpu.dma_semaphore, #tpu.memory_space<semaphore_mem>>) src(%arg7 : memref<640xf32, #tpu.memory_space<vmem>>) dst(%dma_wait3A_142 : memref<640xf32, #tpu.memory_space<vmem_shared>>)
      tpu.yield
    }) : () -> ()
    %mul3A_42 = arith.constant 640 : i32
    %mul3A_43 = arith.muli %arg1, %mul3A_42 : i32
    "tpu.region"() ({
      %run_scoped3A = tpu.sem_alloc : memref<!tpu.dma_semaphore, #tpu.memory_space<semaphore_mem>>
      %dma_start3A = tpu.memref_slice %arg9[%mul3A_43] : memref<10240xf32, #tpu.memory_space<vmem_shared>> -> memref<640xf32, #tpu.memory_space<vmem_shared>>
      %dma_start3A_140 = tpu.memref_slice %arg9[%mul3A_43] : memref<10240xf32, #tpu.memory_space<vmem_shared>> -> memref<640xf32, #tpu.memory_space<vmem_shared>>
      tpu.enqueue_dma source(%arg7 : memref<640xf32, #tpu.memory_space<vmem>>) target(%dma_start3A_140 : memref<640xf32, #tpu.memory_space<vmem_shared>>) target_semaphore(%run_scoped3A : memref<!tpu.dma_semaphore, #tpu.memory_space<semaphore_mem>>)
      %dma_wait3A_141 = tpu.memref_slice %arg9[%mul3A_43] : memref<10240xf32, #tpu.memory_space<vmem_shared>> -> memref<640xf32, #tpu.memory_space<vmem_shared>>
      %dma_wait3A_142 = tpu.memref_slice %arg9[%mul3A_43] : memref<10240xf32, #tpu.memory_space<vmem_shared>> -> memref<640xf32, #tpu.memory_space<vmem_shared>>
      tpu.wait_dma2 semaphore(%run_scoped3A : memref<!tpu.dma_semaphore, #tpu.memory_space<semaphore_mem>>) src(%arg7 : memref<640xf32, #tpu.memory_space<vmem>>) dst(%dma_wait3A_142 : memref<640xf32, #tpu.memory_space<vmem_shared>>)
      tpu.yield
    }) : () -> ()
    %barrier3A = arith.constant 0 : index
    tpu.barrier barrier_id(%barrier3A)
    %mul3A_44 = arith.constant 80 : i32
    %mul3A_45 = arith.muli %add3A, %mul3A_44 : i32
    "tpu.region"() ({
      %run_scoped3A = tpu.sem_alloc : memref<!tpu.dma_semaphore, #tpu.memory_space<semaphore_mem>>
      %dma_start3A = arith.constant 0 : i32
      %dma_start3A_140 = tpu.memref_slice %arg2[%mul3A_45, %dma_start3A] : memref<2560x125xi32, #tpu.memory_space<hbm>> -> memref<80x125xi32, #tpu.memory_space<hbm>>
      %dma_start3A_141 = arith.constant 0 : i32
      %dma_start3A_142 = tpu.memref_slice %arg2[%mul3A_45, %dma_start3A_141] : memref<2560x125xi32, #tpu.memory_space<hbm>> -> memref<80x125xi32, #tpu.memory_space<hbm>>
      tpu.enqueue_dma source(%dma_start3A_142 : memref<80x125xi32, #tpu.memory_space<hbm>>) target(%arg5 : memref<80x125xi32, #tpu.memory_space<vmem>>) target_semaphore(%run_scoped3A : memref<!tpu.dma_semaphore, #tpu.memory_space<semaphore_mem>>)
      %dma_wait3A_143 = arith.constant 0 : i32
      %dma_wait3A_144 = tpu.memref_slice %arg2[%mul3A_45, %dma_wait3A_143] : memref<2560x125xi32, #tpu.memory_space<hbm>> -> memref<80x125xi32, #tpu.memory_space<hbm>>
      %dma_wait3A_145 = arith.constant 0 : i32
      %dma_wait3A_146 = tpu.memref_slice %arg2[%mul3A_45, %dma_wait3A_145] : memref<2560x125xi32, #tpu.memory_space<hbm>> -> memref<80x125xi32, #tpu.memory_space<hbm>>
      tpu.wait_dma2 semaphore(%run_scoped3A : memref<!tpu.dma_semaphore, #tpu.memory_space<semaphore_mem>>) src(%dma_wait3A_146 : memref<80x125xi32, #tpu.memory_space<hbm>>) dst(%arg5 : memref<80x125xi32, #tpu.memory_space<vmem>>)
      tpu.yield
    }) : () -> ()
    %scan3A_46 = arith.constant 0 : i32
    %scan3A_47 = arith.constant 0 : i32
    %scan3A_48 = arith.constant 80 : i32
    %scan3A_49 = arith.addi %scan3A_47, %scan3A_48 : i32
    %scan3A_50 = arith.constant 1 : i32
    scf.for %scan3A_140 = %scan3A_47 to %scan3A_49 step %scan3A_50  : i32 {
      %dma_start3A = arith.constant 0 : i32
      %dma_start3A_141 = tpu.memref_slice %arg6[%dma_start3A] : memref<128xf32, #tpu.memory_space<vmem>> -> memref<125xf32, #tpu.memory_space<vmem>>
      %dma_start3A_142 = arith.constant 0 : i32
      %dma_start3A_143 = tpu.memref_slice %arg5[%scan3A_140, %dma_start3A_142] : memref<80x125xi32, #tpu.memory_space<vmem>> -> memref<1x125xi32, #tpu.memory_space<vmem>>
      %dma_start3A_144 = tpu.memref_squeeze %dma_start3A_143 : memref<1x125xi32, #tpu.memory_space<vmem>> -> memref<125xi32, #tpu.memory_space<vmem>>
      %dma_start3A_145 = arith.constant 0 : i32
      %dma_start3A_146 = tpu.memref_slice %arg8[%dma_start3A_145] : memref<10240xf32, #tpu.memory_space<vmem_shared>> -> memref<10240xf32, #tpu.memory_space<vmem_shared>>
      tpu.enqueue_indirect_dma source(%dma_start3A_141 : memref<125xf32, #tpu.memory_space<vmem>>) target(%dma_start3A_146 : memref<10240xf32, #tpu.memory_space<vmem_shared>>) offsets(%dma_start3A_144 : memref<125xi32, #tpu.memory_space<vmem>>) semaphore(%arg10 : memref<!tpu.dma_semaphore, #tpu.memory_space<semaphore_mem>>) {add = true}
      %ge3A = arith.constant 4 : i32
      %ge3A_147 = arith.cmpi sge, %scan3A_140, %ge3A : i32
      %convert_element_type3A = arith.extui %ge3A_147 : i1 to i32
      %cond3A = arith.constant 0 : i32
      %cond3A_148 = arith.cmpi ne, %convert_element_type3A, %cond3A : i32
      scf.if %cond3A_148 {
        %dma_wait3A_149 = arith.constant 0 : i32
        %dma_wait3A_150 = arith.constant 0 : i32
        %dma_wait3A_151 = tpu.memref_slice %arg6[%dma_wait3A_150] : memref<128xf32, #tpu.memory_space<vmem>> -> memref<125xf32, #tpu.memory_space<vmem>>
        %dma_wait3A_152 = arith.constant 0 : i32
        %dma_wait3A_153 = tpu.memref_slice %arg5[%dma_wait3A_149, %dma_wait3A_152] : memref<80x125xi32, #tpu.memory_space<vmem>> -> memref<1x125xi32, #tpu.memory_space<vmem>>
        %dma_wait3A_154 = tpu.memref_squeeze %dma_wait3A_153 : memref<1x125xi32, #tpu.memory_space<vmem>> -> memref<125xi32, #tpu.memory_space<vmem>>
        %dma_wait3A_155 = arith.constant 0 : i32
        %dma_wait3A_156 = tpu.memref_slice %arg8[%dma_wait3A_155] : memref<10240xf32, #tpu.memory_space<vmem_shared>> -> memref<10240xf32, #tpu.memory_space<vmem_shared>>
        tpu.wait_indirect_dma semaphore(%arg10 : memref<!tpu.dma_semaphore, #tpu.memory_space<semaphore_mem>>) src(%dma_wait3A_151 : memref<125xf32, #tpu.memory_space<vmem>>) dst(%dma_wait3A_156 : memref<10240xf32, #tpu.memory_space<vmem_shared>>)
      } else {
      }
    }
    %scan3A_51 = arith.constant 80 : i32
    %dma_wait3A = arith.constant 0 : i32
    %dma_wait3A_52 = arith.constant 0 : i32
    %dma_wait3A_53 = tpu.memref_slice %arg6[%dma_wait3A_52] : memref<128xf32, #tpu.memory_space<vmem>> -> memref<125xf32, #tpu.memory_space<vmem>>
    %dma_wait3A_54 = arith.constant 0 : i32
    %dma_wait3A_55 = tpu.memref_slice %arg5[%dma_wait3A, %dma_wait3A_54] : memref<80x125xi32, #tpu.memory_space<vmem>> -> memref<1x125xi32, #tpu.memory_space<vmem>>
    %dma_wait3A_56 = tpu.memref_squeeze %dma_wait3A_55 : memref<1x125xi32, #tpu.memory_space<vmem>> -> memref<125xi32, #tpu.memory_space<vmem>>
    %dma_wait3A_57 = arith.constant 0 : i32
    %dma_wait3A_58 = tpu.memref_slice %arg8[%dma_wait3A_57] : memref<10240xf32, #tpu.memory_space<vmem_shared>> -> memref<10240xf32, #tpu.memory_space<vmem_shared>>
    tpu.wait_indirect_dma semaphore(%arg10 : memref<!tpu.dma_semaphore, #tpu.memory_space<semaphore_mem>>) src(%dma_wait3A_53 : memref<125xf32, #tpu.memory_space<vmem>>) dst(%dma_wait3A_58 : memref<10240xf32, #tpu.memory_space<vmem_shared>>)
    %dma_wait3A_59 = arith.constant 0 : i32
    %dma_wait3A_60 = arith.constant 0 : i32
    %dma_wait3A_61 = tpu.memref_slice %arg6[%dma_wait3A_60] : memref<128xf32, #tpu.memory_space<vmem>> -> memref<125xf32, #tpu.memory_space<vmem>>
    %dma_wait3A_62 = arith.constant 0 : i32
    %dma_wait3A_63 = tpu.memref_slice %arg5[%dma_wait3A_59, %dma_wait3A_62] : memref<80x125xi32, #tpu.memory_space<vmem>> -> memref<1x125xi32, #tpu.memory_space<vmem>>
    %dma_wait3A_64 = tpu.memref_squeeze %dma_wait3A_63 : memref<1x125xi32, #tpu.memory_space<vmem>> -> memref<125xi32, #tpu.memory_space<vmem>>
    %dma_wait3A_65 = arith.constant 0 : i32
    %dma_wait3A_66 = tpu.memref_slice %arg8[%dma_wait3A_65] : memref<10240xf32, #tpu.memory_space<vmem_shared>> -> memref<10240xf32, #tpu.memory_space<vmem_shared>>
    tpu.wait_indirect_dma semaphore(%arg10 : memref<!tpu.dma_semaphore, #tpu.memory_space<semaphore_mem>>) src(%dma_wait3A_61 : memref<125xf32, #tpu.memory_space<vmem>>) dst(%dma_wait3A_66 : memref<10240xf32, #tpu.memory_space<vmem_shared>>)
    %dma_wait3A_67 = arith.constant 0 : i32
    %dma_wait3A_68 = arith.constant 0 : i32
    %dma_wait3A_69 = tpu.memref_slice %arg6[%dma_wait3A_68] : memref<128xf32, #tpu.memory_space<vmem>> -> memref<125xf32, #tpu.memory_space<vmem>>
    %dma_wait3A_70 = arith.constant 0 : i32
    %dma_wait3A_71 = tpu.memref_slice %arg5[%dma_wait3A_67, %dma_wait3A_70] : memref<80x125xi32, #tpu.memory_space<vmem>> -> memref<1x125xi32, #tpu.memory_space<vmem>>
    %dma_wait3A_72 = tpu.memref_squeeze %dma_wait3A_71 : memref<1x125xi32, #tpu.memory_space<vmem>> -> memref<125xi32, #tpu.memory_space<vmem>>
    %dma_wait3A_73 = arith.constant 0 : i32
    %dma_wait3A_74 = tpu.memref_slice %arg8[%dma_wait3A_73] : memref<10240xf32, #tpu.memory_space<vmem_shared>> -> memref<10240xf32, #tpu.memory_space<vmem_shared>>
    tpu.wait_indirect_dma semaphore(%arg10 : memref<!tpu.dma_semaphore, #tpu.memory_space<semaphore_mem>>) src(%dma_wait3A_69 : memref<125xf32, #tpu.memory_space<vmem>>) dst(%dma_wait3A_74 : memref<10240xf32, #tpu.memory_space<vmem_shared>>)
    %dma_wait3A_75 = arith.constant 0 : i32
    %dma_wait3A_76 = arith.constant 0 : i32
    %dma_wait3A_77 = tpu.memref_slice %arg6[%dma_wait3A_76] : memref<128xf32, #tpu.memory_space<vmem>> -> memref<125xf32, #tpu.memory_space<vmem>>
    %dma_wait3A_78 = arith.constant 0 : i32
    %dma_wait3A_79 = tpu.memref_slice %arg5[%dma_wait3A_75, %dma_wait3A_78] : memref<80x125xi32, #tpu.memory_space<vmem>> -> memref<1x125xi32, #tpu.memory_space<vmem>>
    %dma_wait3A_80 = tpu.memref_squeeze %dma_wait3A_79 : memref<1x125xi32, #tpu.memory_space<vmem>> -> memref<125xi32, #tpu.memory_space<vmem>>
    %dma_wait3A_81 = arith.constant 0 : i32
    %dma_wait3A_82 = tpu.memref_slice %arg8[%dma_wait3A_81] : memref<10240xf32, #tpu.memory_space<vmem_shared>> -> memref<10240xf32, #tpu.memory_space<vmem_shared>>
    tpu.wait_indirect_dma semaphore(%arg10 : memref<!tpu.dma_semaphore, #tpu.memory_space<semaphore_mem>>) src(%dma_wait3A_77 : memref<125xf32, #tpu.memory_space<vmem>>) dst(%dma_wait3A_82 : memref<10240xf32, #tpu.memory_space<vmem_shared>>)
    %mul3A_83 = arith.constant 80 : i32
    %mul3A_84 = arith.muli %add3A, %mul3A_83 : i32
    "tpu.region"() ({
      %run_scoped3A = tpu.sem_alloc : memref<!tpu.dma_semaphore, #tpu.memory_space<semaphore_mem>>
      %dma_start3A = arith.constant 0 : i32
      %dma_start3A_140 = tpu.memref_slice %arg3[%mul3A_84, %dma_start3A] : memref<2560x125xi32, #tpu.memory_space<hbm>> -> memref<80x125xi32, #tpu.memory_space<hbm>>
      %dma_start3A_141 = arith.constant 0 : i32
      %dma_start3A_142 = tpu.memref_slice %arg3[%mul3A_84, %dma_start3A_141] : memref<2560x125xi32, #tpu.memory_space<hbm>> -> memref<80x125xi32, #tpu.memory_space<hbm>>
      tpu.enqueue_dma source(%dma_start3A_142 : memref<80x125xi32, #tpu.memory_space<hbm>>) target(%arg5 : memref<80x125xi32, #tpu.memory_space<vmem>>) target_semaphore(%run_scoped3A : memref<!tpu.dma_semaphore, #tpu.memory_space<semaphore_mem>>)
      %dma_wait3A_143 = arith.constant 0 : i32
      %dma_wait3A_144 = tpu.memref_slice %arg3[%mul3A_84, %dma_wait3A_143] : memref<2560x125xi32, #tpu.memory_space<hbm>> -> memref<80x125xi32, #tpu.memory_space<hbm>>
      %dma_wait3A_145 = arith.constant 0 : i32
      %dma_wait3A_146 = tpu.memref_slice %arg3[%mul3A_84, %dma_wait3A_145] : memref<2560x125xi32, #tpu.memory_space<hbm>> -> memref<80x125xi32, #tpu.memory_space<hbm>>
      tpu.wait_dma2 semaphore(%run_scoped3A : memref<!tpu.dma_semaphore, #tpu.memory_space<semaphore_mem>>) src(%dma_wait3A_146 : memref<80x125xi32, #tpu.memory_space<hbm>>) dst(%arg5 : memref<80x125xi32, #tpu.memory_space<vmem>>)
      tpu.yield
    }) : () -> ()
    %scan3A_85 = arith.constant 0 : i32
    %scan3A_86 = arith.constant 0 : i32
    %scan3A_87 = arith.constant 80 : i32
    %scan3A_88 = arith.addi %scan3A_86, %scan3A_87 : i32
    %scan3A_89 = arith.constant 1 : i32
    scf.for %scan3A_140 = %scan3A_86 to %scan3A_88 step %scan3A_89  : i32 {
      %dma_start3A = arith.constant 0 : i32
      %dma_start3A_141 = tpu.memref_slice %arg6[%dma_start3A] : memref<128xf32, #tpu.memory_space<vmem>> -> memref<125xf32, #tpu.memory_space<vmem>>
      %dma_start3A_142 = arith.constant 0 : i32
      %dma_start3A_143 = tpu.memref_slice %arg5[%scan3A_140, %dma_start3A_142] : memref<80x125xi32, #tpu.memory_space<vmem>> -> memref<1x125xi32, #tpu.memory_space<vmem>>
      %dma_start3A_144 = tpu.memref_squeeze %dma_start3A_143 : memref<1x125xi32, #tpu.memory_space<vmem>> -> memref<125xi32, #tpu.memory_space<vmem>>
      %dma_start3A_145 = arith.constant 0 : i32
      %dma_start3A_146 = tpu.memref_slice %arg9[%dma_start3A_145] : memref<10240xf32, #tpu.memory_space<vmem_shared>> -> memref<10240xf32, #tpu.memory_space<vmem_shared>>
      tpu.enqueue_indirect_dma source(%dma_start3A_141 : memref<125xf32, #tpu.memory_space<vmem>>) target(%dma_start3A_146 : memref<10240xf32, #tpu.memory_space<vmem_shared>>) offsets(%dma_start3A_144 : memref<125xi32, #tpu.memory_space<vmem>>) semaphore(%arg10 : memref<!tpu.dma_semaphore, #tpu.memory_space<semaphore_mem>>) {add = true}
      %ge3A = arith.constant 4 : i32
      %ge3A_147 = arith.cmpi sge, %scan3A_140, %ge3A : i32
      %convert_element_type3A = arith.extui %ge3A_147 : i1 to i32
      %cond3A = arith.constant 0 : i32
      %cond3A_148 = arith.cmpi ne, %convert_element_type3A, %cond3A : i32
      scf.if %cond3A_148 {
        %dma_wait3A_149 = arith.constant 0 : i32
        %dma_wait3A_150 = arith.constant 0 : i32
        %dma_wait3A_151 = tpu.memref_slice %arg6[%dma_wait3A_150] : memref<128xf32, #tpu.memory_space<vmem>> -> memref<125xf32, #tpu.memory_space<vmem>>
        %dma_wait3A_152 = arith.constant 0 : i32
        %dma_wait3A_153 = tpu.memref_slice %arg5[%dma_wait3A_149, %dma_wait3A_152] : memref<80x125xi32, #tpu.memory_space<vmem>> -> memref<1x125xi32, #tpu.memory_space<vmem>>
        %dma_wait3A_154 = tpu.memref_squeeze %dma_wait3A_153 : memref<1x125xi32, #tpu.memory_space<vmem>> -> memref<125xi32, #tpu.memory_space<vmem>>
        %dma_wait3A_155 = arith.constant 0 : i32
        %dma_wait3A_156 = tpu.memref_slice %arg9[%dma_wait3A_155] : memref<10240xf32, #tpu.memory_space<vmem_shared>> -> memref<10240xf32, #tpu.memory_space<vmem_shared>>
        tpu.wait_indirect_dma semaphore(%arg10 : memref<!tpu.dma_semaphore, #tpu.memory_space<semaphore_mem>>) src(%dma_wait3A_151 : memref<125xf32, #tpu.memory_space<vmem>>) dst(%dma_wait3A_156 : memref<10240xf32, #tpu.memory_space<vmem_shared>>)
      } else {
      }
    }
    %scan3A_90 = arith.constant 80 : i32
    %dma_wait3A_91 = arith.constant 0 : i32
    %dma_wait3A_92 = arith.constant 0 : i32
    %dma_wait3A_93 = tpu.memref_slice %arg6[%dma_wait3A_92] : memref<128xf32, #tpu.memory_space<vmem>> -> memref<125xf32, #tpu.memory_space<vmem>>
    %dma_wait3A_94 = arith.constant 0 : i32
    %dma_wait3A_95 = tpu.memref_slice %arg5[%dma_wait3A_91, %dma_wait3A_94] : memref<80x125xi32, #tpu.memory_space<vmem>> -> memref<1x125xi32, #tpu.memory_space<vmem>>
    %dma_wait3A_96 = tpu.memref_squeeze %dma_wait3A_95 : memref<1x125xi32, #tpu.memory_space<vmem>> -> memref<125xi32, #tpu.memory_space<vmem>>
    %dma_wait3A_97 = arith.constant 0 : i32
    %dma_wait3A_98 = tpu.memref_slice %arg9[%dma_wait3A_97] : memref<10240xf32, #tpu.memory_space<vmem_shared>> -> memref<10240xf32, #tpu.memory_space<vmem_shared>>
    tpu.wait_indirect_dma semaphore(%arg10 : memref<!tpu.dma_semaphore, #tpu.memory_space<semaphore_mem>>) src(%dma_wait3A_93 : memref<125xf32, #tpu.memory_space<vmem>>) dst(%dma_wait3A_98 : memref<10240xf32, #tpu.memory_space<vmem_shared>>)
    %dma_wait3A_99 = arith.constant 0 : i32
    %dma_wait3A_100 = arith.constant 0 : i32
    %dma_wait3A_101 = tpu.memref_slice %arg6[%dma_wait3A_100] : memref<128xf32, #tpu.memory_space<vmem>> -> memref<125xf32, #tpu.memory_space<vmem>>
    %dma_wait3A_102 = arith.constant 0 : i32
    %dma_wait3A_103 = tpu.memref_slice %arg5[%dma_wait3A_99, %dma_wait3A_102] : memref<80x125xi32, #tpu.memory_space<vmem>> -> memref<1x125xi32, #tpu.memory_space<vmem>>
    %dma_wait3A_104 = tpu.memref_squeeze %dma_wait3A_103 : memref<1x125xi32, #tpu.memory_space<vmem>> -> memref<125xi32, #tpu.memory_space<vmem>>
    %dma_wait3A_105 = arith.constant 0 : i32
    %dma_wait3A_106 = tpu.memref_slice %arg9[%dma_wait3A_105] : memref<10240xf32, #tpu.memory_space<vmem_shared>> -> memref<10240xf32, #tpu.memory_space<vmem_shared>>
    tpu.wait_indirect_dma semaphore(%arg10 : memref<!tpu.dma_semaphore, #tpu.memory_space<semaphore_mem>>) src(%dma_wait3A_101 : memref<125xf32, #tpu.memory_space<vmem>>) dst(%dma_wait3A_106 : memref<10240xf32, #tpu.memory_space<vmem_shared>>)
    %dma_wait3A_107 = arith.constant 0 : i32
    %dma_wait3A_108 = arith.constant 0 : i32
    %dma_wait3A_109 = tpu.memref_slice %arg6[%dma_wait3A_108] : memref<128xf32, #tpu.memory_space<vmem>> -> memref<125xf32, #tpu.memory_space<vmem>>
    %dma_wait3A_110 = arith.constant 0 : i32
    %dma_wait3A_111 = tpu.memref_slice %arg5[%dma_wait3A_107, %dma_wait3A_110] : memref<80x125xi32, #tpu.memory_space<vmem>> -> memref<1x125xi32, #tpu.memory_space<vmem>>
    %dma_wait3A_112 = tpu.memref_squeeze %dma_wait3A_111 : memref<1x125xi32, #tpu.memory_space<vmem>> -> memref<125xi32, #tpu.memory_space<vmem>>
    %dma_wait3A_113 = arith.constant 0 : i32
    %dma_wait3A_114 = tpu.memref_slice %arg9[%dma_wait3A_113] : memref<10240xf32, #tpu.memory_space<vmem_shared>> -> memref<10240xf32, #tpu.memory_space<vmem_shared>>
    tpu.wait_indirect_dma semaphore(%arg10 : memref<!tpu.dma_semaphore, #tpu.memory_space<semaphore_mem>>) src(%dma_wait3A_109 : memref<125xf32, #tpu.memory_space<vmem>>) dst(%dma_wait3A_114 : memref<10240xf32, #tpu.memory_space<vmem_shared>>)
    %dma_wait3A_115 = arith.constant 0 : i32
    %dma_wait3A_116 = arith.constant 0 : i32
    %dma_wait3A_117 = tpu.memref_slice %arg6[%dma_wait3A_116] : memref<128xf32, #tpu.memory_space<vmem>> -> memref<125xf32, #tpu.memory_space<vmem>>
    %dma_wait3A_118 = arith.constant 0 : i32
    %dma_wait3A_119 = tpu.memref_slice %arg5[%dma_wait3A_115, %dma_wait3A_118] : memref<80x125xi32, #tpu.memory_space<vmem>> -> memref<1x125xi32, #tpu.memory_space<vmem>>
    %dma_wait3A_120 = tpu.memref_squeeze %dma_wait3A_119 : memref<1x125xi32, #tpu.memory_space<vmem>> -> memref<125xi32, #tpu.memory_space<vmem>>
    %dma_wait3A_121 = arith.constant 0 : i32
    %dma_wait3A_122 = tpu.memref_slice %arg9[%dma_wait3A_121] : memref<10240xf32, #tpu.memory_space<vmem_shared>> -> memref<10240xf32, #tpu.memory_space<vmem_shared>>
    tpu.wait_indirect_dma semaphore(%arg10 : memref<!tpu.dma_semaphore, #tpu.memory_space<semaphore_mem>>) src(%dma_wait3A_117 : memref<125xf32, #tpu.memory_space<vmem>>) dst(%dma_wait3A_122 : memref<10240xf32, #tpu.memory_space<vmem_shared>>)
    %barrier3A_123 = arith.constant 0 : index
    tpu.barrier barrier_id(%barrier3A_123)
    %mul3A_124 = arith.constant 640 : i32
    %mul3A_125 = arith.muli %arg1, %mul3A_124 : i32
    %mul3A_126 = arith.constant 10240 : i32
    %mul3A_127 = arith.muli %arg0, %mul3A_126 : i32
    %mul3A_128 = arith.constant 640 : i32
    %mul3A_129 = arith.muli %arg1, %mul3A_128 : i32
    %add3A_130 = arith.addi %mul3A_127, %mul3A_129 : i32
    "tpu.region"() ({
      %run_scoped3A = tpu.sem_alloc : memref<!tpu.dma_semaphore, #tpu.memory_space<semaphore_mem>>
      %dma_start3A = tpu.memref_slice %arg4[%add3A_130] : memref<40960xf32, #tpu.memory_space<hbm>> -> memref<640xf32, #tpu.memory_space<hbm>>
      %dma_start3A_140 = tpu.memref_slice %arg8[%mul3A_125] : memref<10240xf32, #tpu.memory_space<vmem_shared>> -> memref<640xf32, #tpu.memory_space<vmem_shared>>
      tpu.enqueue_dma source(%dma_start3A_140 : memref<640xf32, #tpu.memory_space<vmem_shared>>) target(%dma_start3A : memref<640xf32, #tpu.memory_space<hbm>>) target_semaphore(%run_scoped3A : memref<!tpu.dma_semaphore, #tpu.memory_space<semaphore_mem>>)
      %dma_wait3A_141 = tpu.memref_slice %arg4[%add3A_130] : memref<40960xf32, #tpu.memory_space<hbm>> -> memref<640xf32, #tpu.memory_space<hbm>>
      %dma_wait3A_142 = tpu.memref_slice %arg8[%mul3A_125] : memref<10240xf32, #tpu.memory_space<vmem_shared>> -> memref<640xf32, #tpu.memory_space<vmem_shared>>
      tpu.wait_dma2 semaphore(%run_scoped3A : memref<!tpu.dma_semaphore, #tpu.memory_space<semaphore_mem>>) src(%dma_wait3A_142 : memref<640xf32, #tpu.memory_space<vmem_shared>>) dst(%dma_wait3A_141 : memref<640xf32, #tpu.memory_space<hbm>>)
      tpu.yield
    }) : () -> ()
    %mul3A_131 = arith.constant 640 : i32
    %mul3A_132 = arith.muli %arg1, %mul3A_131 : i32
    %add3A_133 = arith.constant 2 : i32
    %add3A_134 = arith.addi %add3A_133, %arg0 : i32
    %mul3A_135 = arith.constant 10240 : i32
    %mul3A_136 = arith.muli %add3A_134, %mul3A_135 : i32
    %mul3A_137 = arith.constant 640 : i32
    %mul3A_138 = arith.muli %arg1, %mul3A_137 : i32
    %add3A_139 = arith.addi %mul3A_136, %mul3A_138 : i32
    "tpu.region"() ({
      %run_scoped3A = tpu.sem_alloc : memref<!tpu.dma_semaphore, #tpu.memory_space<semaphore_mem>>
      %dma_start3A = tpu.memref_slice %arg4[%add3A_139] : memref<40960xf32, #tpu.memory_space<hbm>> -> memref<640xf32, #tpu.memory_space<hbm>>
      %dma_start3A_140 = tpu.memref_slice %arg9[%mul3A_132] : memref<10240xf32, #tpu.memory_space<vmem_shared>> -> memref<640xf32, #tpu.memory_space<vmem_shared>>
      tpu.enqueue_dma source(%dma_start3A_140 : memref<640xf32, #tpu.memory_space<vmem_shared>>) target(%dma_start3A : memref<640xf32, #tpu.memory_space<hbm>>) target_semaphore(%run_scoped3A : memref<!tpu.dma_semaphore, #tpu.memory_space<semaphore_mem>>)
      %dma_wait3A_141 = tpu.memref_slice %arg4[%add3A_139] : memref<40960xf32, #tpu.memory_space<hbm>> -> memref<640xf32, #tpu.memory_space<hbm>>
      %dma_wait3A_142 = tpu.memref_slice %arg9[%mul3A_132] : memref<10240xf32, #tpu.memory_space<vmem_shared>> -> memref<640xf32, #tpu.memory_space<vmem_shared>>
      tpu.wait_dma2 semaphore(%run_scoped3A : memref<!tpu.dma_semaphore, #tpu.memory_space<semaphore_mem>>) src(%dma_wait3A_142 : memref<640xf32, #tpu.memory_space<vmem_shared>>) dst(%dma_wait3A_141 : memref<640xf32, #tpu.memory_space<hbm>>)
      tpu.yield
    }) : () -> ()
    return
  }
}

#map = affine_map<(d0, d1) -> (0, 0)>
#map1 = affine_map<(d0, d1) -> (0, 0, 0)>
module attributes {stable_mosaic.version = 14 : i64} {
  func.func @_agg_body(%arg0: i32, %arg1: i32, %arg2: memref<2560x125xi32, #tpu.memory_space<hbm>>, %arg3: memref<2560x125xi32, #tpu.memory_space<hbm>>, %arg4: memref<10000x128xf32, #tpu.memory_space<hbm>>, %arg5: memref<2x10240x128xf32, #tpu.memory_space<hbm>>, %arg6: memref<40x125xi32, #tpu.memory_space<vmem>>, %arg7: memref<40x125xi32, #tpu.memory_space<vmem>>, %arg8: memref<2x125x128xf32, #tpu.memory_space<vmem>>, %arg9: memref<10240x128xf32, #tpu.memory_space<vmem_shared>>, %arg10: memref<2x!tpu.dma_semaphore, #tpu.memory_space<semaphore_mem>>, %arg11: memref<2x!tpu.dma_semaphore, #tpu.memory_space<semaphore_mem>>) attributes {dimension_semantics = [#tpu.dimension_semantics<core_parallel>, #tpu.dimension_semantics<subcore_parallel>], iteration_bounds = array<i64: 2, 16>, scalar_prefetch = 0 : i64, scratch_operands = 6 : i64, tpu.core_type = #tpu.core_type<sc_vector_subcore>, window_params = [{transform_indices = #map}, {transform_indices = #map}, {transform_indices = #map}, {transform_indices = #map1}]} {
    %mul3A = arith.constant 16 : i32
    %mul3A_0 = arith.muli %arg0, %mul3A : i32
    %add3A = arith.addi %mul3A_0, %arg1 : i32
    %broadcast_in_dim3A = arith.constant 0.000000e+00 : f32
    %broadcast_in_dim3A_1 = vector.broadcast %broadcast_in_dim3A : f32 to vector<16xf32>
    %scan3A = arith.constant 0 : i32
    %scan3A_2 = arith.constant 0 : i32
    %scan3A_3 = arith.constant 640 : i32
    %scan3A_4 = arith.addi %scan3A_2, %scan3A_3 : i32
    %scan3A_5 = arith.constant 1 : i32
    scf.for %scan3A_309 = %scan3A_2 to %scan3A_4 step %scan3A_5  : i32 {
      %jit3A = arith.constant 8 : i32
      %div3A = arith.divsi %scan3A_309, %jit3A : i32
      %sign3A = arith.constant 0 : i32
      %sign3A_310 = arith.cmpi sgt, %scan3A_309, %sign3A : i32
      %sign3A_311 = arith.extui %sign3A_310 : i1 to i32
      %sign3A_312 = arith.constant 0 : i32
      %sign3A_313 = arith.cmpi slt, %scan3A_309, %sign3A_312 : i32
      %sign3A_314 = arith.extui %sign3A_313 : i1 to i32
      %sign3A_315 = arith.subi %sign3A_311, %sign3A_314 : i32
      %sign3A_316 = arith.constant 0 : i32
      %sign3A_317 = arith.cmpi sgt, %jit3A, %sign3A_316 : i32
      %sign3A_318 = arith.extui %sign3A_317 : i1 to i32
      %sign3A_319 = arith.constant 0 : i32
      %sign3A_320 = arith.cmpi slt, %jit3A, %sign3A_319 : i32
      %sign3A_321 = arith.extui %sign3A_320 : i1 to i32
      %sign3A_322 = arith.subi %sign3A_318, %sign3A_321 : i32
      %ne3A = arith.cmpi ne, %sign3A_315, %sign3A_322 : i32
      %rem3A = arith.remsi %scan3A_309, %jit3A : i32
      %ne3A_323 = arith.constant 0 : i32
      %ne3A_324 = arith.cmpi ne, %rem3A, %ne3A_323 : i32
      %and3A = arith.andi %ne3A, %ne3A_324 : i1
      %sub3A = arith.constant 1 : i32
      %sub3A_325 = arith.subi %div3A, %sub3A : i32
      %select_n3A = arith.select %and3A, %sub3A_325, %div3A : i32
      %jit3A_326 = arith.constant 8 : i32
      %eq3A = arith.constant 0 : i32
      %eq3A_327 = arith.cmpi eq, %jit3A_326, %eq3A : i32
      %jit3A_328 = arith.constant 1 : i32
      %select_n3A_329 = arith.select %eq3A_327, %jit3A_328, %jit3A_326 : i32
      %rem3A_330 = arith.remsi %scan3A_309, %select_n3A_329 : i32
      %ne3A_331 = arith.constant 0 : i32
      %ne3A_332 = arith.cmpi ne, %rem3A_330, %ne3A_331 : i32
      %lt3A = arith.constant 0 : i32
      %lt3A_333 = arith.cmpi slt, %rem3A_330, %lt3A : i32
      %lt3A_334 = arith.constant 0 : i32
      %lt3A_335 = arith.cmpi slt, %select_n3A_329, %lt3A_334 : i32
      %ne3A_336 = arith.xori %lt3A_333, %lt3A_335 : i1
      %and3A_337 = arith.andi %ne3A_336, %ne3A_332 : i1
      %add3A_338 = arith.addi %rem3A_330, %select_n3A_329 : i32
      %select_n3A_339 = arith.select %and3A_337, %add3A_338, %rem3A_330 : i32
      %mul3A_340 = arith.constant 16 : i32
      %mul3A_341 = arith.muli %select_n3A_339, %mul3A_340 : i32
      %swap3A = arith.constant 0 : i32
      %swap3A_342 = arith.index_cast %swap3A : i32 to index
      %swap3A_343 = arith.index_cast %select_n3A : i32 to index
      %swap3A_344 = arith.index_cast %mul3A_341 : i32 to index
      %swap3A_345 = tpu.vector_load %arg8[%swap3A_342, %swap3A_343, %swap3A_344] {strides = array<i32>} : memref<2x125x128xf32, #tpu.memory_space<vmem>>, vector<1x1x16xf32>,
      %swap3A_346 = vector.shape_cast %swap3A_345 : vector<1x1x16xf32> to vector<16xf32>
      %swap3A_347 = vector.shape_cast %broadcast_in_dim3A_1 : vector<16xf32> to vector<1x1x16xf32>
      tpu.vector_store %arg8[%swap3A_342, %swap3A_343, %swap3A_344], %swap3A_347 {strides = array<i32>} : memref<2x125x128xf32, #tpu.memory_space<vmem>>, vector<1x1x16xf32>,
    }
    %scan3A_6 = arith.constant 640 : i32
    %mul3A_7 = arith.constant 640 : i32
    %mul3A_8 = arith.muli %arg1, %mul3A_7 : i32
    %add3A_9 = arith.constant 0 : i32
    %add3A_10 = arith.addi %mul3A_8, %add3A_9 : i32
    %run_scoped3A = arith.constant 0 : i32
    "tpu.region"() ({
      %run_scoped3A_309 = tpu.sem_alloc : memref<!tpu.dma_semaphore, #tpu.memory_space<semaphore_mem>>
      %dma_start3A_310 = arith.constant 0 : i32
      %dma_start3A_311 = arith.constant 0 : i32
      %dma_start3A_312 = tpu.memref_slice %arg8[%run_scoped3A, %dma_start3A_310, %dma_start3A_311] : memref<2x125x128xf32, #tpu.memory_space<vmem>> -> memref<1x80x128xf32, #tpu.memory_space<vmem>>
      %dma_start3A_313 = tpu.memref_squeeze %dma_start3A_312 : memref<1x80x128xf32, #tpu.memory_space<vmem>> -> memref<80x128xf32, #tpu.memory_space<vmem>>
      %dma_start3A_314 = arith.constant 0 : i32
      %dma_start3A_315 = tpu.memref_slice %arg9[%add3A_10, %dma_start3A_314] : memref<10240x128xf32, #tpu.memory_space<vmem_shared>> -> memref<80x128xf32, #tpu.memory_space<vmem_shared>>
      %dma_start3A_316 = arith.constant 0 : i32
      %dma_start3A_317 = tpu.memref_slice %arg9[%add3A_10, %dma_start3A_316] : memref<10240x128xf32, #tpu.memory_space<vmem_shared>> -> memref<80x128xf32, #tpu.memory_space<vmem_shared>>
      %dma_start3A_318 = arith.constant 0 : i32
      %dma_start3A_319 = arith.constant 0 : i32
      %dma_start3A_320 = tpu.memref_slice %arg8[%run_scoped3A, %dma_start3A_318, %dma_start3A_319] : memref<2x125x128xf32, #tpu.memory_space<vmem>> -> memref<1x80x128xf32, #tpu.memory_space<vmem>>
      %dma_start3A_321 = tpu.memref_squeeze %dma_start3A_320 : memref<1x80x128xf32, #tpu.memory_space<vmem>> -> memref<80x128xf32, #tpu.memory_space<vmem>>
      tpu.enqueue_dma source(%dma_start3A_321 : memref<80x128xf32, #tpu.memory_space<vmem>>) target(%dma_start3A_317 : memref<80x128xf32, #tpu.memory_space<vmem_shared>>) target_semaphore(%run_scoped3A_309 : memref<!tpu.dma_semaphore, #tpu.memory_space<semaphore_mem>>)
      %dma_wait3A_322 = arith.constant 0 : i32
      %dma_wait3A_323 = arith.constant 0 : i32
      %dma_wait3A_324 = tpu.memref_slice %arg8[%run_scoped3A, %dma_wait3A_322, %dma_wait3A_323] : memref<2x125x128xf32, #tpu.memory_space<vmem>> -> memref<1x80x128xf32, #tpu.memory_space<vmem>>
      %dma_wait3A_325 = tpu.memref_squeeze %dma_wait3A_324 : memref<1x80x128xf32, #tpu.memory_space<vmem>> -> memref<80x128xf32, #tpu.memory_space<vmem>>
      %dma_wait3A_326 = arith.constant 0 : i32
      %dma_wait3A_327 = tpu.memref_slice %arg9[%add3A_10, %dma_wait3A_326] : memref<10240x128xf32, #tpu.memory_space<vmem_shared>> -> memref<80x128xf32, #tpu.memory_space<vmem_shared>>
      %dma_wait3A_328 = arith.constant 0 : i32
      %dma_wait3A_329 = tpu.memref_slice %arg9[%add3A_10, %dma_wait3A_328] : memref<10240x128xf32, #tpu.memory_space<vmem_shared>> -> memref<80x128xf32, #tpu.memory_space<vmem_shared>>
      %dma_wait3A_330 = arith.constant 0 : i32
      %dma_wait3A_331 = arith.constant 0 : i32
      %dma_wait3A_332 = tpu.memref_slice %arg8[%run_scoped3A, %dma_wait3A_330, %dma_wait3A_331] : memref<2x125x128xf32, #tpu.memory_space<vmem>> -> memref<1x80x128xf32, #tpu.memory_space<vmem>>
      %dma_wait3A_333 = tpu.memref_squeeze %dma_wait3A_332 : memref<1x80x128xf32, #tpu.memory_space<vmem>> -> memref<80x128xf32, #tpu.memory_space<vmem>>
      tpu.wait_dma2 semaphore(%run_scoped3A_309 : memref<!tpu.dma_semaphore, #tpu.memory_space<semaphore_mem>>) src(%dma_wait3A_333 : memref<80x128xf32, #tpu.memory_space<vmem>>) dst(%dma_wait3A_329 : memref<80x128xf32, #tpu.memory_space<vmem_shared>>)
      tpu.yield
    }) : () -> ()
    %mul3A_11 = arith.constant 640 : i32
    %mul3A_12 = arith.muli %arg1, %mul3A_11 : i32
    %add3A_13 = arith.constant 80 : i32
    %add3A_14 = arith.addi %mul3A_12, %add3A_13 : i32
    %run_scoped3A_15 = arith.constant 0 : i32
    "tpu.region"() ({
      %run_scoped3A_309 = tpu.sem_alloc : memref<!tpu.dma_semaphore, #tpu.memory_space<semaphore_mem>>
      %dma_start3A_310 = arith.constant 0 : i32
      %dma_start3A_311 = arith.constant 0 : i32
      %dma_start3A_312 = tpu.memref_slice %arg8[%run_scoped3A_15, %dma_start3A_310, %dma_start3A_311] : memref<2x125x128xf32, #tpu.memory_space<vmem>> -> memref<1x80x128xf32, #tpu.memory_space<vmem>>
      %dma_start3A_313 = tpu.memref_squeeze %dma_start3A_312 : memref<1x80x128xf32, #tpu.memory_space<vmem>> -> memref<80x128xf32, #tpu.memory_space<vmem>>
      %dma_start3A_314 = arith.constant 0 : i32
      %dma_start3A_315 = tpu.memref_slice %arg9[%add3A_14, %dma_start3A_314] : memref<10240x128xf32, #tpu.memory_space<vmem_shared>> -> memref<80x128xf32, #tpu.memory_space<vmem_shared>>
      %dma_start3A_316 = arith.constant 0 : i32
      %dma_start3A_317 = tpu.memref_slice %arg9[%add3A_14, %dma_start3A_316] : memref<10240x128xf32, #tpu.memory_space<vmem_shared>> -> memref<80x128xf32, #tpu.memory_space<vmem_shared>>
      %dma_start3A_318 = arith.constant 0 : i32
      %dma_start3A_319 = arith.constant 0 : i32
      %dma_start3A_320 = tpu.memref_slice %arg8[%run_scoped3A_15, %dma_start3A_318, %dma_start3A_319] : memref<2x125x128xf32, #tpu.memory_space<vmem>> -> memref<1x80x128xf32, #tpu.memory_space<vmem>>
      %dma_start3A_321 = tpu.memref_squeeze %dma_start3A_320 : memref<1x80x128xf32, #tpu.memory_space<vmem>> -> memref<80x128xf32, #tpu.memory_space<vmem>>
      tpu.enqueue_dma source(%dma_start3A_321 : memref<80x128xf32, #tpu.memory_space<vmem>>) target(%dma_start3A_317 : memref<80x128xf32, #tpu.memory_space<vmem_shared>>) target_semaphore(%run_scoped3A_309 : memref<!tpu.dma_semaphore, #tpu.memory_space<semaphore_mem>>)
      %dma_wait3A_322 = arith.constant 0 : i32
      %dma_wait3A_323 = arith.constant 0 : i32
      %dma_wait3A_324 = tpu.memref_slice %arg8[%run_scoped3A_15, %dma_wait3A_322, %dma_wait3A_323] : memref<2x125x128xf32, #tpu.memory_space<vmem>> -> memref<1x80x128xf32, #tpu.memory_space<vmem>>
      %dma_wait3A_325 = tpu.memref_squeeze %dma_wait3A_324 : memref<1x80x128xf32, #tpu.memory_space<vmem>> -> memref<80x128xf32, #tpu.memory_space<vmem>>
      %dma_wait3A_326 = arith.constant 0 : i32
      %dma_wait3A_327 = tpu.memref_slice %arg9[%add3A_14, %dma_wait3A_326] : memref<10240x128xf32, #tpu.memory_space<vmem_shared>> -> memref<80x128xf32, #tpu.memory_space<vmem_shared>>
      %dma_wait3A_328 = arith.constant 0 : i32
      %dma_wait3A_329 = tpu.memref_slice %arg9[%add3A_14, %dma_wait3A_328] : memref<10240x128xf32, #tpu.memory_space<vmem_shared>> -> memref<80x128xf32, #tpu.memory_space<vmem_shared>>
      %dma_wait3A_330 = arith.constant 0 : i32
      %dma_wait3A_331 = arith.constant 0 : i32
      %dma_wait3A_332 = tpu.memref_slice %arg8[%run_scoped3A_15, %dma_wait3A_330, %dma_wait3A_331] : memref<2x125x128xf32, #tpu.memory_space<vmem>> -> memref<1x80x128xf32, #tpu.memory_space<vmem>>
      %dma_wait3A_333 = tpu.memref_squeeze %dma_wait3A_332 : memref<1x80x128xf32, #tpu.memory_space<vmem>> -> memref<80x128xf32, #tpu.memory_space<vmem>>
      tpu.wait_dma2 semaphore(%run_scoped3A_309 : memref<!tpu.dma_semaphore, #tpu.memory_space<semaphore_mem>>) src(%dma_wait3A_333 : memref<80x128xf32, #tpu.memory_space<vmem>>) dst(%dma_wait3A_329 : memref<80x128xf32, #tpu.memory_space<vmem_shared>>)
      tpu.yield
    }) : () -> ()
    %mul3A_16 = arith.constant 640 : i32
    %mul3A_17 = arith.muli %arg1, %mul3A_16 : i32
    %add3A_18 = arith.constant 160 : i32
    %add3A_19 = arith.addi %mul3A_17, %add3A_18 : i32
    %run_scoped3A_20 = arith.constant 0 : i32
    "tpu.region"() ({
      %run_scoped3A_309 = tpu.sem_alloc : memref<!tpu.dma_semaphore, #tpu.memory_space<semaphore_mem>>
      %dma_start3A_310 = arith.constant 0 : i32
      %dma_start3A_311 = arith.constant 0 : i32
      %dma_start3A_312 = tpu.memref_slice %arg8[%run_scoped3A_20, %dma_start3A_310, %dma_start3A_311] : memref<2x125x128xf32, #tpu.memory_space<vmem>> -> memref<1x80x128xf32, #tpu.memory_space<vmem>>
      %dma_start3A_313 = tpu.memref_squeeze %dma_start3A_312 : memref<1x80x128xf32, #tpu.memory_space<vmem>> -> memref<80x128xf32, #tpu.memory_space<vmem>>
      %dma_start3A_314 = arith.constant 0 : i32
      %dma_start3A_315 = tpu.memref_slice %arg9[%add3A_19, %dma_start3A_314] : memref<10240x128xf32, #tpu.memory_space<vmem_shared>> -> memref<80x128xf32, #tpu.memory_space<vmem_shared>>
      %dma_start3A_316 = arith.constant 0 : i32
      %dma_start3A_317 = tpu.memref_slice %arg9[%add3A_19, %dma_start3A_316] : memref<10240x128xf32, #tpu.memory_space<vmem_shared>> -> memref<80x128xf32, #tpu.memory_space<vmem_shared>>
      %dma_start3A_318 = arith.constant 0 : i32
      %dma_start3A_319 = arith.constant 0 : i32
      %dma_start3A_320 = tpu.memref_slice %arg8[%run_scoped3A_20, %dma_start3A_318, %dma_start3A_319] : memref<2x125x128xf32, #tpu.memory_space<vmem>> -> memref<1x80x128xf32, #tpu.memory_space<vmem>>
      %dma_start3A_321 = tpu.memref_squeeze %dma_start3A_320 : memref<1x80x128xf32, #tpu.memory_space<vmem>> -> memref<80x128xf32, #tpu.memory_space<vmem>>
      tpu.enqueue_dma source(%dma_start3A_321 : memref<80x128xf32, #tpu.memory_space<vmem>>) target(%dma_start3A_317 : memref<80x128xf32, #tpu.memory_space<vmem_shared>>) target_semaphore(%run_scoped3A_309 : memref<!tpu.dma_semaphore, #tpu.memory_space<semaphore_mem>>)
      %dma_wait3A_322 = arith.constant 0 : i32
      %dma_wait3A_323 = arith.constant 0 : i32
      %dma_wait3A_324 = tpu.memref_slice %arg8[%run_scoped3A_20, %dma_wait3A_322, %dma_wait3A_323] : memref<2x125x128xf32, #tpu.memory_space<vmem>> -> memref<1x80x128xf32, #tpu.memory_space<vmem>>
      %dma_wait3A_325 = tpu.memref_squeeze %dma_wait3A_324 : memref<1x80x128xf32, #tpu.memory_space<vmem>> -> memref<80x128xf32, #tpu.memory_space<vmem>>
      %dma_wait3A_326 = arith.constant 0 : i32
      %dma_wait3A_327 = tpu.memref_slice %arg9[%add3A_19, %dma_wait3A_326] : memref<10240x128xf32, #tpu.memory_space<vmem_shared>> -> memref<80x128xf32, #tpu.memory_space<vmem_shared>>
      %dma_wait3A_328 = arith.constant 0 : i32
      %dma_wait3A_329 = tpu.memref_slice %arg9[%add3A_19, %dma_wait3A_328] : memref<10240x128xf32, #tpu.memory_space<vmem_shared>> -> memref<80x128xf32, #tpu.memory_space<vmem_shared>>
      %dma_wait3A_330 = arith.constant 0 : i32
      %dma_wait3A_331 = arith.constant 0 : i32
      %dma_wait3A_332 = tpu.memref_slice %arg8[%run_scoped3A_20, %dma_wait3A_330, %dma_wait3A_331] : memref<2x125x128xf32, #tpu.memory_space<vmem>> -> memref<1x80x128xf32, #tpu.memory_space<vmem>>
      %dma_wait3A_333 = tpu.memref_squeeze %dma_wait3A_332 : memref<1x80x128xf32, #tpu.memory_space<vmem>> -> memref<80x128xf32, #tpu.memory_space<vmem>>
      tpu.wait_dma2 semaphore(%run_scoped3A_309 : memref<!tpu.dma_semaphore, #tpu.memory_space<semaphore_mem>>) src(%dma_wait3A_333 : memref<80x128xf32, #tpu.memory_space<vmem>>) dst(%dma_wait3A_329 : memref<80x128xf32, #tpu.memory_space<vmem_shared>>)
      tpu.yield
    }) : () -> ()
    %mul3A_21 = arith.constant 640 : i32
    %mul3A_22 = arith.muli %arg1, %mul3A_21 : i32
    %add3A_23 = arith.constant 240 : i32
    %add3A_24 = arith.addi %mul3A_22, %add3A_23 : i32
    %run_scoped3A_25 = arith.constant 0 : i32
    "tpu.region"() ({
      %run_scoped3A_309 = tpu.sem_alloc : memref<!tpu.dma_semaphore, #tpu.memory_space<semaphore_mem>>
      %dma_start3A_310 = arith.constant 0 : i32
      %dma_start3A_311 = arith.constant 0 : i32
      %dma_start3A_312 = tpu.memref_slice %arg8[%run_scoped3A_25, %dma_start3A_310, %dma_start3A_311] : memref<2x125x128xf32, #tpu.memory_space<vmem>> -> memref<1x80x128xf32, #tpu.memory_space<vmem>>
      %dma_start3A_313 = tpu.memref_squeeze %dma_start3A_312 : memref<1x80x128xf32, #tpu.memory_space<vmem>> -> memref<80x128xf32, #tpu.memory_space<vmem>>
      %dma_start3A_314 = arith.constant 0 : i32
      %dma_start3A_315 = tpu.memref_slice %arg9[%add3A_24, %dma_start3A_314] : memref<10240x128xf32, #tpu.memory_space<vmem_shared>> -> memref<80x128xf32, #tpu.memory_space<vmem_shared>>
      %dma_start3A_316 = arith.constant 0 : i32
      %dma_start3A_317 = tpu.memref_slice %arg9[%add3A_24, %dma_start3A_316] : memref<10240x128xf32, #tpu.memory_space<vmem_shared>> -> memref<80x128xf32, #tpu.memory_space<vmem_shared>>
      %dma_start3A_318 = arith.constant 0 : i32
      %dma_start3A_319 = arith.constant 0 : i32
      %dma_start3A_320 = tpu.memref_slice %arg8[%run_scoped3A_25, %dma_start3A_318, %dma_start3A_319] : memref<2x125x128xf32, #tpu.memory_space<vmem>> -> memref<1x80x128xf32, #tpu.memory_space<vmem>>
      %dma_start3A_321 = tpu.memref_squeeze %dma_start3A_320 : memref<1x80x128xf32, #tpu.memory_space<vmem>> -> memref<80x128xf32, #tpu.memory_space<vmem>>
      tpu.enqueue_dma source(%dma_start3A_321 : memref<80x128xf32, #tpu.memory_space<vmem>>) target(%dma_start3A_317 : memref<80x128xf32, #tpu.memory_space<vmem_shared>>) target_semaphore(%run_scoped3A_309 : memref<!tpu.dma_semaphore, #tpu.memory_space<semaphore_mem>>)
      %dma_wait3A_322 = arith.constant 0 : i32
      %dma_wait3A_323 = arith.constant 0 : i32
      %dma_wait3A_324 = tpu.memref_slice %arg8[%run_scoped3A_25, %dma_wait3A_322, %dma_wait3A_323] : memref<2x125x128xf32, #tpu.memory_space<vmem>> -> memref<1x80x128xf32, #tpu.memory_space<vmem>>
      %dma_wait3A_325 = tpu.memref_squeeze %dma_wait3A_324 : memref<1x80x128xf32, #tpu.memory_space<vmem>> -> memref<80x128xf32, #tpu.memory_space<vmem>>
      %dma_wait3A_326 = arith.constant 0 : i32
      %dma_wait3A_327 = tpu.memref_slice %arg9[%add3A_24, %dma_wait3A_326] : memref<10240x128xf32, #tpu.memory_space<vmem_shared>> -> memref<80x128xf32, #tpu.memory_space<vmem_shared>>
      %dma_wait3A_328 = arith.constant 0 : i32
      %dma_wait3A_329 = tpu.memref_slice %arg9[%add3A_24, %dma_wait3A_328] : memref<10240x128xf32, #tpu.memory_space<vmem_shared>> -> memref<80x128xf32, #tpu.memory_space<vmem_shared>>
      %dma_wait3A_330 = arith.constant 0 : i32
      %dma_wait3A_331 = arith.constant 0 : i32
      %dma_wait3A_332 = tpu.memref_slice %arg8[%run_scoped3A_25, %dma_wait3A_330, %dma_wait3A_331] : memref<2x125x128xf32, #tpu.memory_space<vmem>> -> memref<1x80x128xf32, #tpu.memory_space<vmem>>
      %dma_wait3A_333 = tpu.memref_squeeze %dma_wait3A_332 : memref<1x80x128xf32, #tpu.memory_space<vmem>> -> memref<80x128xf32, #tpu.memory_space<vmem>>
      tpu.wait_dma2 semaphore(%run_scoped3A_309 : memref<!tpu.dma_semaphore, #tpu.memory_space<semaphore_mem>>) src(%dma_wait3A_333 : memref<80x128xf32, #tpu.memory_space<vmem>>) dst(%dma_wait3A_329 : memref<80x128xf32, #tpu.memory_space<vmem_shared>>)
      tpu.yield
    }) : () -> ()
    %mul3A_26 = arith.constant 640 : i32
    %mul3A_27 = arith.muli %arg1, %mul3A_26 : i32
    %add3A_28 = arith.constant 320 : i32
    %add3A_29 = arith.addi %mul3A_27, %add3A_28 : i32
    %run_scoped3A_30 = arith.constant 0 : i32
    "tpu.region"() ({
      %run_scoped3A_309 = tpu.sem_alloc : memref<!tpu.dma_semaphore, #tpu.memory_space<semaphore_mem>>
      %dma_start3A_310 = arith.constant 0 : i32
      %dma_start3A_311 = arith.constant 0 : i32
      %dma_start3A_312 = tpu.memref_slice %arg8[%run_scoped3A_30, %dma_start3A_310, %dma_start3A_311] : memref<2x125x128xf32, #tpu.memory_space<vmem>> -> memref<1x80x128xf32, #tpu.memory_space<vmem>>
      %dma_start3A_313 = tpu.memref_squeeze %dma_start3A_312 : memref<1x80x128xf32, #tpu.memory_space<vmem>> -> memref<80x128xf32, #tpu.memory_space<vmem>>
      %dma_start3A_314 = arith.constant 0 : i32
      %dma_start3A_315 = tpu.memref_slice %arg9[%add3A_29, %dma_start3A_314] : memref<10240x128xf32, #tpu.memory_space<vmem_shared>> -> memref<80x128xf32, #tpu.memory_space<vmem_shared>>
      %dma_start3A_316 = arith.constant 0 : i32
      %dma_start3A_317 = tpu.memref_slice %arg9[%add3A_29, %dma_start3A_316] : memref<10240x128xf32, #tpu.memory_space<vmem_shared>> -> memref<80x128xf32, #tpu.memory_space<vmem_shared>>
      %dma_start3A_318 = arith.constant 0 : i32
      %dma_start3A_319 = arith.constant 0 : i32
      %dma_start3A_320 = tpu.memref_slice %arg8[%run_scoped3A_30, %dma_start3A_318, %dma_start3A_319] : memref<2x125x128xf32, #tpu.memory_space<vmem>> -> memref<1x80x128xf32, #tpu.memory_space<vmem>>
      %dma_start3A_321 = tpu.memref_squeeze %dma_start3A_320 : memref<1x80x128xf32, #tpu.memory_space<vmem>> -> memref<80x128xf32, #tpu.memory_space<vmem>>
      tpu.enqueue_dma source(%dma_start3A_321 : memref<80x128xf32, #tpu.memory_space<vmem>>) target(%dma_start3A_317 : memref<80x128xf32, #tpu.memory_space<vmem_shared>>) target_semaphore(%run_scoped3A_309 : memref<!tpu.dma_semaphore, #tpu.memory_space<semaphore_mem>>)
      %dma_wait3A_322 = arith.constant 0 : i32
      %dma_wait3A_323 = arith.constant 0 : i32
      %dma_wait3A_324 = tpu.memref_slice %arg8[%run_scoped3A_30, %dma_wait3A_322, %dma_wait3A_323] : memref<2x125x128xf32, #tpu.memory_space<vmem>> -> memref<1x80x128xf32, #tpu.memory_space<vmem>>
      %dma_wait3A_325 = tpu.memref_squeeze %dma_wait3A_324 : memref<1x80x128xf32, #tpu.memory_space<vmem>> -> memref<80x128xf32, #tpu.memory_space<vmem>>
      %dma_wait3A_326 = arith.constant 0 : i32
      %dma_wait3A_327 = tpu.memref_slice %arg9[%add3A_29, %dma_wait3A_326] : memref<10240x128xf32, #tpu.memory_space<vmem_shared>> -> memref<80x128xf32, #tpu.memory_space<vmem_shared>>
      %dma_wait3A_328 = arith.constant 0 : i32
      %dma_wait3A_329 = tpu.memref_slice %arg9[%add3A_29, %dma_wait3A_328] : memref<10240x128xf32, #tpu.memory_space<vmem_shared>> -> memref<80x128xf32, #tpu.memory_space<vmem_shared>>
      %dma_wait3A_330 = arith.constant 0 : i32
      %dma_wait3A_331 = arith.constant 0 : i32
      %dma_wait3A_332 = tpu.memref_slice %arg8[%run_scoped3A_30, %dma_wait3A_330, %dma_wait3A_331] : memref<2x125x128xf32, #tpu.memory_space<vmem>> -> memref<1x80x128xf32, #tpu.memory_space<vmem>>
      %dma_wait3A_333 = tpu.memref_squeeze %dma_wait3A_332 : memref<1x80x128xf32, #tpu.memory_space<vmem>> -> memref<80x128xf32, #tpu.memory_space<vmem>>
      tpu.wait_dma2 semaphore(%run_scoped3A_309 : memref<!tpu.dma_semaphore, #tpu.memory_space<semaphore_mem>>) src(%dma_wait3A_333 : memref<80x128xf32, #tpu.memory_space<vmem>>) dst(%dma_wait3A_329 : memref<80x128xf32, #tpu.memory_space<vmem_shared>>)
      tpu.yield
    }) : () -> ()
    %mul3A_31 = arith.constant 640 : i32
    %mul3A_32 = arith.muli %arg1, %mul3A_31 : i32
    %add3A_33 = arith.constant 400 : i32
    %add3A_34 = arith.addi %mul3A_32, %add3A_33 : i32
    %run_scoped3A_35 = arith.constant 0 : i32
    "tpu.region"() ({
      %run_scoped3A_309 = tpu.sem_alloc : memref<!tpu.dma_semaphore, #tpu.memory_space<semaphore_mem>>
      %dma_start3A_310 = arith.constant 0 : i32
      %dma_start3A_311 = arith.constant 0 : i32
      %dma_start3A_312 = tpu.memref_slice %arg8[%run_scoped3A_35, %dma_start3A_310, %dma_start3A_311] : memref<2x125x128xf32, #tpu.memory_space<vmem>> -> memref<1x80x128xf32, #tpu.memory_space<vmem>>
      %dma_start3A_313 = tpu.memref_squeeze %dma_start3A_312 : memref<1x80x128xf32, #tpu.memory_space<vmem>> -> memref<80x128xf32, #tpu.memory_space<vmem>>
      %dma_start3A_314 = arith.constant 0 : i32
      %dma_start3A_315 = tpu.memref_slice %arg9[%add3A_34, %dma_start3A_314] : memref<10240x128xf32, #tpu.memory_space<vmem_shared>> -> memref<80x128xf32, #tpu.memory_space<vmem_shared>>
      %dma_start3A_316 = arith.constant 0 : i32
      %dma_start3A_317 = tpu.memref_slice %arg9[%add3A_34, %dma_start3A_316] : memref<10240x128xf32, #tpu.memory_space<vmem_shared>> -> memref<80x128xf32, #tpu.memory_space<vmem_shared>>
      %dma_start3A_318 = arith.constant 0 : i32
      %dma_start3A_319 = arith.constant 0 : i32
      %dma_start3A_320 = tpu.memref_slice %arg8[%run_scoped3A_35, %dma_start3A_318, %dma_start3A_319] : memref<2x125x128xf32, #tpu.memory_space<vmem>> -> memref<1x80x128xf32, #tpu.memory_space<vmem>>
      %dma_start3A_321 = tpu.memref_squeeze %dma_start3A_320 : memref<1x80x128xf32, #tpu.memory_space<vmem>> -> memref<80x128xf32, #tpu.memory_space<vmem>>
      tpu.enqueue_dma source(%dma_start3A_321 : memref<80x128xf32, #tpu.memory_space<vmem>>) target(%dma_start3A_317 : memref<80x128xf32, #tpu.memory_space<vmem_shared>>) target_semaphore(%run_scoped3A_309 : memref<!tpu.dma_semaphore, #tpu.memory_space<semaphore_mem>>)
      %dma_wait3A_322 = arith.constant 0 : i32
      %dma_wait3A_323 = arith.constant 0 : i32
      %dma_wait3A_324 = tpu.memref_slice %arg8[%run_scoped3A_35, %dma_wait3A_322, %dma_wait3A_323] : memref<2x125x128xf32, #tpu.memory_space<vmem>> -> memref<1x80x128xf32, #tpu.memory_space<vmem>>
      %dma_wait3A_325 = tpu.memref_squeeze %dma_wait3A_324 : memref<1x80x128xf32, #tpu.memory_space<vmem>> -> memref<80x128xf32, #tpu.memory_space<vmem>>
      %dma_wait3A_326 = arith.constant 0 : i32
      %dma_wait3A_327 = tpu.memref_slice %arg9[%add3A_34, %dma_wait3A_326] : memref<10240x128xf32, #tpu.memory_space<vmem_shared>> -> memref<80x128xf32, #tpu.memory_space<vmem_shared>>
      %dma_wait3A_328 = arith.constant 0 : i32
      %dma_wait3A_329 = tpu.memref_slice %arg9[%add3A_34, %dma_wait3A_328] : memref<10240x128xf32, #tpu.memory_space<vmem_shared>> -> memref<80x128xf32, #tpu.memory_space<vmem_shared>>
      %dma_wait3A_330 = arith.constant 0 : i32
      %dma_wait3A_331 = arith.constant 0 : i32
      %dma_wait3A_332 = tpu.memref_slice %arg8[%run_scoped3A_35, %dma_wait3A_330, %dma_wait3A_331] : memref<2x125x128xf32, #tpu.memory_space<vmem>> -> memref<1x80x128xf32, #tpu.memory_space<vmem>>
      %dma_wait3A_333 = tpu.memref_squeeze %dma_wait3A_332 : memref<1x80x128xf32, #tpu.memory_space<vmem>> -> memref<80x128xf32, #tpu.memory_space<vmem>>
      tpu.wait_dma2 semaphore(%run_scoped3A_309 : memref<!tpu.dma_semaphore, #tpu.memory_space<semaphore_mem>>) src(%dma_wait3A_333 : memref<80x128xf32, #tpu.memory_space<vmem>>) dst(%dma_wait3A_329 : memref<80x128xf32, #tpu.memory_space<vmem_shared>>)
      tpu.yield
    }) : () -> ()
    %mul3A_36 = arith.constant 640 : i32
    %mul3A_37 = arith.muli %arg1, %mul3A_36 : i32
    %add3A_38 = arith.constant 480 : i32
    %add3A_39 = arith.addi %mul3A_37, %add3A_38 : i32
    %run_scoped3A_40 = arith.constant 0 : i32
    "tpu.region"() ({
      %run_scoped3A_309 = tpu.sem_alloc : memref<!tpu.dma_semaphore, #tpu.memory_space<semaphore_mem>>
      %dma_start3A_310 = arith.constant 0 : i32
      %dma_start3A_311 = arith.constant 0 : i32
      %dma_start3A_312 = tpu.memref_slice %arg8[%run_scoped3A_40, %dma_start3A_310, %dma_start3A_311] : memref<2x125x128xf32, #tpu.memory_space<vmem>> -> memref<1x80x128xf32, #tpu.memory_space<vmem>>
      %dma_start3A_313 = tpu.memref_squeeze %dma_start3A_312 : memref<1x80x128xf32, #tpu.memory_space<vmem>> -> memref<80x128xf32, #tpu.memory_space<vmem>>
      %dma_start3A_314 = arith.constant 0 : i32
      %dma_start3A_315 = tpu.memref_slice %arg9[%add3A_39, %dma_start3A_314] : memref<10240x128xf32, #tpu.memory_space<vmem_shared>> -> memref<80x128xf32, #tpu.memory_space<vmem_shared>>
      %dma_start3A_316 = arith.constant 0 : i32
      %dma_start3A_317 = tpu.memref_slice %arg9[%add3A_39, %dma_start3A_316] : memref<10240x128xf32, #tpu.memory_space<vmem_shared>> -> memref<80x128xf32, #tpu.memory_space<vmem_shared>>
      %dma_start3A_318 = arith.constant 0 : i32
      %dma_start3A_319 = arith.constant 0 : i32
      %dma_start3A_320 = tpu.memref_slice %arg8[%run_scoped3A_40, %dma_start3A_318, %dma_start3A_319] : memref<2x125x128xf32, #tpu.memory_space<vmem>> -> memref<1x80x128xf32, #tpu.memory_space<vmem>>
      %dma_start3A_321 = tpu.memref_squeeze %dma_start3A_320 : memref<1x80x128xf32, #tpu.memory_space<vmem>> -> memref<80x128xf32, #tpu.memory_space<vmem>>
      tpu.enqueue_dma source(%dma_start3A_321 : memref<80x128xf32, #tpu.memory_space<vmem>>) target(%dma_start3A_317 : memref<80x128xf32, #tpu.memory_space<vmem_shared>>) target_semaphore(%run_scoped3A_309 : memref<!tpu.dma_semaphore, #tpu.memory_space<semaphore_mem>>)
      %dma_wait3A_322 = arith.constant 0 : i32
      %dma_wait3A_323 = arith.constant 0 : i32
      %dma_wait3A_324 = tpu.memref_slice %arg8[%run_scoped3A_40, %dma_wait3A_322, %dma_wait3A_323] : memref<2x125x128xf32, #tpu.memory_space<vmem>> -> memref<1x80x128xf32, #tpu.memory_space<vmem>>
      %dma_wait3A_325 = tpu.memref_squeeze %dma_wait3A_324 : memref<1x80x128xf32, #tpu.memory_space<vmem>> -> memref<80x128xf32, #tpu.memory_space<vmem>>
      %dma_wait3A_326 = arith.constant 0 : i32
      %dma_wait3A_327 = tpu.memref_slice %arg9[%add3A_39, %dma_wait3A_326] : memref<10240x128xf32, #tpu.memory_space<vmem_shared>> -> memref<80x128xf32, #tpu.memory_space<vmem_shared>>
      %dma_wait3A_328 = arith.constant 0 : i32
      %dma_wait3A_329 = tpu.memref_slice %arg9[%add3A_39, %dma_wait3A_328] : memref<10240x128xf32, #tpu.memory_space<vmem_shared>> -> memref<80x128xf32, #tpu.memory_space<vmem_shared>>
      %dma_wait3A_330 = arith.constant 0 : i32
      %dma_wait3A_331 = arith.constant 0 : i32
      %dma_wait3A_332 = tpu.memref_slice %arg8[%run_scoped3A_40, %dma_wait3A_330, %dma_wait3A_331] : memref<2x125x128xf32, #tpu.memory_space<vmem>> -> memref<1x80x128xf32, #tpu.memory_space<vmem>>
      %dma_wait3A_333 = tpu.memref_squeeze %dma_wait3A_332 : memref<1x80x128xf32, #tpu.memory_space<vmem>> -> memref<80x128xf32, #tpu.memory_space<vmem>>
      tpu.wait_dma2 semaphore(%run_scoped3A_309 : memref<!tpu.dma_semaphore, #tpu.memory_space<semaphore_mem>>) src(%dma_wait3A_333 : memref<80x128xf32, #tpu.memory_space<vmem>>) dst(%dma_wait3A_329 : memref<80x128xf32, #tpu.memory_space<vmem_shared>>)
      tpu.yield
    }) : () -> ()
    %mul3A_41 = arith.constant 640 : i32
    %mul3A_42 = arith.muli %arg1, %mul3A_41 : i32
    %add3A_43 = arith.constant 560 : i32
    %add3A_44 = arith.addi %mul3A_42, %add3A_43 : i32
    %run_scoped3A_45 = arith.constant 0 : i32
    "tpu.region"() ({
      %run_scoped3A_309 = tpu.sem_alloc : memref<!tpu.dma_semaphore, #tpu.memory_space<semaphore_mem>>
      %dma_start3A_310 = arith.constant 0 : i32
      %dma_start3A_311 = arith.constant 0 : i32
      %dma_start3A_312 = tpu.memref_slice %arg8[%run_scoped3A_45, %dma_start3A_310, %dma_start3A_311] : memref<2x125x128xf32, #tpu.memory_space<vmem>> -> memref<1x80x128xf32, #tpu.memory_space<vmem>>
      %dma_start3A_313 = tpu.memref_squeeze %dma_start3A_312 : memref<1x80x128xf32, #tpu.memory_space<vmem>> -> memref<80x128xf32, #tpu.memory_space<vmem>>
      %dma_start3A_314 = arith.constant 0 : i32
      %dma_start3A_315 = tpu.memref_slice %arg9[%add3A_44, %dma_start3A_314] : memref<10240x128xf32, #tpu.memory_space<vmem_shared>> -> memref<80x128xf32, #tpu.memory_space<vmem_shared>>
      %dma_start3A_316 = arith.constant 0 : i32
      %dma_start3A_317 = tpu.memref_slice %arg9[%add3A_44, %dma_start3A_316] : memref<10240x128xf32, #tpu.memory_space<vmem_shared>> -> memref<80x128xf32, #tpu.memory_space<vmem_shared>>
      %dma_start3A_318 = arith.constant 0 : i32
      %dma_start3A_319 = arith.constant 0 : i32
      %dma_start3A_320 = tpu.memref_slice %arg8[%run_scoped3A_45, %dma_start3A_318, %dma_start3A_319] : memref<2x125x128xf32, #tpu.memory_space<vmem>> -> memref<1x80x128xf32, #tpu.memory_space<vmem>>
      %dma_start3A_321 = tpu.memref_squeeze %dma_start3A_320 : memref<1x80x128xf32, #tpu.memory_space<vmem>> -> memref<80x128xf32, #tpu.memory_space<vmem>>
      tpu.enqueue_dma source(%dma_start3A_321 : memref<80x128xf32, #tpu.memory_space<vmem>>) target(%dma_start3A_317 : memref<80x128xf32, #tpu.memory_space<vmem_shared>>) target_semaphore(%run_scoped3A_309 : memref<!tpu.dma_semaphore, #tpu.memory_space<semaphore_mem>>)
      %dma_wait3A_322 = arith.constant 0 : i32
      %dma_wait3A_323 = arith.constant 0 : i32
      %dma_wait3A_324 = tpu.memref_slice %arg8[%run_scoped3A_45, %dma_wait3A_322, %dma_wait3A_323] : memref<2x125x128xf32, #tpu.memory_space<vmem>> -> memref<1x80x128xf32, #tpu.memory_space<vmem>>
      %dma_wait3A_325 = tpu.memref_squeeze %dma_wait3A_324 : memref<1x80x128xf32, #tpu.memory_space<vmem>> -> memref<80x128xf32, #tpu.memory_space<vmem>>
      %dma_wait3A_326 = arith.constant 0 : i32
      %dma_wait3A_327 = tpu.memref_slice %arg9[%add3A_44, %dma_wait3A_326] : memref<10240x128xf32, #tpu.memory_space<vmem_shared>> -> memref<80x128xf32, #tpu.memory_space<vmem_shared>>
      %dma_wait3A_328 = arith.constant 0 : i32
      %dma_wait3A_329 = tpu.memref_slice %arg9[%add3A_44, %dma_wait3A_328] : memref<10240x128xf32, #tpu.memory_space<vmem_shared>> -> memref<80x128xf32, #tpu.memory_space<vmem_shared>>
      %dma_wait3A_330 = arith.constant 0 : i32
      %dma_wait3A_331 = arith.constant 0 : i32
      %dma_wait3A_332 = tpu.memref_slice %arg8[%run_scoped3A_45, %dma_wait3A_330, %dma_wait3A_331] : memref<2x125x128xf32, #tpu.memory_space<vmem>> -> memref<1x80x128xf32, #tpu.memory_space<vmem>>
      %dma_wait3A_333 = tpu.memref_squeeze %dma_wait3A_332 : memref<1x80x128xf32, #tpu.memory_space<vmem>> -> memref<80x128xf32, #tpu.memory_space<vmem>>
      tpu.wait_dma2 semaphore(%run_scoped3A_309 : memref<!tpu.dma_semaphore, #tpu.memory_space<semaphore_mem>>) src(%dma_wait3A_333 : memref<80x128xf32, #tpu.memory_space<vmem>>) dst(%dma_wait3A_329 : memref<80x128xf32, #tpu.memory_space<vmem_shared>>)
      tpu.yield
    }) : () -> ()
    %barrier3A = arith.constant 0 : index
    tpu.barrier barrier_id(%barrier3A)
    %mul3A_46 = arith.constant 80 : i32
    %mul3A_47 = arith.muli %add3A, %mul3A_46 : i32
    %add3A_48 = arith.constant 0 : i32
    %add3A_49 = arith.addi %mul3A_47, %add3A_48 : i32
    "tpu.region"() ({
      %run_scoped3A_309 = tpu.sem_alloc : memref<!tpu.dma_semaphore, #tpu.memory_space<semaphore_mem>>
      %dma_start3A_310 = arith.constant 0 : i32
      %dma_start3A_311 = tpu.memref_slice %arg2[%add3A_49, %dma_start3A_310] : memref<2560x125xi32, #tpu.memory_space<hbm>> -> memref<40x125xi32, #tpu.memory_space<hbm>>
      %dma_start3A_312 = arith.constant 0 : i32
      %dma_start3A_313 = tpu.memref_slice %arg2[%add3A_49, %dma_start3A_312] : memref<2560x125xi32, #tpu.memory_space<hbm>> -> memref<40x125xi32, #tpu.memory_space<hbm>>
      tpu.enqueue_dma source(%dma_start3A_313 : memref<40x125xi32, #tpu.memory_space<hbm>>) target(%arg6 : memref<40x125xi32, #tpu.memory_space<vmem>>) target_semaphore(%run_scoped3A_309 : memref<!tpu.dma_semaphore, #tpu.memory_space<semaphore_mem>>)
      %dma_wait3A_314 = arith.constant 0 : i32
      %dma_wait3A_315 = tpu.memref_slice %arg2[%add3A_49, %dma_wait3A_314] : memref<2560x125xi32, #tpu.memory_space<hbm>> -> memref<40x125xi32, #tpu.memory_space<hbm>>
      %dma_wait3A_316 = arith.constant 0 : i32
      %dma_wait3A_317 = tpu.memref_slice %arg2[%add3A_49, %dma_wait3A_316] : memref<2560x125xi32, #tpu.memory_space<hbm>> -> memref<40x125xi32, #tpu.memory_space<hbm>>
      tpu.wait_dma2 semaphore(%run_scoped3A_309 : memref<!tpu.dma_semaphore, #tpu.memory_space<semaphore_mem>>) src(%dma_wait3A_317 : memref<40x125xi32, #tpu.memory_space<hbm>>) dst(%arg6 : memref<40x125xi32, #tpu.memory_space<vmem>>)
      tpu.yield
    }) : () -> ()
    "tpu.region"() ({
      %run_scoped3A_309 = tpu.sem_alloc : memref<!tpu.dma_semaphore, #tpu.memory_space<semaphore_mem>>
      %dma_start3A_310 = arith.constant 0 : i32
      %dma_start3A_311 = tpu.memref_slice %arg3[%add3A_49, %dma_start3A_310] : memref<2560x125xi32, #tpu.memory_space<hbm>> -> memref<40x125xi32, #tpu.memory_space<hbm>>
      %dma_start3A_312 = arith.constant 0 : i32
      %dma_start3A_313 = tpu.memref_slice %arg3[%add3A_49, %dma_start3A_312] : memref<2560x125xi32, #tpu.memory_space<hbm>> -> memref<40x125xi32, #tpu.memory_space<hbm>>
      tpu.enqueue_dma source(%dma_start3A_313 : memref<40x125xi32, #tpu.memory_space<hbm>>) target(%arg7 : memref<40x125xi32, #tpu.memory_space<vmem>>) target_semaphore(%run_scoped3A_309 : memref<!tpu.dma_semaphore, #tpu.memory_space<semaphore_mem>>)
      %dma_wait3A_314 = arith.constant 0 : i32
      %dma_wait3A_315 = tpu.memref_slice %arg3[%add3A_49, %dma_wait3A_314] : memref<2560x125xi32, #tpu.memory_space<hbm>> -> memref<40x125xi32, #tpu.memory_space<hbm>>
      %dma_wait3A_316 = arith.constant 0 : i32
      %dma_wait3A_317 = tpu.memref_slice %arg3[%add3A_49, %dma_wait3A_316] : memref<2560x125xi32, #tpu.memory_space<hbm>> -> memref<40x125xi32, #tpu.memory_space<hbm>>
      tpu.wait_dma2 semaphore(%run_scoped3A_309 : memref<!tpu.dma_semaphore, #tpu.memory_space<semaphore_mem>>) src(%dma_wait3A_317 : memref<40x125xi32, #tpu.memory_space<hbm>>) dst(%arg7 : memref<40x125xi32, #tpu.memory_space<vmem>>)
      tpu.yield
    }) : () -> ()
    %dma_start3A = arith.constant 0 : i32
    %dma_start3A_50 = arith.constant 0 : i32
    %dma_start3A_51 = arith.constant 0 : i32
    %dma_start3A_52 = arith.constant 0 : i32
    %dma_start3A_53 = arith.constant 0 : i32
    %dma_start3A_54 = tpu.memref_slice %arg8[%dma_start3A_50, %dma_start3A_52, %dma_start3A_53] : memref<2x125x128xf32, #tpu.memory_space<vmem>> -> memref<1x125x128xf32, #tpu.memory_space<vmem>>
    %dma_start3A_55 = tpu.memref_squeeze %dma_start3A_54 : memref<1x125x128xf32, #tpu.memory_space<vmem>> -> memref<125x128xf32, #tpu.memory_space<vmem>>
    %dma_start3A_56 = arith.constant 0 : i32
    %dma_start3A_57 = tpu.memref_slice %arg6[%dma_start3A, %dma_start3A_56] : memref<40x125xi32, #tpu.memory_space<vmem>> -> memref<1x125xi32, #tpu.memory_space<vmem>>
    %dma_start3A_58 = tpu.memref_squeeze %dma_start3A_57 : memref<1x125xi32, #tpu.memory_space<vmem>> -> memref<125xi32, #tpu.memory_space<vmem>>
    %dma_start3A_59 = arith.constant 0 : i32
    %dma_start3A_60 = arith.constant 0 : i32
    %dma_start3A_61 = tpu.memref_slice %arg4[%dma_start3A_59, %dma_start3A_60] : memref<10000x128xf32, #tpu.memory_space<hbm>> -> memref<10000x128xf32, #tpu.memory_space<hbm>>
    %dma_start3A_62 = tpu.memref_slice %arg10[%dma_start3A_51] : memref<2x!tpu.dma_semaphore, #tpu.memory_space<semaphore_mem>> -> memref<1x!tpu.dma_semaphore, #tpu.memory_space<semaphore_mem>>
    %dma_start3A_63 = tpu.memref_squeeze %dma_start3A_62 : memref<1x!tpu.dma_semaphore, #tpu.memory_space<semaphore_mem>> -> memref<!tpu.dma_semaphore, #tpu.memory_space<semaphore_mem>>
    tpu.enqueue_indirect_dma source(%dma_start3A_61 : memref<10000x128xf32, #tpu.memory_space<hbm>>) target(%dma_start3A_55 : memref<125x128xf32, #tpu.memory_space<vmem>>) offsets(%dma_start3A_58 : memref<125xi32, #tpu.memory_space<vmem>>) semaphore(%dma_start3A_63 : memref<!tpu.dma_semaphore, #tpu.memory_space<semaphore_mem>>)
    %dma_start3A_64 = arith.constant 1 : i32
    %dma_start3A_65 = arith.constant 1 : i32
    %dma_start3A_66 = arith.constant 1 : i32
    %dma_start3A_67 = arith.constant 0 : i32
    %dma_start3A_68 = arith.constant 0 : i32
    %dma_start3A_69 = tpu.memref_slice %arg8[%dma_start3A_65, %dma_start3A_67, %dma_start3A_68] : memref<2x125x128xf32, #tpu.memory_space<vmem>> -> memref<1x125x128xf32, #tpu.memory_space<vmem>>
    %dma_start3A_70 = tpu.memref_squeeze %dma_start3A_69 : memref<1x125x128xf32, #tpu.memory_space<vmem>> -> memref<125x128xf32, #tpu.memory_space<vmem>>
    %dma_start3A_71 = arith.constant 0 : i32
    %dma_start3A_72 = tpu.memref_slice %arg6[%dma_start3A_64, %dma_start3A_71] : memref<40x125xi32, #tpu.memory_space<vmem>> -> memref<1x125xi32, #tpu.memory_space<vmem>>
    %dma_start3A_73 = tpu.memref_squeeze %dma_start3A_72 : memref<1x125xi32, #tpu.memory_space<vmem>> -> memref<125xi32, #tpu.memory_space<vmem>>
    %dma_start3A_74 = arith.constant 0 : i32
    %dma_start3A_75 = arith.constant 0 : i32
    %dma_start3A_76 = tpu.memref_slice %arg4[%dma_start3A_74, %dma_start3A_75] : memref<10000x128xf32, #tpu.memory_space<hbm>> -> memref<10000x128xf32, #tpu.memory_space<hbm>>
    %dma_start3A_77 = tpu.memref_slice %arg10[%dma_start3A_66] : memref<2x!tpu.dma_semaphore, #tpu.memory_space<semaphore_mem>> -> memref<1x!tpu.dma_semaphore, #tpu.memory_space<semaphore_mem>>
    %dma_start3A_78 = tpu.memref_squeeze %dma_start3A_77 : memref<1x!tpu.dma_semaphore, #tpu.memory_space<semaphore_mem>> -> memref<!tpu.dma_semaphore, #tpu.memory_space<semaphore_mem>>
    tpu.enqueue_indirect_dma source(%dma_start3A_76 : memref<10000x128xf32, #tpu.memory_space<hbm>>) target(%dma_start3A_70 : memref<125x128xf32, #tpu.memory_space<vmem>>) offsets(%dma_start3A_73 : memref<125xi32, #tpu.memory_space<vmem>>) semaphore(%dma_start3A_78 : memref<!tpu.dma_semaphore, #tpu.memory_space<semaphore_mem>>)
    %dma_wait3A = arith.constant 0 : i32
    %dma_wait3A_79 = arith.constant 0 : i32
    %dma_wait3A_80 = arith.constant 0 : i32
    %dma_wait3A_81 = arith.constant 0 : i32
    %dma_wait3A_82 = arith.constant 0 : i32
    %dma_wait3A_83 = tpu.memref_slice %arg8[%dma_wait3A_79, %dma_wait3A_81, %dma_wait3A_82] : memref<2x125x128xf32, #tpu.memory_space<vmem>> -> memref<1x125x128xf32, #tpu.memory_space<vmem>>
    %dma_wait3A_84 = tpu.memref_squeeze %dma_wait3A_83 : memref<1x125x128xf32, #tpu.memory_space<vmem>> -> memref<125x128xf32, #tpu.memory_space<vmem>>
    %dma_wait3A_85 = arith.constant 0 : i32
    %dma_wait3A_86 = tpu.memref_slice %arg6[%dma_wait3A, %dma_wait3A_85] : memref<40x125xi32, #tpu.memory_space<vmem>> -> memref<1x125xi32, #tpu.memory_space<vmem>>
    %dma_wait3A_87 = tpu.memref_squeeze %dma_wait3A_86 : memref<1x125xi32, #tpu.memory_space<vmem>> -> memref<125xi32, #tpu.memory_space<vmem>>
    %dma_wait3A_88 = arith.constant 0 : i32
    %dma_wait3A_89 = arith.constant 0 : i32
    %dma_wait3A_90 = tpu.memref_slice %arg4[%dma_wait3A_88, %dma_wait3A_89] : memref<10000x128xf32, #tpu.memory_space<hbm>> -> memref<10000x128xf32, #tpu.memory_space<hbm>>
    %dma_wait3A_91 = tpu.memref_slice %arg10[%dma_wait3A_80] : memref<2x!tpu.dma_semaphore, #tpu.memory_space<semaphore_mem>> -> memref<1x!tpu.dma_semaphore, #tpu.memory_space<semaphore_mem>>
    %dma_wait3A_92 = tpu.memref_squeeze %dma_wait3A_91 : memref<1x!tpu.dma_semaphore, #tpu.memory_space<semaphore_mem>> -> memref<!tpu.dma_semaphore, #tpu.memory_space<semaphore_mem>>
    tpu.wait_indirect_dma semaphore(%dma_wait3A_92 : memref<!tpu.dma_semaphore, #tpu.memory_space<semaphore_mem>>) src(%dma_wait3A_90 : memref<10000x128xf32, #tpu.memory_space<hbm>>) dst(%dma_wait3A_84 : memref<125x128xf32, #tpu.memory_space<vmem>>)
    %dma_start3A_93 = arith.constant 0 : i32
    %dma_start3A_94 = arith.constant 0 : i32
    %dma_start3A_95 = arith.constant 0 : i32
    %dma_start3A_96 = arith.constant 0 : i32
    %dma_start3A_97 = arith.constant 0 : i32
    %dma_start3A_98 = tpu.memref_slice %arg8[%dma_start3A_93, %dma_start3A_96, %dma_start3A_97] : memref<2x125x128xf32, #tpu.memory_space<vmem>> -> memref<1x125x128xf32, #tpu.memory_space<vmem>>
    %dma_start3A_99 = tpu.memref_squeeze %dma_start3A_98 : memref<1x125x128xf32, #tpu.memory_space<vmem>> -> memref<125x128xf32, #tpu.memory_space<vmem>>
    %dma_start3A_100 = arith.constant 0 : i32
    %dma_start3A_101 = tpu.memref_slice %arg7[%dma_start3A_94, %dma_start3A_100] : memref<40x125xi32, #tpu.memory_space<vmem>> -> memref<1x125xi32, #tpu.memory_space<vmem>>
    %dma_start3A_102 = tpu.memref_squeeze %dma_start3A_101 : memref<1x125xi32, #tpu.memory_space<vmem>> -> memref<125xi32, #tpu.memory_space<vmem>>
    %dma_start3A_103 = arith.constant 0 : i32
    %dma_start3A_104 = arith.constant 0 : i32
    %dma_start3A_105 = tpu.memref_slice %arg9[%dma_start3A_103, %dma_start3A_104] : memref<10240x128xf32, #tpu.memory_space<vmem_shared>> -> memref<10240x128xf32, #tpu.memory_space<vmem_shared>>
    %dma_start3A_106 = tpu.memref_slice %arg11[%dma_start3A_95] : memref<2x!tpu.dma_semaphore, #tpu.memory_space<semaphore_mem>> -> memref<1x!tpu.dma_semaphore, #tpu.memory_space<semaphore_mem>>
    %dma_start3A_107 = tpu.memref_squeeze %dma_start3A_106 : memref<1x!tpu.dma_semaphore, #tpu.memory_space<semaphore_mem>> -> memref<!tpu.dma_semaphore, #tpu.memory_space<semaphore_mem>>
    tpu.enqueue_indirect_dma source(%dma_start3A_99 : memref<125x128xf32, #tpu.memory_space<vmem>>) target(%dma_start3A_105 : memref<10240x128xf32, #tpu.memory_space<vmem_shared>>) offsets(%dma_start3A_102 : memref<125xi32, #tpu.memory_space<vmem>>) semaphore(%dma_start3A_107 : memref<!tpu.dma_semaphore, #tpu.memory_space<semaphore_mem>>) {add = true}
    %scan3A_108 = arith.constant 0 : i32
    %scan3A_109 = arith.constant 1 : i32
    %scan3A_110 = arith.constant 38 : i32
    %scan3A_111 = arith.addi %scan3A_109, %scan3A_110 : i32
    %scan3A_112 = arith.constant 1 : i32
    scf.for %scan3A_309 = %scan3A_109 to %scan3A_111 step %scan3A_112  : i32 {
      %rem3A = arith.constant 2 : i32
      %rem3A_310 = arith.remsi %scan3A_309, %rem3A : i32
      %sub3A = arith.constant 1 : i32
      %sub3A_311 = arith.subi %sub3A, %rem3A_310 : i32
      %sub3A_312 = arith.constant 1 : i32
      %sub3A_313 = arith.subi %scan3A_309, %sub3A_312 : i32
      %dma_wait3A_314 = arith.constant 0 : i32
      %dma_wait3A_315 = arith.constant 0 : i32
      %dma_wait3A_316 = tpu.memref_slice %arg8[%sub3A_311, %dma_wait3A_314, %dma_wait3A_315] : memref<2x125x128xf32, #tpu.memory_space<vmem>> -> memref<1x125x128xf32, #tpu.memory_space<vmem>>
      %dma_wait3A_317 = tpu.memref_squeeze %dma_wait3A_316 : memref<1x125x128xf32, #tpu.memory_space<vmem>> -> memref<125x128xf32, #tpu.memory_space<vmem>>
      %dma_wait3A_318 = arith.constant 0 : i32
      %dma_wait3A_319 = tpu.memref_slice %arg7[%sub3A_313, %dma_wait3A_318] : memref<40x125xi32, #tpu.memory_space<vmem>> -> memref<1x125xi32, #tpu.memory_space<vmem>>
      %dma_wait3A_320 = tpu.memref_squeeze %dma_wait3A_319 : memref<1x125xi32, #tpu.memory_space<vmem>> -> memref<125xi32, #tpu.memory_space<vmem>>
      %dma_wait3A_321 = arith.constant 0 : i32
      %dma_wait3A_322 = arith.constant 0 : i32
      %dma_wait3A_323 = tpu.memref_slice %arg9[%dma_wait3A_321, %dma_wait3A_322] : memref<10240x128xf32, #tpu.memory_space<vmem_shared>> -> memref<10240x128xf32, #tpu.memory_space<vmem_shared>>
      %dma_wait3A_324 = tpu.memref_slice %arg11[%sub3A_311] : memref<2x!tpu.dma_semaphore, #tpu.memory_space<semaphore_mem>> -> memref<1x!tpu.dma_semaphore, #tpu.memory_space<semaphore_mem>>
      %dma_wait3A_325 = tpu.memref_squeeze %dma_wait3A_324 : memref<1x!tpu.dma_semaphore, #tpu.memory_space<semaphore_mem>> -> memref<!tpu.dma_semaphore, #tpu.memory_space<semaphore_mem>>
      tpu.wait_indirect_dma semaphore(%dma_wait3A_325 : memref<!tpu.dma_semaphore, #tpu.memory_space<semaphore_mem>>) src(%dma_wait3A_317 : memref<125x128xf32, #tpu.memory_space<vmem>>) dst(%dma_wait3A_323 : memref<10240x128xf32, #tpu.memory_space<vmem_shared>>)
      %add3A_326 = arith.constant 1 : i32
      %add3A_327 = arith.addi %scan3A_309, %add3A_326 : i32
      %dma_start3A_328 = arith.constant 0 : i32
      %dma_start3A_329 = arith.constant 0 : i32
      %dma_start3A_330 = tpu.memref_slice %arg8[%sub3A_311, %dma_start3A_328, %dma_start3A_329] : memref<2x125x128xf32, #tpu.memory_space<vmem>> -> memref<1x125x128xf32, #tpu.memory_space<vmem>>
      %dma_start3A_331 = tpu.memref_squeeze %dma_start3A_330 : memref<1x125x128xf32, #tpu.memory_space<vmem>> -> memref<125x128xf32, #tpu.memory_space<vmem>>
      %dma_start3A_332 = arith.constant 0 : i32
      %dma_start3A_333 = tpu.memref_slice %arg6[%add3A_327, %dma_start3A_332] : memref<40x125xi32, #tpu.memory_space<vmem>> -> memref<1x125xi32, #tpu.memory_space<vmem>>
      %dma_start3A_334 = tpu.memref_squeeze %dma_start3A_333 : memref<1x125xi32, #tpu.memory_space<vmem>> -> memref<125xi32, #tpu.memory_space<vmem>>
      %dma_start3A_335 = arith.constant 0 : i32
      %dma_start3A_336 = arith.constant 0 : i32
      %dma_start3A_337 = tpu.memref_slice %arg4[%dma_start3A_335, %dma_start3A_336] : memref<10000x128xf32, #tpu.memory_space<hbm>> -> memref<10000x128xf32, #tpu.memory_space<hbm>>
      %dma_start3A_338 = tpu.memref_slice %arg10[%sub3A_311] : memref<2x!tpu.dma_semaphore, #tpu.memory_space<semaphore_mem>> -> memref<1x!tpu.dma_semaphore, #tpu.memory_space<semaphore_mem>>
      %dma_start3A_339 = tpu.memref_squeeze %dma_start3A_338 : memref<1x!tpu.dma_semaphore, #tpu.memory_space<semaphore_mem>> -> memref<!tpu.dma_semaphore, #tpu.memory_space<semaphore_mem>>
      tpu.enqueue_indirect_dma source(%dma_start3A_337 : memref<10000x128xf32, #tpu.memory_space<hbm>>) target(%dma_start3A_331 : memref<125x128xf32, #tpu.memory_space<vmem>>) offsets(%dma_start3A_334 : memref<125xi32, #tpu.memory_space<vmem>>) semaphore(%dma_start3A_339 : memref<!tpu.dma_semaphore, #tpu.memory_space<semaphore_mem>>)
      %dma_wait3A_340 = arith.constant 0 : i32
      %dma_wait3A_341 = arith.constant 0 : i32
      %dma_wait3A_342 = tpu.memref_slice %arg8[%rem3A_310, %dma_wait3A_340, %dma_wait3A_341] : memref<2x125x128xf32, #tpu.memory_space<vmem>> -> memref<1x125x128xf32, #tpu.memory_space<vmem>>
      %dma_wait3A_343 = tpu.memref_squeeze %dma_wait3A_342 : memref<1x125x128xf32, #tpu.memory_space<vmem>> -> memref<125x128xf32, #tpu.memory_space<vmem>>
      %dma_wait3A_344 = arith.constant 0 : i32
      %dma_wait3A_345 = tpu.memref_slice %arg6[%scan3A_309, %dma_wait3A_344] : memref<40x125xi32, #tpu.memory_space<vmem>> -> memref<1x125xi32, #tpu.memory_space<vmem>>
      %dma_wait3A_346 = tpu.memref_squeeze %dma_wait3A_345 : memref<1x125xi32, #tpu.memory_space<vmem>> -> memref<125xi32, #tpu.memory_space<vmem>>
      %dma_wait3A_347 = arith.constant 0 : i32
      %dma_wait3A_348 = arith.constant 0 : i32
      %dma_wait3A_349 = tpu.memref_slice %arg4[%dma_wait3A_347, %dma_wait3A_348] : memref<10000x128xf32, #tpu.memory_space<hbm>> -> memref<10000x128xf32, #tpu.memory_space<hbm>>
      %dma_wait3A_350 = tpu.memref_slice %arg10[%rem3A_310] : memref<2x!tpu.dma_semaphore, #tpu.memory_space<semaphore_mem>> -> memref<1x!tpu.dma_semaphore, #tpu.memory_space<semaphore_mem>>
      %dma_wait3A_351 = tpu.memref_squeeze %dma_wait3A_350 : memref<1x!tpu.dma_semaphore, #tpu.memory_space<semaphore_mem>> -> memref<!tpu.dma_semaphore, #tpu.memory_space<semaphore_mem>>
      tpu.wait_indirect_dma semaphore(%dma_wait3A_351 : memref<!tpu.dma_semaphore, #tpu.memory_space<semaphore_mem>>) src(%dma_wait3A_349 : memref<10000x128xf32, #tpu.memory_space<hbm>>) dst(%dma_wait3A_343 : memref<125x128xf32, #tpu.memory_space<vmem>>)
      %dma_start3A_352 = arith.constant 0 : i32
      %dma_start3A_353 = arith.constant 0 : i32
      %dma_start3A_354 = tpu.memref_slice %arg8[%rem3A_310, %dma_start3A_352, %dma_start3A_353] : memref<2x125x128xf32, #tpu.memory_space<vmem>> -> memref<1x125x128xf32, #tpu.memory_space<vmem>>
      %dma_start3A_355 = tpu.memref_squeeze %dma_start3A_354 : memref<1x125x128xf32, #tpu.memory_space<vmem>> -> memref<125x128xf32, #tpu.memory_space<vmem>>
      %dma_start3A_356 = arith.constant 0 : i32
      %dma_start3A_357 = tpu.memref_slice %arg7[%scan3A_309, %dma_start3A_356] : memref<40x125xi32, #tpu.memory_space<vmem>> -> memref<1x125xi32, #tpu.memory_space<vmem>>
      %dma_start3A_358 = tpu.memref_squeeze %dma_start3A_357 : memref<1x125xi32, #tpu.memory_space<vmem>> -> memref<125xi32, #tpu.memory_space<vmem>>
      %dma_start3A_359 = arith.constant 0 : i32
      %dma_start3A_360 = arith.constant 0 : i32
      %dma_start3A_361 = tpu.memref_slice %arg9[%dma_start3A_359, %dma_start3A_360] : memref<10240x128xf32, #tpu.memory_space<vmem_shared>> -> memref<10240x128xf32, #tpu.memory_space<vmem_shared>>
      %dma_start3A_362 = tpu.memref_slice %arg11[%rem3A_310] : memref<2x!tpu.dma_semaphore, #tpu.memory_space<semaphore_mem>> -> memref<1x!tpu.dma_semaphore, #tpu.memory_space<semaphore_mem>>
      %dma_start3A_363 = tpu.memref_squeeze %dma_start3A_362 : memref<1x!tpu.dma_semaphore, #tpu.memory_space<semaphore_mem>> -> memref<!tpu.dma_semaphore, #tpu.memory_space<semaphore_mem>>
      tpu.enqueue_indirect_dma source(%dma_start3A_355 : memref<125x128xf32, #tpu.memory_space<vmem>>) target(%dma_start3A_361 : memref<10240x128xf32, #tpu.memory_space<vmem_shared>>) offsets(%dma_start3A_358 : memref<125xi32, #tpu.memory_space<vmem>>) semaphore(%dma_start3A_363 : memref<!tpu.dma_semaphore, #tpu.memory_space<semaphore_mem>>) {add = true}
    }
    %scan3A_113 = arith.constant 38 : i32
    %dma_wait3A_114 = arith.constant 39 : i32
    %dma_wait3A_115 = arith.constant 1 : i32
    %dma_wait3A_116 = arith.constant 1 : i32
    %dma_wait3A_117 = arith.constant 0 : i32
    %dma_wait3A_118 = arith.constant 0 : i32
    %dma_wait3A_119 = tpu.memref_slice %arg8[%dma_wait3A_115, %dma_wait3A_117, %dma_wait3A_118] : memref<2x125x128xf32, #tpu.memory_space<vmem>> -> memref<1x125x128xf32, #tpu.memory_space<vmem>>
    %dma_wait3A_120 = tpu.memref_squeeze %dma_wait3A_119 : memref<1x125x128xf32, #tpu.memory_space<vmem>> -> memref<125x128xf32, #tpu.memory_space<vmem>>
    %dma_wait3A_121 = arith.constant 0 : i32
    %dma_wait3A_122 = tpu.memref_slice %arg6[%dma_wait3A_114, %dma_wait3A_121] : memref<40x125xi32, #tpu.memory_space<vmem>> -> memref<1x125xi32, #tpu.memory_space<vmem>>
    %dma_wait3A_123 = tpu.memref_squeeze %dma_wait3A_122 : memref<1x125xi32, #tpu.memory_space<vmem>> -> memref<125xi32, #tpu.memory_space<vmem>>
    %dma_wait3A_124 = arith.constant 0 : i32
    %dma_wait3A_125 = arith.constant 0 : i32
    %dma_wait3A_126 = tpu.memref_slice %arg4[%dma_wait3A_124, %dma_wait3A_125] : memref<10000x128xf32, #tpu.memory_space<hbm>> -> memref<10000x128xf32, #tpu.memory_space<hbm>>
    %dma_wait3A_127 = tpu.memref_slice %arg10[%dma_wait3A_116] : memref<2x!tpu.dma_semaphore, #tpu.memory_space<semaphore_mem>> -> memref<1x!tpu.dma_semaphore, #tpu.memory_space<semaphore_mem>>
    %dma_wait3A_128 = tpu.memref_squeeze %dma_wait3A_127 : memref<1x!tpu.dma_semaphore, #tpu.memory_space<semaphore_mem>> -> memref<!tpu.dma_semaphore, #tpu.memory_space<semaphore_mem>>
    tpu.wait_indirect_dma semaphore(%dma_wait3A_128 : memref<!tpu.dma_semaphore, #tpu.memory_space<semaphore_mem>>) src(%dma_wait3A_126 : memref<10000x128xf32, #tpu.memory_space<hbm>>) dst(%dma_wait3A_120 : memref<125x128xf32, #tpu.memory_space<vmem>>)
    %dma_start3A_129 = arith.constant 1 : i32
    %dma_start3A_130 = arith.constant 39 : i32
    %dma_start3A_131 = arith.constant 1 : i32
    %dma_start3A_132 = arith.constant 0 : i32
    %dma_start3A_133 = arith.constant 0 : i32
    %dma_start3A_134 = tpu.memref_slice %arg8[%dma_start3A_129, %dma_start3A_132, %dma_start3A_133] : memref<2x125x128xf32, #tpu.memory_space<vmem>> -> memref<1x125x128xf32, #tpu.memory_space<vmem>>
    %dma_start3A_135 = tpu.memref_squeeze %dma_start3A_134 : memref<1x125x128xf32, #tpu.memory_space<vmem>> -> memref<125x128xf32, #tpu.memory_space<vmem>>
    %dma_start3A_136 = arith.constant 0 : i32
    %dma_start3A_137 = tpu.memref_slice %arg7[%dma_start3A_130, %dma_start3A_136] : memref<40x125xi32, #tpu.memory_space<vmem>> -> memref<1x125xi32, #tpu.memory_space<vmem>>
    %dma_start3A_138 = tpu.memref_squeeze %dma_start3A_137 : memref<1x125xi32, #tpu.memory_space<vmem>> -> memref<125xi32, #tpu.memory_space<vmem>>
    %dma_start3A_139 = arith.constant 0 : i32
    %dma_start3A_140 = arith.constant 0 : i32
    %dma_start3A_141 = tpu.memref_slice %arg9[%dma_start3A_139, %dma_start3A_140] : memref<10240x128xf32, #tpu.memory_space<vmem_shared>> -> memref<10240x128xf32, #tpu.memory_space<vmem_shared>>
    %dma_start3A_142 = tpu.memref_slice %arg11[%dma_start3A_131] : memref<2x!tpu.dma_semaphore, #tpu.memory_space<semaphore_mem>> -> memref<1x!tpu.dma_semaphore, #tpu.memory_space<semaphore_mem>>
    %dma_start3A_143 = tpu.memref_squeeze %dma_start3A_142 : memref<1x!tpu.dma_semaphore, #tpu.memory_space<semaphore_mem>> -> memref<!tpu.dma_semaphore, #tpu.memory_space<semaphore_mem>>
    tpu.enqueue_indirect_dma source(%dma_start3A_135 : memref<125x128xf32, #tpu.memory_space<vmem>>) target(%dma_start3A_141 : memref<10240x128xf32, #tpu.memory_space<vmem_shared>>) offsets(%dma_start3A_138 : memref<125xi32, #tpu.memory_space<vmem>>) semaphore(%dma_start3A_143 : memref<!tpu.dma_semaphore, #tpu.memory_space<semaphore_mem>>) {add = true}
    %dma_wait3A_144 = arith.constant 0 : i32
    %dma_wait3A_145 = arith.constant 38 : i32
    %dma_wait3A_146 = arith.constant 0 : i32
    %dma_wait3A_147 = arith.constant 0 : i32
    %dma_wait3A_148 = arith.constant 0 : i32
    %dma_wait3A_149 = tpu.memref_slice %arg8[%dma_wait3A_144, %dma_wait3A_147, %dma_wait3A_148] : memref<2x125x128xf32, #tpu.memory_space<vmem>> -> memref<1x125x128xf32, #tpu.memory_space<vmem>>
    %dma_wait3A_150 = tpu.memref_squeeze %dma_wait3A_149 : memref<1x125x128xf32, #tpu.memory_space<vmem>> -> memref<125x128xf32, #tpu.memory_space<vmem>>
    %dma_wait3A_151 = arith.constant 0 : i32
    %dma_wait3A_152 = tpu.memref_slice %arg7[%dma_wait3A_145, %dma_wait3A_151] : memref<40x125xi32, #tpu.memory_space<vmem>> -> memref<1x125xi32, #tpu.memory_space<vmem>>
    %dma_wait3A_153 = tpu.memref_squeeze %dma_wait3A_152 : memref<1x125xi32, #tpu.memory_space<vmem>> -> memref<125xi32, #tpu.memory_space<vmem>>
    %dma_wait3A_154 = arith.constant 0 : i32
    %dma_wait3A_155 = arith.constant 0 : i32
    %dma_wait3A_156 = tpu.memref_slice %arg9[%dma_wait3A_154, %dma_wait3A_155] : memref<10240x128xf32, #tpu.memory_space<vmem_shared>> -> memref<10240x128xf32, #tpu.memory_space<vmem_shared>>
    %dma_wait3A_157 = tpu.memref_slice %arg11[%dma_wait3A_146] : memref<2x!tpu.dma_semaphore, #tpu.memory_space<semaphore_mem>> -> memref<1x!tpu.dma_semaphore, #tpu.memory_space<semaphore_mem>>
    %dma_wait3A_158 = tpu.memref_squeeze %dma_wait3A_157 : memref<1x!tpu.dma_semaphore, #tpu.memory_space<semaphore_mem>> -> memref<!tpu.dma_semaphore, #tpu.memory_space<semaphore_mem>>
    tpu.wait_indirect_dma semaphore(%dma_wait3A_158 : memref<!tpu.dma_semaphore, #tpu.memory_space<semaphore_mem>>) src(%dma_wait3A_150 : memref<125x128xf32, #tpu.memory_space<vmem>>) dst(%dma_wait3A_156 : memref<10240x128xf32, #tpu.memory_space<vmem_shared>>)
    %dma_wait3A_159 = arith.constant 1 : i32
    %dma_wait3A_160 = arith.constant 39 : i32
    %dma_wait3A_161 = arith.constant 1 : i32
    %dma_wait3A_162 = arith.constant 0 : i32
    %dma_wait3A_163 = arith.constant 0 : i32
    %dma_wait3A_164 = tpu.memref_slice %arg8[%dma_wait3A_159, %dma_wait3A_162, %dma_wait3A_163] : memref<2x125x128xf32, #tpu.memory_space<vmem>> -> memref<1x125x128xf32, #tpu.memory_space<vmem>>
    %dma_wait3A_165 = tpu.memref_squeeze %dma_wait3A_164 : memref<1x125x128xf32, #tpu.memory_space<vmem>> -> memref<125x128xf32, #tpu.memory_space<vmem>>
    %dma_wait3A_166 = arith.constant 0 : i32
    %dma_wait3A_167 = tpu.memref_slice %arg7[%dma_wait3A_160, %dma_wait3A_166] : memref<40x125xi32, #tpu.memory_space<vmem>> -> memref<1x125xi32, #tpu.memory_space<vmem>>
    %dma_wait3A_168 = tpu.memref_squeeze %dma_wait3A_167 : memref<1x125xi32, #tpu.memory_space<vmem>> -> memref<125xi32, #tpu.memory_space<vmem>>
    %dma_wait3A_169 = arith.constant 0 : i32
    %dma_wait3A_170 = arith.constant 0 : i32
    %dma_wait3A_171 = tpu.memref_slice %arg9[%dma_wait3A_169, %dma_wait3A_170] : memref<10240x128xf32, #tpu.memory_space<vmem_shared>> -> memref<10240x128xf32, #tpu.memory_space<vmem_shared>>
    %dma_wait3A_172 = tpu.memref_slice %arg11[%dma_wait3A_161] : memref<2x!tpu.dma_semaphore, #tpu.memory_space<semaphore_mem>> -> memref<1x!tpu.dma_semaphore, #tpu.memory_space<semaphore_mem>>
    %dma_wait3A_173 = tpu.memref_squeeze %dma_wait3A_172 : memref<1x!tpu.dma_semaphore, #tpu.memory_space<semaphore_mem>> -> memref<!tpu.dma_semaphore, #tpu.memory_space<semaphore_mem>>
    tpu.wait_indirect_dma semaphore(%dma_wait3A_173 : memref<!tpu.dma_semaphore, #tpu.memory_space<semaphore_mem>>) src(%dma_wait3A_165 : memref<125x128xf32, #tpu.memory_space<vmem>>) dst(%dma_wait3A_171 : memref<10240x128xf32, #tpu.memory_space<vmem_shared>>)
    %mul3A_174 = arith.constant 80 : i32
    %mul3A_175 = arith.muli %add3A, %mul3A_174 : i32
    %add3A_176 = arith.constant 40 : i32
    %add3A_177 = arith.addi %mul3A_175, %add3A_176 : i32
    "tpu.region"() ({
      %run_scoped3A_309 = tpu.sem_alloc : memref<!tpu.dma_semaphore, #tpu.memory_space<semaphore_mem>>
      %dma_start3A_310 = arith.constant 0 : i32
      %dma_start3A_311 = tpu.memref_slice %arg2[%add3A_177, %dma_start3A_310] : memref<2560x125xi32, #tpu.memory_space<hbm>> -> memref<40x125xi32, #tpu.memory_space<hbm>>
      %dma_start3A_312 = arith.constant 0 : i32
      %dma_start3A_313 = tpu.memref_slice %arg2[%add3A_177, %dma_start3A_312] : memref<2560x125xi32, #tpu.memory_space<hbm>> -> memref<40x125xi32, #tpu.memory_space<hbm>>
      tpu.enqueue_dma source(%dma_start3A_313 : memref<40x125xi32, #tpu.memory_space<hbm>>) target(%arg6 : memref<40x125xi32, #tpu.memory_space<vmem>>) target_semaphore(%run_scoped3A_309 : memref<!tpu.dma_semaphore, #tpu.memory_space<semaphore_mem>>)
      %dma_wait3A_314 = arith.constant 0 : i32
      %dma_wait3A_315 = tpu.memref_slice %arg2[%add3A_177, %dma_wait3A_314] : memref<2560x125xi32, #tpu.memory_space<hbm>> -> memref<40x125xi32, #tpu.memory_space<hbm>>
      %dma_wait3A_316 = arith.constant 0 : i32
      %dma_wait3A_317 = tpu.memref_slice %arg2[%add3A_177, %dma_wait3A_316] : memref<2560x125xi32, #tpu.memory_space<hbm>> -> memref<40x125xi32, #tpu.memory_space<hbm>>
      tpu.wait_dma2 semaphore(%run_scoped3A_309 : memref<!tpu.dma_semaphore, #tpu.memory_space<semaphore_mem>>) src(%dma_wait3A_317 : memref<40x125xi32, #tpu.memory_space<hbm>>) dst(%arg6 : memref<40x125xi32, #tpu.memory_space<vmem>>)
      tpu.yield
    }) : () -> ()
    "tpu.region"() ({
      %run_scoped3A_309 = tpu.sem_alloc : memref<!tpu.dma_semaphore, #tpu.memory_space<semaphore_mem>>
      %dma_start3A_310 = arith.constant 0 : i32
      %dma_start3A_311 = tpu.memref_slice %arg3[%add3A_177, %dma_start3A_310] : memref<2560x125xi32, #tpu.memory_space<hbm>> -> memref<40x125xi32, #tpu.memory_space<hbm>>
      %dma_start3A_312 = arith.constant 0 : i32
      %dma_start3A_313 = tpu.memref_slice %arg3[%add3A_177, %dma_start3A_312] : memref<2560x125xi32, #tpu.memory_space<hbm>> -> memref<40x125xi32, #tpu.memory_space<hbm>>
      tpu.enqueue_dma source(%dma_start3A_313 : memref<40x125xi32, #tpu.memory_space<hbm>>) target(%arg7 : memref<40x125xi32, #tpu.memory_space<vmem>>) target_semaphore(%run_scoped3A_309 : memref<!tpu.dma_semaphore, #tpu.memory_space<semaphore_mem>>)
      %dma_wait3A_314 = arith.constant 0 : i32
      %dma_wait3A_315 = tpu.memref_slice %arg3[%add3A_177, %dma_wait3A_314] : memref<2560x125xi32, #tpu.memory_space<hbm>> -> memref<40x125xi32, #tpu.memory_space<hbm>>
      %dma_wait3A_316 = arith.constant 0 : i32
      %dma_wait3A_317 = tpu.memref_slice %arg3[%add3A_177, %dma_wait3A_316] : memref<2560x125xi32, #tpu.memory_space<hbm>> -> memref<40x125xi32, #tpu.memory_space<hbm>>
      tpu.wait_dma2 semaphore(%run_scoped3A_309 : memref<!tpu.dma_semaphore, #tpu.memory_space<semaphore_mem>>) src(%dma_wait3A_317 : memref<40x125xi32, #tpu.memory_space<hbm>>) dst(%arg7 : memref<40x125xi32, #tpu.memory_space<vmem>>)
      tpu.yield
    }) : () -> ()
    %dma_start3A_178 = arith.constant 0 : i32
    %dma_start3A_179 = arith.constant 0 : i32
    %dma_start3A_180 = arith.constant 0 : i32
    %dma_start3A_181 = arith.constant 0 : i32
    %dma_start3A_182 = arith.constant 0 : i32
    %dma_start3A_183 = tpu.memref_slice %arg8[%dma_start3A_179, %dma_start3A_181, %dma_start3A_182] : memref<2x125x128xf32, #tpu.memory_space<vmem>> -> memref<1x125x128xf32, #tpu.memory_space<vmem>>
    %dma_start3A_184 = tpu.memref_squeeze %dma_start3A_183 : memref<1x125x128xf32, #tpu.memory_space<vmem>> -> memref<125x128xf32, #tpu.memory_space<vmem>>
    %dma_start3A_185 = arith.constant 0 : i32
    %dma_start3A_186 = tpu.memref_slice %arg6[%dma_start3A_178, %dma_start3A_185] : memref<40x125xi32, #tpu.memory_space<vmem>> -> memref<1x125xi32, #tpu.memory_space<vmem>>
    %dma_start3A_187 = tpu.memref_squeeze %dma_start3A_186 : memref<1x125xi32, #tpu.memory_space<vmem>> -> memref<125xi32, #tpu.memory_space<vmem>>
    %dma_start3A_188 = arith.constant 0 : i32
    %dma_start3A_189 = arith.constant 0 : i32
    %dma_start3A_190 = tpu.memref_slice %arg4[%dma_start3A_188, %dma_start3A_189] : memref<10000x128xf32, #tpu.memory_space<hbm>> -> memref<10000x128xf32, #tpu.memory_space<hbm>>
    %dma_start3A_191 = tpu.memref_slice %arg10[%dma_start3A_180] : memref<2x!tpu.dma_semaphore, #tpu.memory_space<semaphore_mem>> -> memref<1x!tpu.dma_semaphore, #tpu.memory_space<semaphore_mem>>
    %dma_start3A_192 = tpu.memref_squeeze %dma_start3A_191 : memref<1x!tpu.dma_semaphore, #tpu.memory_space<semaphore_mem>> -> memref<!tpu.dma_semaphore, #tpu.memory_space<semaphore_mem>>
    tpu.enqueue_indirect_dma source(%dma_start3A_190 : memref<10000x128xf32, #tpu.memory_space<hbm>>) target(%dma_start3A_184 : memref<125x128xf32, #tpu.memory_space<vmem>>) offsets(%dma_start3A_187 : memref<125xi32, #tpu.memory_space<vmem>>) semaphore(%dma_start3A_192 : memref<!tpu.dma_semaphore, #tpu.memory_space<semaphore_mem>>)
    %dma_start3A_193 = arith.constant 1 : i32
    %dma_start3A_194 = arith.constant 1 : i32
    %dma_start3A_195 = arith.constant 1 : i32
    %dma_start3A_196 = arith.constant 0 : i32
    %dma_start3A_197 = arith.constant 0 : i32
    %dma_start3A_198 = tpu.memref_slice %arg8[%dma_start3A_194, %dma_start3A_196, %dma_start3A_197] : memref<2x125x128xf32, #tpu.memory_space<vmem>> -> memref<1x125x128xf32, #tpu.memory_space<vmem>>
    %dma_start3A_199 = tpu.memref_squeeze %dma_start3A_198 : memref<1x125x128xf32, #tpu.memory_space<vmem>> -> memref<125x128xf32, #tpu.memory_space<vmem>>
    %dma_start3A_200 = arith.constant 0 : i32
    %dma_start3A_201 = tpu.memref_slice %arg6[%dma_start3A_193, %dma_start3A_200] : memref<40x125xi32, #tpu.memory_space<vmem>> -> memref<1x125xi32, #tpu.memory_space<vmem>>
    %dma_start3A_202 = tpu.memref_squeeze %dma_start3A_201 : memref<1x125xi32, #tpu.memory_space<vmem>> -> memref<125xi32, #tpu.memory_space<vmem>>
    %dma_start3A_203 = arith.constant 0 : i32
    %dma_start3A_204 = arith.constant 0 : i32
    %dma_start3A_205 = tpu.memref_slice %arg4[%dma_start3A_203, %dma_start3A_204] : memref<10000x128xf32, #tpu.memory_space<hbm>> -> memref<10000x128xf32, #tpu.memory_space<hbm>>
    %dma_start3A_206 = tpu.memref_slice %arg10[%dma_start3A_195] : memref<2x!tpu.dma_semaphore, #tpu.memory_space<semaphore_mem>> -> memref<1x!tpu.dma_semaphore, #tpu.memory_space<semaphore_mem>>
    %dma_start3A_207 = tpu.memref_squeeze %dma_start3A_206 : memref<1x!tpu.dma_semaphore, #tpu.memory_space<semaphore_mem>> -> memref<!tpu.dma_semaphore, #tpu.memory_space<semaphore_mem>>
    tpu.enqueue_indirect_dma source(%dma_start3A_205 : memref<10000x128xf32, #tpu.memory_space<hbm>>) target(%dma_start3A_199 : memref<125x128xf32, #tpu.memory_space<vmem>>) offsets(%dma_start3A_202 : memref<125xi32, #tpu.memory_space<vmem>>) semaphore(%dma_start3A_207 : memref<!tpu.dma_semaphore, #tpu.memory_space<semaphore_mem>>)
    %dma_wait3A_208 = arith.constant 0 : i32
    %dma_wait3A_209 = arith.constant 0 : i32
    %dma_wait3A_210 = arith.constant 0 : i32
    %dma_wait3A_211 = arith.constant 0 : i32
    %dma_wait3A_212 = arith.constant 0 : i32
    %dma_wait3A_213 = tpu.memref_slice %arg8[%dma_wait3A_209, %dma_wait3A_211, %dma_wait3A_212] : memref<2x125x128xf32, #tpu.memory_space<vmem>> -> memref<1x125x128xf32, #tpu.memory_space<vmem>>
    %dma_wait3A_214 = tpu.memref_squeeze %dma_wait3A_213 : memref<1x125x128xf32, #tpu.memory_space<vmem>> -> memref<125x128xf32, #tpu.memory_space<vmem>>
    %dma_wait3A_215 = arith.constant 0 : i32
    %dma_wait3A_216 = tpu.memref_slice %arg6[%dma_wait3A_208, %dma_wait3A_215] : memref<40x125xi32, #tpu.memory_space<vmem>> -> memref<1x125xi32, #tpu.memory_space<vmem>>
    %dma_wait3A_217 = tpu.memref_squeeze %dma_wait3A_216 : memref<1x125xi32, #tpu.memory_space<vmem>> -> memref<125xi32, #tpu.memory_space<vmem>>
    %dma_wait3A_218 = arith.constant 0 : i32
    %dma_wait3A_219 = arith.constant 0 : i32
    %dma_wait3A_220 = tpu.memref_slice %arg4[%dma_wait3A_218, %dma_wait3A_219] : memref<10000x128xf32, #tpu.memory_space<hbm>> -> memref<10000x128xf32, #tpu.memory_space<hbm>>
    %dma_wait3A_221 = tpu.memref_slice %arg10[%dma_wait3A_210] : memref<2x!tpu.dma_semaphore, #tpu.memory_space<semaphore_mem>> -> memref<1x!tpu.dma_semaphore, #tpu.memory_space<semaphore_mem>>
    %dma_wait3A_222 = tpu.memref_squeeze %dma_wait3A_221 : memref<1x!tpu.dma_semaphore, #tpu.memory_space<semaphore_mem>> -> memref<!tpu.dma_semaphore, #tpu.memory_space<semaphore_mem>>
    tpu.wait_indirect_dma semaphore(%dma_wait3A_222 : memref<!tpu.dma_semaphore, #tpu.memory_space<semaphore_mem>>) src(%dma_wait3A_220 : memref<10000x128xf32, #tpu.memory_space<hbm>>) dst(%dma_wait3A_214 : memref<125x128xf32, #tpu.memory_space<vmem>>)
    %dma_start3A_223 = arith.constant 0 : i32
    %dma_start3A_224 = arith.constant 0 : i32
    %dma_start3A_225 = arith.constant 0 : i32
    %dma_start3A_226 = arith.constant 0 : i32
    %dma_start3A_227 = arith.constant 0 : i32
    %dma_start3A_228 = tpu.memref_slice %arg8[%dma_start3A_223, %dma_start3A_226, %dma_start3A_227] : memref<2x125x128xf32, #tpu.memory_space<vmem>> -> memref<1x125x128xf32, #tpu.memory_space<vmem>>
    %dma_start3A_229 = tpu.memref_squeeze %dma_start3A_228 : memref<1x125x128xf32, #tpu.memory_space<vmem>> -> memref<125x128xf32, #tpu.memory_space<vmem>>
    %dma_start3A_230 = arith.constant 0 : i32
    %dma_start3A_231 = tpu.memref_slice %arg7[%dma_start3A_224, %dma_start3A_230] : memref<40x125xi32, #tpu.memory_space<vmem>> -> memref<1x125xi32, #tpu.memory_space<vmem>>
    %dma_start3A_232 = tpu.memref_squeeze %dma_start3A_231 : memref<1x125xi32, #tpu.memory_space<vmem>> -> memref<125xi32, #tpu.memory_space<vmem>>
    %dma_start3A_233 = arith.constant 0 : i32
    %dma_start3A_234 = arith.constant 0 : i32
    %dma_start3A_235 = tpu.memref_slice %arg9[%dma_start3A_233, %dma_start3A_234] : memref<10240x128xf32, #tpu.memory_space<vmem_shared>> -> memref<10240x128xf32, #tpu.memory_space<vmem_shared>>
    %dma_start3A_236 = tpu.memref_slice %arg11[%dma_start3A_225] : memref<2x!tpu.dma_semaphore, #tpu.memory_space<semaphore_mem>> -> memref<1x!tpu.dma_semaphore, #tpu.memory_space<semaphore_mem>>
    %dma_start3A_237 = tpu.memref_squeeze %dma_start3A_236 : memref<1x!tpu.dma_semaphore, #tpu.memory_space<semaphore_mem>> -> memref<!tpu.dma_semaphore, #tpu.memory_space<semaphore_mem>>
    tpu.enqueue_indirect_dma source(%dma_start3A_229 : memref<125x128xf32, #tpu.memory_space<vmem>>) target(%dma_start3A_235 : memref<10240x128xf32, #tpu.memory_space<vmem_shared>>) offsets(%dma_start3A_232 : memref<125xi32, #tpu.memory_space<vmem>>) semaphore(%dma_start3A_237 : memref<!tpu.dma_semaphore, #tpu.memory_space<semaphore_mem>>) {add = true}
    %scan3A_238 = arith.constant 0 : i32
    %scan3A_239 = arith.constant 1 : i32
    %scan3A_240 = arith.constant 38 : i32
    %scan3A_241 = arith.addi %scan3A_239, %scan3A_240 : i32
    %scan3A_242 = arith.constant 1 : i32
    scf.for %scan3A_309 = %scan3A_239 to %scan3A_241 step %scan3A_242  : i32 {
      %rem3A = arith.constant 2 : i32
      %rem3A_310 = arith.remsi %scan3A_309, %rem3A : i32
      %sub3A = arith.constant 1 : i32
      %sub3A_311 = arith.subi %sub3A, %rem3A_310 : i32
      %sub3A_312 = arith.constant 1 : i32
      %sub3A_313 = arith.subi %scan3A_309, %sub3A_312 : i32
      %dma_wait3A_314 = arith.constant 0 : i32
      %dma_wait3A_315 = arith.constant 0 : i32
      %dma_wait3A_316 = tpu.memref_slice %arg8[%sub3A_311, %dma_wait3A_314, %dma_wait3A_315] : memref<2x125x128xf32, #tpu.memory_space<vmem>> -> memref<1x125x128xf32, #tpu.memory_space<vmem>>
      %dma_wait3A_317 = tpu.memref_squeeze %dma_wait3A_316 : memref<1x125x128xf32, #tpu.memory_space<vmem>> -> memref<125x128xf32, #tpu.memory_space<vmem>>
      %dma_wait3A_318 = arith.constant 0 : i32
      %dma_wait3A_319 = tpu.memref_slice %arg7[%sub3A_313, %dma_wait3A_318] : memref<40x125xi32, #tpu.memory_space<vmem>> -> memref<1x125xi32, #tpu.memory_space<vmem>>
      %dma_wait3A_320 = tpu.memref_squeeze %dma_wait3A_319 : memref<1x125xi32, #tpu.memory_space<vmem>> -> memref<125xi32, #tpu.memory_space<vmem>>
      %dma_wait3A_321 = arith.constant 0 : i32
      %dma_wait3A_322 = arith.constant 0 : i32
      %dma_wait3A_323 = tpu.memref_slice %arg9[%dma_wait3A_321, %dma_wait3A_322] : memref<10240x128xf32, #tpu.memory_space<vmem_shared>> -> memref<10240x128xf32, #tpu.memory_space<vmem_shared>>
      %dma_wait3A_324 = tpu.memref_slice %arg11[%sub3A_311] : memref<2x!tpu.dma_semaphore, #tpu.memory_space<semaphore_mem>> -> memref<1x!tpu.dma_semaphore, #tpu.memory_space<semaphore_mem>>
      %dma_wait3A_325 = tpu.memref_squeeze %dma_wait3A_324 : memref<1x!tpu.dma_semaphore, #tpu.memory_space<semaphore_mem>> -> memref<!tpu.dma_semaphore, #tpu.memory_space<semaphore_mem>>
      tpu.wait_indirect_dma semaphore(%dma_wait3A_325 : memref<!tpu.dma_semaphore, #tpu.memory_space<semaphore_mem>>) src(%dma_wait3A_317 : memref<125x128xf32, #tpu.memory_space<vmem>>) dst(%dma_wait3A_323 : memref<10240x128xf32, #tpu.memory_space<vmem_shared>>)
      %add3A_326 = arith.constant 1 : i32
      %add3A_327 = arith.addi %scan3A_309, %add3A_326 : i32
      %dma_start3A_328 = arith.constant 0 : i32
      %dma_start3A_329 = arith.constant 0 : i32
      %dma_start3A_330 = tpu.memref_slice %arg8[%sub3A_311, %dma_start3A_328, %dma_start3A_329] : memref<2x125x128xf32, #tpu.memory_space<vmem>> -> memref<1x125x128xf32, #tpu.memory_space<vmem>>
      %dma_start3A_331 = tpu.memref_squeeze %dma_start3A_330 : memref<1x125x128xf32, #tpu.memory_space<vmem>> -> memref<125x128xf32, #tpu.memory_space<vmem>>
      %dma_start3A_332 = arith.constant 0 : i32
      %dma_start3A_333 = tpu.memref_slice %arg6[%add3A_327, %dma_start3A_332] : memref<40x125xi32, #tpu.memory_space<vmem>> -> memref<1x125xi32, #tpu.memory_space<vmem>>
      %dma_start3A_334 = tpu.memref_squeeze %dma_start3A_333 : memref<1x125xi32, #tpu.memory_space<vmem>> -> memref<125xi32, #tpu.memory_space<vmem>>
      %dma_start3A_335 = arith.constant 0 : i32
      %dma_start3A_336 = arith.constant 0 : i32
      %dma_start3A_337 = tpu.memref_slice %arg4[%dma_start3A_335, %dma_start3A_336] : memref<10000x128xf32, #tpu.memory_space<hbm>> -> memref<10000x128xf32, #tpu.memory_space<hbm>>
      %dma_start3A_338 = tpu.memref_slice %arg10[%sub3A_311] : memref<2x!tpu.dma_semaphore, #tpu.memory_space<semaphore_mem>> -> memref<1x!tpu.dma_semaphore, #tpu.memory_space<semaphore_mem>>
      %dma_start3A_339 = tpu.memref_squeeze %dma_start3A_338 : memref<1x!tpu.dma_semaphore, #tpu.memory_space<semaphore_mem>> -> memref<!tpu.dma_semaphore, #tpu.memory_space<semaphore_mem>>
      tpu.enqueue_indirect_dma source(%dma_start3A_337 : memref<10000x128xf32, #tpu.memory_space<hbm>>) target(%dma_start3A_331 : memref<125x128xf32, #tpu.memory_space<vmem>>) offsets(%dma_start3A_334 : memref<125xi32, #tpu.memory_space<vmem>>) semaphore(%dma_start3A_339 : memref<!tpu.dma_semaphore, #tpu.memory_space<semaphore_mem>>)
      %dma_wait3A_340 = arith.constant 0 : i32
      %dma_wait3A_341 = arith.constant 0 : i32
      %dma_wait3A_342 = tpu.memref_slice %arg8[%rem3A_310, %dma_wait3A_340, %dma_wait3A_341] : memref<2x125x128xf32, #tpu.memory_space<vmem>> -> memref<1x125x128xf32, #tpu.memory_space<vmem>>
      %dma_wait3A_343 = tpu.memref_squeeze %dma_wait3A_342 : memref<1x125x128xf32, #tpu.memory_space<vmem>> -> memref<125x128xf32, #tpu.memory_space<vmem>>
      %dma_wait3A_344 = arith.constant 0 : i32
      %dma_wait3A_345 = tpu.memref_slice %arg6[%scan3A_309, %dma_wait3A_344] : memref<40x125xi32, #tpu.memory_space<vmem>> -> memref<1x125xi32, #tpu.memory_space<vmem>>
      %dma_wait3A_346 = tpu.memref_squeeze %dma_wait3A_345 : memref<1x125xi32, #tpu.memory_space<vmem>> -> memref<125xi32, #tpu.memory_space<vmem>>
      %dma_wait3A_347 = arith.constant 0 : i32
      %dma_wait3A_348 = arith.constant 0 : i32
      %dma_wait3A_349 = tpu.memref_slice %arg4[%dma_wait3A_347, %dma_wait3A_348] : memref<10000x128xf32, #tpu.memory_space<hbm>> -> memref<10000x128xf32, #tpu.memory_space<hbm>>
      %dma_wait3A_350 = tpu.memref_slice %arg10[%rem3A_310] : memref<2x!tpu.dma_semaphore, #tpu.memory_space<semaphore_mem>> -> memref<1x!tpu.dma_semaphore, #tpu.memory_space<semaphore_mem>>
      %dma_wait3A_351 = tpu.memref_squeeze %dma_wait3A_350 : memref<1x!tpu.dma_semaphore, #tpu.memory_space<semaphore_mem>> -> memref<!tpu.dma_semaphore, #tpu.memory_space<semaphore_mem>>
      tpu.wait_indirect_dma semaphore(%dma_wait3A_351 : memref<!tpu.dma_semaphore, #tpu.memory_space<semaphore_mem>>) src(%dma_wait3A_349 : memref<10000x128xf32, #tpu.memory_space<hbm>>) dst(%dma_wait3A_343 : memref<125x128xf32, #tpu.memory_space<vmem>>)
      %dma_start3A_352 = arith.constant 0 : i32
      %dma_start3A_353 = arith.constant 0 : i32
      %dma_start3A_354 = tpu.memref_slice %arg8[%rem3A_310, %dma_start3A_352, %dma_start3A_353] : memref<2x125x128xf32, #tpu.memory_space<vmem>> -> memref<1x125x128xf32, #tpu.memory_space<vmem>>
      %dma_start3A_355 = tpu.memref_squeeze %dma_start3A_354 : memref<1x125x128xf32, #tpu.memory_space<vmem>> -> memref<125x128xf32, #tpu.memory_space<vmem>>
      %dma_start3A_356 = arith.constant 0 : i32
      %dma_start3A_357 = tpu.memref_slice %arg7[%scan3A_309, %dma_start3A_356] : memref<40x125xi32, #tpu.memory_space<vmem>> -> memref<1x125xi32, #tpu.memory_space<vmem>>
      %dma_start3A_358 = tpu.memref_squeeze %dma_start3A_357 : memref<1x125xi32, #tpu.memory_space<vmem>> -> memref<125xi32, #tpu.memory_space<vmem>>
      %dma_start3A_359 = arith.constant 0 : i32
      %dma_start3A_360 = arith.constant 0 : i32
      %dma_start3A_361 = tpu.memref_slice %arg9[%dma_start3A_359, %dma_start3A_360] : memref<10240x128xf32, #tpu.memory_space<vmem_shared>> -> memref<10240x128xf32, #tpu.memory_space<vmem_shared>>
      %dma_start3A_362 = tpu.memref_slice %arg11[%rem3A_310] : memref<2x!tpu.dma_semaphore, #tpu.memory_space<semaphore_mem>> -> memref<1x!tpu.dma_semaphore, #tpu.memory_space<semaphore_mem>>
      %dma_start3A_363 = tpu.memref_squeeze %dma_start3A_362 : memref<1x!tpu.dma_semaphore, #tpu.memory_space<semaphore_mem>> -> memref<!tpu.dma_semaphore, #tpu.memory_space<semaphore_mem>>
      tpu.enqueue_indirect_dma source(%dma_start3A_355 : memref<125x128xf32, #tpu.memory_space<vmem>>) target(%dma_start3A_361 : memref<10240x128xf32, #tpu.memory_space<vmem_shared>>) offsets(%dma_start3A_358 : memref<125xi32, #tpu.memory_space<vmem>>) semaphore(%dma_start3A_363 : memref<!tpu.dma_semaphore, #tpu.memory_space<semaphore_mem>>) {add = true}
    }
    %scan3A_243 = arith.constant 38 : i32
    %dma_wait3A_244 = arith.constant 39 : i32
    %dma_wait3A_245 = arith.constant 1 : i32
    %dma_wait3A_246 = arith.constant 1 : i32
    %dma_wait3A_247 = arith.constant 0 : i32
    %dma_wait3A_248 = arith.constant 0 : i32
    %dma_wait3A_249 = tpu.memref_slice %arg8[%dma_wait3A_245, %dma_wait3A_247, %dma_wait3A_248] : memref<2x125x128xf32, #tpu.memory_space<vmem>> -> memref<1x125x128xf32, #tpu.memory_space<vmem>>
    %dma_wait3A_250 = tpu.memref_squeeze %dma_wait3A_249 : memref<1x125x128xf32, #tpu.memory_space<vmem>> -> memref<125x128xf32, #tpu.memory_space<vmem>>
    %dma_wait3A_251 = arith.constant 0 : i32
    %dma_wait3A_252 = tpu.memref_slice %arg6[%dma_wait3A_244, %dma_wait3A_251] : memref<40x125xi32, #tpu.memory_space<vmem>> -> memref<1x125xi32, #tpu.memory_space<vmem>>
    %dma_wait3A_253 = tpu.memref_squeeze %dma_wait3A_252 : memref<1x125xi32, #tpu.memory_space<vmem>> -> memref<125xi32, #tpu.memory_space<vmem>>
    %dma_wait3A_254 = arith.constant 0 : i32
    %dma_wait3A_255 = arith.constant 0 : i32
    %dma_wait3A_256 = tpu.memref_slice %arg4[%dma_wait3A_254, %dma_wait3A_255] : memref<10000x128xf32, #tpu.memory_space<hbm>> -> memref<10000x128xf32, #tpu.memory_space<hbm>>
    %dma_wait3A_257 = tpu.memref_slice %arg10[%dma_wait3A_246] : memref<2x!tpu.dma_semaphore, #tpu.memory_space<semaphore_mem>> -> memref<1x!tpu.dma_semaphore, #tpu.memory_space<semaphore_mem>>
    %dma_wait3A_258 = tpu.memref_squeeze %dma_wait3A_257 : memref<1x!tpu.dma_semaphore, #tpu.memory_space<semaphore_mem>> -> memref<!tpu.dma_semaphore, #tpu.memory_space<semaphore_mem>>
    tpu.wait_indirect_dma semaphore(%dma_wait3A_258 : memref<!tpu.dma_semaphore, #tpu.memory_space<semaphore_mem>>) src(%dma_wait3A_256 : memref<10000x128xf32, #tpu.memory_space<hbm>>) dst(%dma_wait3A_250 : memref<125x128xf32, #tpu.memory_space<vmem>>)
    %dma_start3A_259 = arith.constant 1 : i32
    %dma_start3A_260 = arith.constant 39 : i32
    %dma_start3A_261 = arith.constant 1 : i32
    %dma_start3A_262 = arith.constant 0 : i32
    %dma_start3A_263 = arith.constant 0 : i32
    %dma_start3A_264 = tpu.memref_slice %arg8[%dma_start3A_259, %dma_start3A_262, %dma_start3A_263] : memref<2x125x128xf32, #tpu.memory_space<vmem>> -> memref<1x125x128xf32, #tpu.memory_space<vmem>>
    %dma_start3A_265 = tpu.memref_squeeze %dma_start3A_264 : memref<1x125x128xf32, #tpu.memory_space<vmem>> -> memref<125x128xf32, #tpu.memory_space<vmem>>
    %dma_start3A_266 = arith.constant 0 : i32
    %dma_start3A_267 = tpu.memref_slice %arg7[%dma_start3A_260, %dma_start3A_266] : memref<40x125xi32, #tpu.memory_space<vmem>> -> memref<1x125xi32, #tpu.memory_space<vmem>>
    %dma_start3A_268 = tpu.memref_squeeze %dma_start3A_267 : memref<1x125xi32, #tpu.memory_space<vmem>> -> memref<125xi32, #tpu.memory_space<vmem>>
    %dma_start3A_269 = arith.constant 0 : i32
    %dma_start3A_270 = arith.constant 0 : i32
    %dma_start3A_271 = tpu.memref_slice %arg9[%dma_start3A_269, %dma_start3A_270] : memref<10240x128xf32, #tpu.memory_space<vmem_shared>> -> memref<10240x128xf32, #tpu.memory_space<vmem_shared>>
    %dma_start3A_272 = tpu.memref_slice %arg11[%dma_start3A_261] : memref<2x!tpu.dma_semaphore, #tpu.memory_space<semaphore_mem>> -> memref<1x!tpu.dma_semaphore, #tpu.memory_space<semaphore_mem>>
    %dma_start3A_273 = tpu.memref_squeeze %dma_start3A_272 : memref<1x!tpu.dma_semaphore, #tpu.memory_space<semaphore_mem>> -> memref<!tpu.dma_semaphore, #tpu.memory_space<semaphore_mem>>
    tpu.enqueue_indirect_dma source(%dma_start3A_265 : memref<125x128xf32, #tpu.memory_space<vmem>>) target(%dma_start3A_271 : memref<10240x128xf32, #tpu.memory_space<vmem_shared>>) offsets(%dma_start3A_268 : memref<125xi32, #tpu.memory_space<vmem>>) semaphore(%dma_start3A_273 : memref<!tpu.dma_semaphore, #tpu.memory_space<semaphore_mem>>) {add = true}
    %dma_wait3A_274 = arith.constant 0 : i32
    %dma_wait3A_275 = arith.constant 38 : i32
    %dma_wait3A_276 = arith.constant 0 : i32
    %dma_wait3A_277 = arith.constant 0 : i32
    %dma_wait3A_278 = arith.constant 0 : i32
    %dma_wait3A_279 = tpu.memref_slice %arg8[%dma_wait3A_274, %dma_wait3A_277, %dma_wait3A_278] : memref<2x125x128xf32, #tpu.memory_space<vmem>> -> memref<1x125x128xf32, #tpu.memory_space<vmem>>
    %dma_wait3A_280 = tpu.memref_squeeze %dma_wait3A_279 : memref<1x125x128xf32, #tpu.memory_space<vmem>> -> memref<125x128xf32, #tpu.memory_space<vmem>>
    %dma_wait3A_281 = arith.constant 0 : i32
    %dma_wait3A_282 = tpu.memref_slice %arg7[%dma_wait3A_275, %dma_wait3A_281] : memref<40x125xi32, #tpu.memory_space<vmem>> -> memref<1x125xi32, #tpu.memory_space<vmem>>
    %dma_wait3A_283 = tpu.memref_squeeze %dma_wait3A_282 : memref<1x125xi32, #tpu.memory_space<vmem>> -> memref<125xi32, #tpu.memory_space<vmem>>
    %dma_wait3A_284 = arith.constant 0 : i32
    %dma_wait3A_285 = arith.constant 0 : i32
    %dma_wait3A_286 = tpu.memref_slice %arg9[%dma_wait3A_284, %dma_wait3A_285] : memref<10240x128xf32, #tpu.memory_space<vmem_shared>> -> memref<10240x128xf32, #tpu.memory_space<vmem_shared>>
    %dma_wait3A_287 = tpu.memref_slice %arg11[%dma_wait3A_276] : memref<2x!tpu.dma_semaphore, #tpu.memory_space<semaphore_mem>> -> memref<1x!tpu.dma_semaphore, #tpu.memory_space<semaphore_mem>>
    %dma_wait3A_288 = tpu.memref_squeeze %dma_wait3A_287 : memref<1x!tpu.dma_semaphore, #tpu.memory_space<semaphore_mem>> -> memref<!tpu.dma_semaphore, #tpu.memory_space<semaphore_mem>>
    tpu.wait_indirect_dma semaphore(%dma_wait3A_288 : memref<!tpu.dma_semaphore, #tpu.memory_space<semaphore_mem>>) src(%dma_wait3A_280 : memref<125x128xf32, #tpu.memory_space<vmem>>) dst(%dma_wait3A_286 : memref<10240x128xf32, #tpu.memory_space<vmem_shared>>)
    %dma_wait3A_289 = arith.constant 1 : i32
    %dma_wait3A_290 = arith.constant 39 : i32
    %dma_wait3A_291 = arith.constant 1 : i32
    %dma_wait3A_292 = arith.constant 0 : i32
    %dma_wait3A_293 = arith.constant 0 : i32
    %dma_wait3A_294 = tpu.memref_slice %arg8[%dma_wait3A_289, %dma_wait3A_292, %dma_wait3A_293] : memref<2x125x128xf32, #tpu.memory_space<vmem>> -> memref<1x125x128xf32, #tpu.memory_space<vmem>>
    %dma_wait3A_295 = tpu.memref_squeeze %dma_wait3A_294 : memref<1x125x128xf32, #tpu.memory_space<vmem>> -> memref<125x128xf32, #tpu.memory_space<vmem>>
    %dma_wait3A_296 = arith.constant 0 : i32
    %dma_wait3A_297 = tpu.memref_slice %arg7[%dma_wait3A_290, %dma_wait3A_296] : memref<40x125xi32, #tpu.memory_space<vmem>> -> memref<1x125xi32, #tpu.memory_space<vmem>>
    %dma_wait3A_298 = tpu.memref_squeeze %dma_wait3A_297 : memref<1x125xi32, #tpu.memory_space<vmem>> -> memref<125xi32, #tpu.memory_space<vmem>>
    %dma_wait3A_299 = arith.constant 0 : i32
    %dma_wait3A_300 = arith.constant 0 : i32
    %dma_wait3A_301 = tpu.memref_slice %arg9[%dma_wait3A_299, %dma_wait3A_300] : memref<10240x128xf32, #tpu.memory_space<vmem_shared>> -> memref<10240x128xf32, #tpu.memory_space<vmem_shared>>
    %dma_wait3A_302 = tpu.memref_slice %arg11[%dma_wait3A_291] : memref<2x!tpu.dma_semaphore, #tpu.memory_space<semaphore_mem>> -> memref<1x!tpu.dma_semaphore, #tpu.memory_space<semaphore_mem>>
    %dma_wait3A_303 = tpu.memref_squeeze %dma_wait3A_302 : memref<1x!tpu.dma_semaphore, #tpu.memory_space<semaphore_mem>> -> memref<!tpu.dma_semaphore, #tpu.memory_space<semaphore_mem>>
    tpu.wait_indirect_dma semaphore(%dma_wait3A_303 : memref<!tpu.dma_semaphore, #tpu.memory_space<semaphore_mem>>) src(%dma_wait3A_295 : memref<125x128xf32, #tpu.memory_space<vmem>>) dst(%dma_wait3A_301 : memref<10240x128xf32, #tpu.memory_space<vmem_shared>>)
    %barrier3A_304 = arith.constant 0 : index
    tpu.barrier barrier_id(%barrier3A_304)
    %mul3A_305 = arith.constant 640 : i32
    %mul3A_306 = arith.muli %arg1, %mul3A_305 : i32
    %mul3A_307 = arith.constant 640 : i32
    %mul3A_308 = arith.muli %arg1, %mul3A_307 : i32
    "tpu.region"() ({
      %run_scoped3A_309 = tpu.sem_alloc : memref<!tpu.dma_semaphore, #tpu.memory_space<semaphore_mem>>
      %dma_start3A_310 = arith.constant 0 : i32
      %dma_start3A_311 = tpu.memref_slice %arg5[%arg0, %mul3A_308, %dma_start3A_310] : memref<2x10240x128xf32, #tpu.memory_space<hbm>> -> memref<1x640x128xf32, #tpu.memory_space<hbm>>
      %dma_start3A_312 = tpu.memref_squeeze %dma_start3A_311 : memref<1x640x128xf32, #tpu.memory_space<hbm>> -> memref<640x128xf32, #tpu.memory_space<hbm>>
      %dma_start3A_313 = arith.constant 0 : i32
      %dma_start3A_314 = tpu.memref_slice %arg9[%mul3A_306, %dma_start3A_313] : memref<10240x128xf32, #tpu.memory_space<vmem_shared>> -> memref<640x128xf32, #tpu.memory_space<vmem_shared>>
      tpu.enqueue_dma source(%dma_start3A_314 : memref<640x128xf32, #tpu.memory_space<vmem_shared>>) target(%dma_start3A_312 : memref<640x128xf32, #tpu.memory_space<hbm>>) target_semaphore(%run_scoped3A_309 : memref<!tpu.dma_semaphore, #tpu.memory_space<semaphore_mem>>)
      %dma_wait3A_315 = arith.constant 0 : i32
      %dma_wait3A_316 = tpu.memref_slice %arg5[%arg0, %mul3A_308, %dma_wait3A_315] : memref<2x10240x128xf32, #tpu.memory_space<hbm>> -> memref<1x640x128xf32, #tpu.memory_space<hbm>>
      %dma_wait3A_317 = tpu.memref_squeeze %dma_wait3A_316 : memref<1x640x128xf32, #tpu.memory_space<hbm>> -> memref<640x128xf32, #tpu.memory_space<hbm>>
      %dma_wait3A_318 = arith.constant 0 : i32
      %dma_wait3A_319 = tpu.memref_slice %arg9[%mul3A_306, %dma_wait3A_318] : memref<10240x128xf32, #tpu.memory_space<vmem_shared>> -> memref<640x128xf32, #tpu.memory_space<vmem_shared>>
      tpu.wait_dma2 semaphore(%run_scoped3A_309 : memref<!tpu.dma_semaphore, #tpu.memory_space<semaphore_mem>>) src(%dma_wait3A_319 : memref<640x128xf32, #tpu.memory_space<vmem_shared>>) dst(%dma_wait3A_317 : memref<640x128xf32, #tpu.memory_space<hbm>>)
      tpu.yield
    }) : () -> ()
    return
  }
}

module attributes {stable_mosaic.version = 14 : i64} {
  func.func @_proj_body(%arg0: i32, %arg1: memref<2000x128xf32, #tpu.memory_space<vmem>>, %arg2: memref<128x128xf32, #tpu.memory_space<vmem>>, %arg3: memref<2000x4xf32, #tpu.memory_space<vmem>>, %arg4: memref<2000x128xf32, #tpu.memory_space<vmem>>) attributes {dimension_semantics = [#tpu.dimension_semantics<arbitrary>], iteration_bounds = array<i64: 5>, scalar_prefetch = 0 : i64, scratch_operands = 0 : i64, tpu.core_type = #tpu.core_type<tc>, window_params = [{transform_indices = @transform_0, window_bounds = array<i64: 2000, 128>}, {pipeline_mode = #tpu.pipeline_mode<synchronous>, transform_indices = @transform_1, window_bounds = array<i64: 128, 128>}, {transform_indices = @transform_2, window_bounds = array<i64: 2000, 4>}, {transform_indices = @transform_3, window_bounds = array<i64: 2000, 128>}]} {
    %get3A = arith.constant 0 : index
    %get3A_0 = arith.constant 0 : index
    %get3A_1 = vector.load %arg1[%get3A, %get3A_0] : memref<2000x128xf32, #tpu.memory_space<vmem>>, vector<2000x128xf32>
    %get3A_2 = arith.constant 0 : index
    %get3A_3 = arith.constant 0 : index
    %get3A_4 = vector.load %arg2[%get3A_2, %get3A_3] : memref<128x128xf32, #tpu.memory_space<vmem>>, vector<128x128xf32>
    %dot_general3A = arith.constant dense<0.000000e+00> : vector<2000x128xf32>
    %dot_general3A_5 = tpu.matmul %get3A_1, %get3A_4, %dot_general3A {dimension_numbers = #tpu.dot_dimension_numbers<[1], [0], [0], [1], [0, 0, 1, 1], [], []>, transpose_lhs_hint = false} : vector<2000x128xf32>, vector<128x128xf32>, vector<2000x128xf32> -> vector<2000x128xf32>
    %iota3A = tpu.iota {dimensions = array<i32: 1>} : vector<1x128xi32>
    %and3A = arith.constant 1 : i32
    %and3A_6 = vector.broadcast %and3A : i32 to vector<1x128xi32>
    %and3A_7 = arith.andi %iota3A, %and3A_6 : vector<1x128xi32>
    %ne3A = arith.constant 0 : i32
    %ne3A_8 = vector.broadcast %ne3A : i32 to vector<1x128xi32>
    %ne3A_9 = arith.cmpi ne, %and3A_7, %ne3A_8 : vector<1x128xi32>
    %roll3A = arith.constant 1 : i32
    %roll3A_10 = tpu.dynamic_rotate %dot_general3A_5 by %roll3A dim 1 : vector<2000x128xf32>, i32 -> vector<2000x128xf32>
    %roll3A_11 = arith.constant 127 : i32
    %roll3A_12 = tpu.dynamic_rotate %dot_general3A_5 by %roll3A_11 dim 1 : vector<2000x128xf32>, i32 -> vector<2000x128xf32>
    %broadcast_in_dim3A = vector.shape_cast %ne3A_9 : vector<1x128xi1> to vector<1x128xi1>
    %broadcast_in_dim3A_13 = vector.broadcast %broadcast_in_dim3A : vector<1x128xi1> to vector<2000x128xi1>
    %select_n3A = arith.select %broadcast_in_dim3A_13, %roll3A_10, %roll3A_12 : vector<2000x128xi1>, vector<2000x128xf32>
    %and3A_14 = arith.constant 2 : i32
    %and3A_15 = vector.broadcast %and3A_14 : i32 to vector<1x128xi32>
    %and3A_16 = arith.andi %iota3A, %and3A_15 : vector<1x128xi32>
    %eq3A = arith.constant 0 : i32
    %eq3A_17 = vector.broadcast %eq3A : i32 to vector<1x128xi32>
    %eq3A_18 = arith.cmpi eq, %and3A_16, %eq3A_17 : vector<1x128xi32>
    %not3A = arith.constant dense<true> : vector<1x128xi1>
    %not3A_19 = arith.xori %ne3A_9, %not3A : vector<1x128xi1>
    %eq3A_20 = arith.xori %eq3A_18, %not3A_19 : vector<1x128xi1>
    %eq3A_21 = arith.constant dense<true> : vector<1x128xi1>
    %eq3A_22 = arith.xori %eq3A_20, %eq3A_21 : vector<1x128xi1>
    %min3A = arith.minimumf %dot_general3A_5, %select_n3A : vector<2000x128xf32>
    %max3A = arith.maximumf %dot_general3A_5, %select_n3A : vector<2000x128xf32>
    %broadcast_in_dim3A_23 = vector.shape_cast %eq3A_22 : vector<1x128xi1> to vector<1x128xi1>
    %broadcast_in_dim3A_24 = vector.broadcast %broadcast_in_dim3A_23 : vector<1x128xi1> to vector<2000x128xi1>
    %select_n3A_25 = arith.select %broadcast_in_dim3A_24, %min3A, %max3A : vector<2000x128xi1>, vector<2000x128xf32>
    %and3A_26 = arith.constant 2 : i32
    %and3A_27 = vector.broadcast %and3A_26 : i32 to vector<1x128xi32>
    %and3A_28 = arith.andi %iota3A, %and3A_27 : vector<1x128xi32>
    %ne3A_29 = arith.constant 0 : i32
    %ne3A_30 = vector.broadcast %ne3A_29 : i32 to vector<1x128xi32>
    %ne3A_31 = arith.cmpi ne, %and3A_28, %ne3A_30 : vector<1x128xi32>
    %roll3A_32 = arith.constant 2 : i32
    %roll3A_33 = tpu.dynamic_rotate %select_n3A_25 by %roll3A_32 dim 1 : vector<2000x128xf32>, i32 -> vector<2000x128xf32>
    %roll3A_34 = arith.constant 126 : i32
    %roll3A_35 = tpu.dynamic_rotate %select_n3A_25 by %roll3A_34 dim 1 : vector<2000x128xf32>, i32 -> vector<2000x128xf32>
    %broadcast_in_dim3A_36 = vector.shape_cast %ne3A_31 : vector<1x128xi1> to vector<1x128xi1>
    %broadcast_in_dim3A_37 = vector.broadcast %broadcast_in_dim3A_36 : vector<1x128xi1> to vector<2000x128xi1>
    %select_n3A_38 = arith.select %broadcast_in_dim3A_37, %roll3A_33, %roll3A_35 : vector<2000x128xi1>, vector<2000x128xf32>
    %and3A_39 = arith.constant 4 : i32
    %and3A_40 = vector.broadcast %and3A_39 : i32 to vector<1x128xi32>
    %and3A_41 = arith.andi %iota3A, %and3A_40 : vector<1x128xi32>
    %eq3A_42 = arith.constant 0 : i32
    %eq3A_43 = vector.broadcast %eq3A_42 : i32 to vector<1x128xi32>
    %eq3A_44 = arith.cmpi eq, %and3A_41, %eq3A_43 : vector<1x128xi32>
    %not3A_45 = arith.constant dense<true> : vector<1x128xi1>
    %not3A_46 = arith.xori %ne3A_31, %not3A_45 : vector<1x128xi1>
    %eq3A_47 = arith.xori %eq3A_44, %not3A_46 : vector<1x128xi1>
    %eq3A_48 = arith.constant dense<true> : vector<1x128xi1>
    %eq3A_49 = arith.xori %eq3A_47, %eq3A_48 : vector<1x128xi1>
    %min3A_50 = arith.minimumf %select_n3A_25, %select_n3A_38 : vector<2000x128xf32>
    %max3A_51 = arith.maximumf %select_n3A_25, %select_n3A_38 : vector<2000x128xf32>
    %broadcast_in_dim3A_52 = vector.shape_cast %eq3A_49 : vector<1x128xi1> to vector<1x128xi1>
    %broadcast_in_dim3A_53 = vector.broadcast %broadcast_in_dim3A_52 : vector<1x128xi1> to vector<2000x128xi1>
    %select_n3A_54 = arith.select %broadcast_in_dim3A_53, %min3A_50, %max3A_51 : vector<2000x128xi1>, vector<2000x128xf32>
    %and3A_55 = arith.constant 1 : i32
    %and3A_56 = vector.broadcast %and3A_55 : i32 to vector<1x128xi32>
    %and3A_57 = arith.andi %iota3A, %and3A_56 : vector<1x128xi32>
    %ne3A_58 = arith.constant 0 : i32
    %ne3A_59 = vector.broadcast %ne3A_58 : i32 to vector<1x128xi32>
    %ne3A_60 = arith.cmpi ne, %and3A_57, %ne3A_59 : vector<1x128xi32>
    %roll3A_61 = arith.constant 1 : i32
    %roll3A_62 = tpu.dynamic_rotate %select_n3A_54 by %roll3A_61 dim 1 : vector<2000x128xf32>, i32 -> vector<2000x128xf32>
    %roll3A_63 = arith.constant 127 : i32
    %roll3A_64 = tpu.dynamic_rotate %select_n3A_54 by %roll3A_63 dim 1 : vector<2000x128xf32>, i32 -> vector<2000x128xf32>
    %broadcast_in_dim3A_65 = vector.shape_cast %ne3A_60 : vector<1x128xi1> to vector<1x128xi1>
    %broadcast_in_dim3A_66 = vector.broadcast %broadcast_in_dim3A_65 : vector<1x128xi1> to vector<2000x128xi1>
    %select_n3A_67 = arith.select %broadcast_in_dim3A_66, %roll3A_62, %roll3A_64 : vector<2000x128xi1>, vector<2000x128xf32>
    %and3A_68 = arith.constant 4 : i32
    %and3A_69 = vector.broadcast %and3A_68 : i32 to vector<1x128xi32>
    %and3A_70 = arith.andi %iota3A, %and3A_69 : vector<1x128xi32>
    %eq3A_71 = arith.constant 0 : i32
    %eq3A_72 = vector.broadcast %eq3A_71 : i32 to vector<1x128xi32>
    %eq3A_73 = arith.cmpi eq, %and3A_70, %eq3A_72 : vector<1x128xi32>
    %not3A_74 = arith.constant dense<true> : vector<1x128xi1>
    %not3A_75 = arith.xori %ne3A_60, %not3A_74 : vector<1x128xi1>
    %eq3A_76 = arith.xori %eq3A_73, %not3A_75 : vector<1x128xi1>
    %eq3A_77 = arith.constant dense<true> : vector<1x128xi1>
    %eq3A_78 = arith.xori %eq3A_76, %eq3A_77 : vector<1x128xi1>
    %min3A_79 = arith.minimumf %select_n3A_54, %select_n3A_67 : vector<2000x128xf32>
    %max3A_80 = arith.maximumf %select_n3A_54, %select_n3A_67 : vector<2000x128xf32>
    %broadcast_in_dim3A_81 = vector.shape_cast %eq3A_78 : vector<1x128xi1> to vector<1x128xi1>
    %broadcast_in_dim3A_82 = vector.broadcast %broadcast_in_dim3A_81 : vector<1x128xi1> to vector<2000x128xi1>
    %select_n3A_83 = arith.select %broadcast_in_dim3A_82, %min3A_79, %max3A_80 : vector<2000x128xi1>, vector<2000x128xf32>
    %and3A_84 = arith.constant 4 : i32
    %and3A_85 = vector.broadcast %and3A_84 : i32 to vector<1x128xi32>
    %and3A_86 = arith.andi %iota3A, %and3A_85 : vector<1x128xi32>
    %ne3A_87 = arith.constant 0 : i32
    %ne3A_88 = vector.broadcast %ne3A_87 : i32 to vector<1x128xi32>
    %ne3A_89 = arith.cmpi ne, %and3A_86, %ne3A_88 : vector<1x128xi32>
    %roll3A_90 = arith.constant 4 : i32
    %roll3A_91 = tpu.dynamic_rotate %select_n3A_83 by %roll3A_90 dim 1 : vector<2000x128xf32>, i32 -> vector<2000x128xf32>
    %roll3A_92 = arith.constant 124 : i32
    %roll3A_93 = tpu.dynamic_rotate %select_n3A_83 by %roll3A_92 dim 1 : vector<2000x128xf32>, i32 -> vector<2000x128xf32>
    %broadcast_in_dim3A_94 = vector.shape_cast %ne3A_89 : vector<1x128xi1> to vector<1x128xi1>
    %broadcast_in_dim3A_95 = vector.broadcast %broadcast_in_dim3A_94 : vector<1x128xi1> to vector<2000x128xi1>
    %select_n3A_96 = arith.select %broadcast_in_dim3A_95, %roll3A_91, %roll3A_93 : vector<2000x128xi1>, vector<2000x128xf32>
    %and3A_97 = arith.constant 8 : i32
    %and3A_98 = vector.broadcast %and3A_97 : i32 to vector<1x128xi32>
    %and3A_99 = arith.andi %iota3A, %and3A_98 : vector<1x128xi32>
    %eq3A_100 = arith.constant 0 : i32
    %eq3A_101 = vector.broadcast %eq3A_100 : i32 to vector<1x128xi32>
    %eq3A_102 = arith.cmpi eq, %and3A_99, %eq3A_101 : vector<1x128xi32>
    %not3A_103 = arith.constant dense<true> : vector<1x128xi1>
    %not3A_104 = arith.xori %ne3A_89, %not3A_103 : vector<1x128xi1>
    %eq3A_105 = arith.xori %eq3A_102, %not3A_104 : vector<1x128xi1>
    %eq3A_106 = arith.constant dense<true> : vector<1x128xi1>
    %eq3A_107 = arith.xori %eq3A_105, %eq3A_106 : vector<1x128xi1>
    %min3A_108 = arith.minimumf %select_n3A_83, %select_n3A_96 : vector<2000x128xf32>
    %max3A_109 = arith.maximumf %select_n3A_83, %select_n3A_96 : vector<2000x128xf32>
    %broadcast_in_dim3A_110 = vector.shape_cast %eq3A_107 : vector<1x128xi1> to vector<1x128xi1>
    %broadcast_in_dim3A_111 = vector.broadcast %broadcast_in_dim3A_110 : vector<1x128xi1> to vector<2000x128xi1>
    %select_n3A_112 = arith.select %broadcast_in_dim3A_111, %min3A_108, %max3A_109 : vector<2000x128xi1>, vector<2000x128xf32>
    %and3A_113 = arith.constant 2 : i32
    %and3A_114 = vector.broadcast %and3A_113 : i32 to vector<1x128xi32>
    %and3A_115 = arith.andi %iota3A, %and3A_114 : vector<1x128xi32>
    %ne3A_116 = arith.constant 0 : i32
    %ne3A_117 = vector.broadcast %ne3A_116 : i32 to vector<1x128xi32>
    %ne3A_118 = arith.cmpi ne, %and3A_115, %ne3A_117 : vector<1x128xi32>
    %roll3A_119 = arith.constant 2 : i32
    %roll3A_120 = tpu.dynamic_rotate %select_n3A_112 by %roll3A_119 dim 1 : vector<2000x128xf32>, i32 -> vector<2000x128xf32>
    %roll3A_121 = arith.constant 126 : i32
    %roll3A_122 = tpu.dynamic_rotate %select_n3A_112 by %roll3A_121 dim 1 : vector<2000x128xf32>, i32 -> vector<2000x128xf32>
    %broadcast_in_dim3A_123 = vector.shape_cast %ne3A_118 : vector<1x128xi1> to vector<1x128xi1>
    %broadcast_in_dim3A_124 = vector.broadcast %broadcast_in_dim3A_123 : vector<1x128xi1> to vector<2000x128xi1>
    %select_n3A_125 = arith.select %broadcast_in_dim3A_124, %roll3A_120, %roll3A_122 : vector<2000x128xi1>, vector<2000x128xf32>
    %and3A_126 = arith.constant 8 : i32
    %and3A_127 = vector.broadcast %and3A_126 : i32 to vector<1x128xi32>
    %and3A_128 = arith.andi %iota3A, %and3A_127 : vector<1x128xi32>
    %eq3A_129 = arith.constant 0 : i32
    %eq3A_130 = vector.broadcast %eq3A_129 : i32 to vector<1x128xi32>
    %eq3A_131 = arith.cmpi eq, %and3A_128, %eq3A_130 : vector<1x128xi32>
    %not3A_132 = arith.constant dense<true> : vector<1x128xi1>
    %not3A_133 = arith.xori %ne3A_118, %not3A_132 : vector<1x128xi1>
    %eq3A_134 = arith.xori %eq3A_131, %not3A_133 : vector<1x128xi1>
    %eq3A_135 = arith.constant dense<true> : vector<1x128xi1>
    %eq3A_136 = arith.xori %eq3A_134, %eq3A_135 : vector<1x128xi1>
    %min3A_137 = arith.minimumf %select_n3A_112, %select_n3A_125 : vector<2000x128xf32>
    %max3A_138 = arith.maximumf %select_n3A_112, %select_n3A_125 : vector<2000x128xf32>
    %broadcast_in_dim3A_139 = vector.shape_cast %eq3A_136 : vector<1x128xi1> to vector<1x128xi1>
    %broadcast_in_dim3A_140 = vector.broadcast %broadcast_in_dim3A_139 : vector<1x128xi1> to vector<2000x128xi1>
    %select_n3A_141 = arith.select %broadcast_in_dim3A_140, %min3A_137, %max3A_138 : vector<2000x128xi1>, vector<2000x128xf32>
    %and3A_142 = arith.constant 1 : i32
    %and3A_143 = vector.broadcast %and3A_142 : i32 to vector<1x128xi32>
    %and3A_144 = arith.andi %iota3A, %and3A_143 : vector<1x128xi32>
    %ne3A_145 = arith.constant 0 : i32
    %ne3A_146 = vector.broadcast %ne3A_145 : i32 to vector<1x128xi32>
    %ne3A_147 = arith.cmpi ne, %and3A_144, %ne3A_146 : vector<1x128xi32>
    %roll3A_148 = arith.constant 1 : i32
    %roll3A_149 = tpu.dynamic_rotate %select_n3A_141 by %roll3A_148 dim 1 : vector<2000x128xf32>, i32 -> vector<2000x128xf32>
    %roll3A_150 = arith.constant 127 : i32
    %roll3A_151 = tpu.dynamic_rotate %select_n3A_141 by %roll3A_150 dim 1 : vector<2000x128xf32>, i32 -> vector<2000x128xf32>
    %broadcast_in_dim3A_152 = vector.shape_cast %ne3A_147 : vector<1x128xi1> to vector<1x128xi1>
    %broadcast_in_dim3A_153 = vector.broadcast %broadcast_in_dim3A_152 : vector<1x128xi1> to vector<2000x128xi1>
    %select_n3A_154 = arith.select %broadcast_in_dim3A_153, %roll3A_149, %roll3A_151 : vector<2000x128xi1>, vector<2000x128xf32>
    %and3A_155 = arith.constant 8 : i32
    %and3A_156 = vector.broadcast %and3A_155 : i32 to vector<1x128xi32>
    %and3A_157 = arith.andi %iota3A, %and3A_156 : vector<1x128xi32>
    %eq3A_158 = arith.constant 0 : i32
    %eq3A_159 = vector.broadcast %eq3A_158 : i32 to vector<1x128xi32>
    %eq3A_160 = arith.cmpi eq, %and3A_157, %eq3A_159 : vector<1x128xi32>
    %not3A_161 = arith.constant dense<true> : vector<1x128xi1>
    %not3A_162 = arith.xori %ne3A_147, %not3A_161 : vector<1x128xi1>
    %eq3A_163 = arith.xori %eq3A_160, %not3A_162 : vector<1x128xi1>
    %eq3A_164 = arith.constant dense<true> : vector<1x128xi1>
    %eq3A_165 = arith.xori %eq3A_163, %eq3A_164 : vector<1x128xi1>
    %min3A_166 = arith.minimumf %select_n3A_141, %select_n3A_154 : vector<2000x128xf32>
    %max3A_167 = arith.maximumf %select_n3A_141, %select_n3A_154 : vector<2000x128xf32>
    %broadcast_in_dim3A_168 = vector.shape_cast %eq3A_165 : vector<1x128xi1> to vector<1x128xi1>
    %broadcast_in_dim3A_169 = vector.broadcast %broadcast_in_dim3A_168 : vector<1x128xi1> to vector<2000x128xi1>
    %select_n3A_170 = arith.select %broadcast_in_dim3A_169, %min3A_166, %max3A_167 : vector<2000x128xi1>, vector<2000x128xf32>
    %and3A_171 = arith.constant 8 : i32
    %and3A_172 = vector.broadcast %and3A_171 : i32 to vector<1x128xi32>
    %and3A_173 = arith.andi %iota3A, %and3A_172 : vector<1x128xi32>
    %ne3A_174 = arith.constant 0 : i32
    %ne3A_175 = vector.broadcast %ne3A_174 : i32 to vector<1x128xi32>
    %ne3A_176 = arith.cmpi ne, %and3A_173, %ne3A_175 : vector<1x128xi32>
    %roll3A_177 = arith.constant 8 : i32
    %roll3A_178 = tpu.dynamic_rotate %select_n3A_170 by %roll3A_177 dim 1 : vector<2000x128xf32>, i32 -> vector<2000x128xf32>
    %roll3A_179 = arith.constant 120 : i32
    %roll3A_180 = tpu.dynamic_rotate %select_n3A_170 by %roll3A_179 dim 1 : vector<2000x128xf32>, i32 -> vector<2000x128xf32>
    %broadcast_in_dim3A_181 = vector.shape_cast %ne3A_176 : vector<1x128xi1> to vector<1x128xi1>
    %broadcast_in_dim3A_182 = vector.broadcast %broadcast_in_dim3A_181 : vector<1x128xi1> to vector<2000x128xi1>
    %select_n3A_183 = arith.select %broadcast_in_dim3A_182, %roll3A_178, %roll3A_180 : vector<2000x128xi1>, vector<2000x128xf32>
    %and3A_184 = arith.constant 16 : i32
    %and3A_185 = vector.broadcast %and3A_184 : i32 to vector<1x128xi32>
    %and3A_186 = arith.andi %iota3A, %and3A_185 : vector<1x128xi32>
    %eq3A_187 = arith.constant 0 : i32
    %eq3A_188 = vector.broadcast %eq3A_187 : i32 to vector<1x128xi32>
    %eq3A_189 = arith.cmpi eq, %and3A_186, %eq3A_188 : vector<1x128xi32>
    %not3A_190 = arith.constant dense<true> : vector<1x128xi1>
    %not3A_191 = arith.xori %ne3A_176, %not3A_190 : vector<1x128xi1>
    %eq3A_192 = arith.xori %eq3A_189, %not3A_191 : vector<1x128xi1>
    %eq3A_193 = arith.constant dense<true> : vector<1x128xi1>
    %eq3A_194 = arith.xori %eq3A_192, %eq3A_193 : vector<1x128xi1>
    %min3A_195 = arith.minimumf %select_n3A_170, %select_n3A_183 : vector<2000x128xf32>
    %max3A_196 = arith.maximumf %select_n3A_170, %select_n3A_183 : vector<2000x128xf32>
    %broadcast_in_dim3A_197 = vector.shape_cast %eq3A_194 : vector<1x128xi1> to vector<1x128xi1>
    %broadcast_in_dim3A_198 = vector.broadcast %broadcast_in_dim3A_197 : vector<1x128xi1> to vector<2000x128xi1>
    %select_n3A_199 = arith.select %broadcast_in_dim3A_198, %min3A_195, %max3A_196 : vector<2000x128xi1>, vector<2000x128xf32>
    %and3A_200 = arith.constant 4 : i32
    %and3A_201 = vector.broadcast %and3A_200 : i32 to vector<1x128xi32>
    %and3A_202 = arith.andi %iota3A, %and3A_201 : vector<1x128xi32>
    %ne3A_203 = arith.constant 0 : i32
    %ne3A_204 = vector.broadcast %ne3A_203 : i32 to vector<1x128xi32>
    %ne3A_205 = arith.cmpi ne, %and3A_202, %ne3A_204 : vector<1x128xi32>
    %roll3A_206 = arith.constant 4 : i32
    %roll3A_207 = tpu.dynamic_rotate %select_n3A_199 by %roll3A_206 dim 1 : vector<2000x128xf32>, i32 -> vector<2000x128xf32>
    %roll3A_208 = arith.constant 124 : i32
    %roll3A_209 = tpu.dynamic_rotate %select_n3A_199 by %roll3A_208 dim 1 : vector<2000x128xf32>, i32 -> vector<2000x128xf32>
    %broadcast_in_dim3A_210 = vector.shape_cast %ne3A_205 : vector<1x128xi1> to vector<1x128xi1>
    %broadcast_in_dim3A_211 = vector.broadcast %broadcast_in_dim3A_210 : vector<1x128xi1> to vector<2000x128xi1>
    %select_n3A_212 = arith.select %broadcast_in_dim3A_211, %roll3A_207, %roll3A_209 : vector<2000x128xi1>, vector<2000x128xf32>
    %and3A_213 = arith.constant 16 : i32
    %and3A_214 = vector.broadcast %and3A_213 : i32 to vector<1x128xi32>
    %and3A_215 = arith.andi %iota3A, %and3A_214 : vector<1x128xi32>
    %eq3A_216 = arith.constant 0 : i32
    %eq3A_217 = vector.broadcast %eq3A_216 : i32 to vector<1x128xi32>
    %eq3A_218 = arith.cmpi eq, %and3A_215, %eq3A_217 : vector<1x128xi32>
    %not3A_219 = arith.constant dense<true> : vector<1x128xi1>
    %not3A_220 = arith.xori %ne3A_205, %not3A_219 : vector<1x128xi1>
    %eq3A_221 = arith.xori %eq3A_218, %not3A_220 : vector<1x128xi1>
    %eq3A_222 = arith.constant dense<true> : vector<1x128xi1>
    %eq3A_223 = arith.xori %eq3A_221, %eq3A_222 : vector<1x128xi1>
    %min3A_224 = arith.minimumf %select_n3A_199, %select_n3A_212 : vector<2000x128xf32>
    %max3A_225 = arith.maximumf %select_n3A_199, %select_n3A_212 : vector<2000x128xf32>
    %broadcast_in_dim3A_226 = vector.shape_cast %eq3A_223 : vector<1x128xi1> to vector<1x128xi1>
    %broadcast_in_dim3A_227 = vector.broadcast %broadcast_in_dim3A_226 : vector<1x128xi1> to vector<2000x128xi1>
    %select_n3A_228 = arith.select %broadcast_in_dim3A_227, %min3A_224, %max3A_225 : vector<2000x128xi1>, vector<2000x128xf32>
    %and3A_229 = arith.constant 2 : i32
    %and3A_230 = vector.broadcast %and3A_229 : i32 to vector<1x128xi32>
    %and3A_231 = arith.andi %iota3A, %and3A_230 : vector<1x128xi32>
    %ne3A_232 = arith.constant 0 : i32
    %ne3A_233 = vector.broadcast %ne3A_232 : i32 to vector<1x128xi32>
    %ne3A_234 = arith.cmpi ne, %and3A_231, %ne3A_233 : vector<1x128xi32>
    %roll3A_235 = arith.constant 2 : i32
    %roll3A_236 = tpu.dynamic_rotate %select_n3A_228 by %roll3A_235 dim 1 : vector<2000x128xf32>, i32 -> vector<2000x128xf32>
    %roll3A_237 = arith.constant 126 : i32
    %roll3A_238 = tpu.dynamic_rotate %select_n3A_228 by %roll3A_237 dim 1 : vector<2000x128xf32>, i32 -> vector<2000x128xf32>
    %broadcast_in_dim3A_239 = vector.shape_cast %ne3A_234 : vector<1x128xi1> to vector<1x128xi1>
    %broadcast_in_dim3A_240 = vector.broadcast %broadcast_in_dim3A_239 : vector<1x128xi1> to vector<2000x128xi1>
    %select_n3A_241 = arith.select %broadcast_in_dim3A_240, %roll3A_236, %roll3A_238 : vector<2000x128xi1>, vector<2000x128xf32>
    %and3A_242 = arith.constant 16 : i32
    %and3A_243 = vector.broadcast %and3A_242 : i32 to vector<1x128xi32>
    %and3A_244 = arith.andi %iota3A, %and3A_243 : vector<1x128xi32>
    %eq3A_245 = arith.constant 0 : i32
    %eq3A_246 = vector.broadcast %eq3A_245 : i32 to vector<1x128xi32>
    %eq3A_247 = arith.cmpi eq, %and3A_244, %eq3A_246 : vector<1x128xi32>
    %not3A_248 = arith.constant dense<true> : vector<1x128xi1>
    %not3A_249 = arith.xori %ne3A_234, %not3A_248 : vector<1x128xi1>
    %eq3A_250 = arith.xori %eq3A_247, %not3A_249 : vector<1x128xi1>
    %eq3A_251 = arith.constant dense<true> : vector<1x128xi1>
    %eq3A_252 = arith.xori %eq3A_250, %eq3A_251 : vector<1x128xi1>
    %min3A_253 = arith.minimumf %select_n3A_228, %select_n3A_241 : vector<2000x128xf32>
    %max3A_254 = arith.maximumf %select_n3A_228, %select_n3A_241 : vector<2000x128xf32>
    %broadcast_in_dim3A_255 = vector.shape_cast %eq3A_252 : vector<1x128xi1> to vector<1x128xi1>
    %broadcast_in_dim3A_256 = vector.broadcast %broadcast_in_dim3A_255 : vector<1x128xi1> to vector<2000x128xi1>
    %select_n3A_257 = arith.select %broadcast_in_dim3A_256, %min3A_253, %max3A_254 : vector<2000x128xi1>, vector<2000x128xf32>
    %and3A_258 = arith.constant 1 : i32
    %and3A_259 = vector.broadcast %and3A_258 : i32 to vector<1x128xi32>
    %and3A_260 = arith.andi %iota3A, %and3A_259 : vector<1x128xi32>
    %ne3A_261 = arith.constant 0 : i32
    %ne3A_262 = vector.broadcast %ne3A_261 : i32 to vector<1x128xi32>
    %ne3A_263 = arith.cmpi ne, %and3A_260, %ne3A_262 : vector<1x128xi32>
    %roll3A_264 = arith.constant 1 : i32
    %roll3A_265 = tpu.dynamic_rotate %select_n3A_257 by %roll3A_264 dim 1 : vector<2000x128xf32>, i32 -> vector<2000x128xf32>
    %roll3A_266 = arith.constant 127 : i32
    %roll3A_267 = tpu.dynamic_rotate %select_n3A_257 by %roll3A_266 dim 1 : vector<2000x128xf32>, i32 -> vector<2000x128xf32>
    %broadcast_in_dim3A_268 = vector.shape_cast %ne3A_263 : vector<1x128xi1> to vector<1x128xi1>
    %broadcast_in_dim3A_269 = vector.broadcast %broadcast_in_dim3A_268 : vector<1x128xi1> to vector<2000x128xi1>
    %select_n3A_270 = arith.select %broadcast_in_dim3A_269, %roll3A_265, %roll3A_267 : vector<2000x128xi1>, vector<2000x128xf32>
    %and3A_271 = arith.constant 16 : i32
    %and3A_272 = vector.broadcast %and3A_271 : i32 to vector<1x128xi32>
    %and3A_273 = arith.andi %iota3A, %and3A_272 : vector<1x128xi32>
    %eq3A_274 = arith.constant 0 : i32
    %eq3A_275 = vector.broadcast %eq3A_274 : i32 to vector<1x128xi32>
    %eq3A_276 = arith.cmpi eq, %and3A_273, %eq3A_275 : vector<1x128xi32>
    %not3A_277 = arith.constant dense<true> : vector<1x128xi1>
    %not3A_278 = arith.xori %ne3A_263, %not3A_277 : vector<1x128xi1>
    %eq3A_279 = arith.xori %eq3A_276, %not3A_278 : vector<1x128xi1>
    %eq3A_280 = arith.constant dense<true> : vector<1x128xi1>
    %eq3A_281 = arith.xori %eq3A_279, %eq3A_280 : vector<1x128xi1>
    %min3A_282 = arith.minimumf %select_n3A_257, %select_n3A_270 : vector<2000x128xf32>
    %max3A_283 = arith.maximumf %select_n3A_257, %select_n3A_270 : vector<2000x128xf32>
    %broadcast_in_dim3A_284 = vector.shape_cast %eq3A_281 : vector<1x128xi1> to vector<1x128xi1>
    %broadcast_in_dim3A_285 = vector.broadcast %broadcast_in_dim3A_284 : vector<1x128xi1> to vector<2000x128xi1>
    %select_n3A_286 = arith.select %broadcast_in_dim3A_285, %min3A_282, %max3A_283 : vector<2000x128xi1>, vector<2000x128xf32>
    %and3A_287 = arith.constant 16 : i32
    %and3A_288 = vector.broadcast %and3A_287 : i32 to vector<1x128xi32>
    %and3A_289 = arith.andi %iota3A, %and3A_288 : vector<1x128xi32>
    %ne3A_290 = arith.constant 0 : i32
    %ne3A_291 = vector.broadcast %ne3A_290 : i32 to vector<1x128xi32>
    %ne3A_292 = arith.cmpi ne, %and3A_289, %ne3A_291 : vector<1x128xi32>
    %roll3A_293 = arith.constant 16 : i32
    %roll3A_294 = tpu.dynamic_rotate %select_n3A_286 by %roll3A_293 dim 1 : vector<2000x128xf32>, i32 -> vector<2000x128xf32>
    %roll3A_295 = arith.constant 112 : i32
    %roll3A_296 = tpu.dynamic_rotate %select_n3A_286 by %roll3A_295 dim 1 : vector<2000x128xf32>, i32 -> vector<2000x128xf32>
    %broadcast_in_dim3A_297 = vector.shape_cast %ne3A_292 : vector<1x128xi1> to vector<1x128xi1>
    %broadcast_in_dim3A_298 = vector.broadcast %broadcast_in_dim3A_297 : vector<1x128xi1> to vector<2000x128xi1>
    %select_n3A_299 = arith.select %broadcast_in_dim3A_298, %roll3A_294, %roll3A_296 : vector<2000x128xi1>, vector<2000x128xf32>
    %and3A_300 = arith.constant 32 : i32
    %and3A_301 = vector.broadcast %and3A_300 : i32 to vector<1x128xi32>
    %and3A_302 = arith.andi %iota3A, %and3A_301 : vector<1x128xi32>
    %eq3A_303 = arith.constant 0 : i32
    %eq3A_304 = vector.broadcast %eq3A_303 : i32 to vector<1x128xi32>
    %eq3A_305 = arith.cmpi eq, %and3A_302, %eq3A_304 : vector<1x128xi32>
    %not3A_306 = arith.constant dense<true> : vector<1x128xi1>
    %not3A_307 = arith.xori %ne3A_292, %not3A_306 : vector<1x128xi1>
    %eq3A_308 = arith.xori %eq3A_305, %not3A_307 : vector<1x128xi1>
    %eq3A_309 = arith.constant dense<true> : vector<1x128xi1>
    %eq3A_310 = arith.xori %eq3A_308, %eq3A_309 : vector<1x128xi1>
    %min3A_311 = arith.minimumf %select_n3A_286, %select_n3A_299 : vector<2000x128xf32>
    %max3A_312 = arith.maximumf %select_n3A_286, %select_n3A_299 : vector<2000x128xf32>
    %broadcast_in_dim3A_313 = vector.shape_cast %eq3A_310 : vector<1x128xi1> to vector<1x128xi1>
    %broadcast_in_dim3A_314 = vector.broadcast %broadcast_in_dim3A_313 : vector<1x128xi1> to vector<2000x128xi1>
    %select_n3A_315 = arith.select %broadcast_in_dim3A_314, %min3A_311, %max3A_312 : vector<2000x128xi1>, vector<2000x128xf32>
    %and3A_316 = arith.constant 8 : i32
    %and3A_317 = vector.broadcast %and3A_316 : i32 to vector<1x128xi32>
    %and3A_318 = arith.andi %iota3A, %and3A_317 : vector<1x128xi32>
    %ne3A_319 = arith.constant 0 : i32
    %ne3A_320 = vector.broadcast %ne3A_319 : i32 to vector<1x128xi32>
    %ne3A_321 = arith.cmpi ne, %and3A_318, %ne3A_320 : vector<1x128xi32>
    %roll3A_322 = arith.constant 8 : i32
    %roll3A_323 = tpu.dynamic_rotate %select_n3A_315 by %roll3A_322 dim 1 : vector<2000x128xf32>, i32 -> vector<2000x128xf32>
    %roll3A_324 = arith.constant 120 : i32
    %roll3A_325 = tpu.dynamic_rotate %select_n3A_315 by %roll3A_324 dim 1 : vector<2000x128xf32>, i32 -> vector<2000x128xf32>
    %broadcast_in_dim3A_326 = vector.shape_cast %ne3A_321 : vector<1x128xi1> to vector<1x128xi1>
    %broadcast_in_dim3A_327 = vector.broadcast %broadcast_in_dim3A_326 : vector<1x128xi1> to vector<2000x128xi1>
    %select_n3A_328 = arith.select %broadcast_in_dim3A_327, %roll3A_323, %roll3A_325 : vector<2000x128xi1>, vector<2000x128xf32>
    %and3A_329 = arith.constant 32 : i32
    %and3A_330 = vector.broadcast %and3A_329 : i32 to vector<1x128xi32>
    %and3A_331 = arith.andi %iota3A, %and3A_330 : vector<1x128xi32>
    %eq3A_332 = arith.constant 0 : i32
    %eq3A_333 = vector.broadcast %eq3A_332 : i32 to vector<1x128xi32>
    %eq3A_334 = arith.cmpi eq, %and3A_331, %eq3A_333 : vector<1x128xi32>
    %not3A_335 = arith.constant dense<true> : vector<1x128xi1>
    %not3A_336 = arith.xori %ne3A_321, %not3A_335 : vector<1x128xi1>
    %eq3A_337 = arith.xori %eq3A_334, %not3A_336 : vector<1x128xi1>
    %eq3A_338 = arith.constant dense<true> : vector<1x128xi1>
    %eq3A_339 = arith.xori %eq3A_337, %eq3A_338 : vector<1x128xi1>
    %min3A_340 = arith.minimumf %select_n3A_315, %select_n3A_328 : vector<2000x128xf32>
    %max3A_341 = arith.maximumf %select_n3A_315, %select_n3A_328 : vector<2000x128xf32>
    %broadcast_in_dim3A_342 = vector.shape_cast %eq3A_339 : vector<1x128xi1> to vector<1x128xi1>
    %broadcast_in_dim3A_343 = vector.broadcast %broadcast_in_dim3A_342 : vector<1x128xi1> to vector<2000x128xi1>
    %select_n3A_344 = arith.select %broadcast_in_dim3A_343, %min3A_340, %max3A_341 : vector<2000x128xi1>, vector<2000x128xf32>
    %and3A_345 = arith.constant 4 : i32
    %and3A_346 = vector.broadcast %and3A_345 : i32 to vector<1x128xi32>
    %and3A_347 = arith.andi %iota3A, %and3A_346 : vector<1x128xi32>
    %ne3A_348 = arith.constant 0 : i32
    %ne3A_349 = vector.broadcast %ne3A_348 : i32 to vector<1x128xi32>
    %ne3A_350 = arith.cmpi ne, %and3A_347, %ne3A_349 : vector<1x128xi32>
    %roll3A_351 = arith.constant 4 : i32
    %roll3A_352 = tpu.dynamic_rotate %select_n3A_344 by %roll3A_351 dim 1 : vector<2000x128xf32>, i32 -> vector<2000x128xf32>
    %roll3A_353 = arith.constant 124 : i32
    %roll3A_354 = tpu.dynamic_rotate %select_n3A_344 by %roll3A_353 dim 1 : vector<2000x128xf32>, i32 -> vector<2000x128xf32>
    %broadcast_in_dim3A_355 = vector.shape_cast %ne3A_350 : vector<1x128xi1> to vector<1x128xi1>
    %broadcast_in_dim3A_356 = vector.broadcast %broadcast_in_dim3A_355 : vector<1x128xi1> to vector<2000x128xi1>
    %select_n3A_357 = arith.select %broadcast_in_dim3A_356, %roll3A_352, %roll3A_354 : vector<2000x128xi1>, vector<2000x128xf32>
    %and3A_358 = arith.constant 32 : i32
    %and3A_359 = vector.broadcast %and3A_358 : i32 to vector<1x128xi32>
    %and3A_360 = arith.andi %iota3A, %and3A_359 : vector<1x128xi32>
    %eq3A_361 = arith.constant 0 : i32
    %eq3A_362 = vector.broadcast %eq3A_361 : i32 to vector<1x128xi32>
    %eq3A_363 = arith.cmpi eq, %and3A_360, %eq3A_362 : vector<1x128xi32>
    %not3A_364 = arith.constant dense<true> : vector<1x128xi1>
    %not3A_365 = arith.xori %ne3A_350, %not3A_364 : vector<1x128xi1>
    %eq3A_366 = arith.xori %eq3A_363, %not3A_365 : vector<1x128xi1>
    %eq3A_367 = arith.constant dense<true> : vector<1x128xi1>
    %eq3A_368 = arith.xori %eq3A_366, %eq3A_367 : vector<1x128xi1>
    %min3A_369 = arith.minimumf %select_n3A_344, %select_n3A_357 : vector<2000x128xf32>
    %max3A_370 = arith.maximumf %select_n3A_344, %select_n3A_357 : vector<2000x128xf32>
    %broadcast_in_dim3A_371 = vector.shape_cast %eq3A_368 : vector<1x128xi1> to vector<1x128xi1>
    %broadcast_in_dim3A_372 = vector.broadcast %broadcast_in_dim3A_371 : vector<1x128xi1> to vector<2000x128xi1>
    %select_n3A_373 = arith.select %broadcast_in_dim3A_372, %min3A_369, %max3A_370 : vector<2000x128xi1>, vector<2000x128xf32>
    %and3A_374 = arith.constant 2 : i32
    %and3A_375 = vector.broadcast %and3A_374 : i32 to vector<1x128xi32>
    %and3A_376 = arith.andi %iota3A, %and3A_375 : vector<1x128xi32>
    %ne3A_377 = arith.constant 0 : i32
    %ne3A_378 = vector.broadcast %ne3A_377 : i32 to vector<1x128xi32>
    %ne3A_379 = arith.cmpi ne, %and3A_376, %ne3A_378 : vector<1x128xi32>
    %roll3A_380 = arith.constant 2 : i32
    %roll3A_381 = tpu.dynamic_rotate %select_n3A_373 by %roll3A_380 dim 1 : vector<2000x128xf32>, i32 -> vector<2000x128xf32>
    %roll3A_382 = arith.constant 126 : i32
    %roll3A_383 = tpu.dynamic_rotate %select_n3A_373 by %roll3A_382 dim 1 : vector<2000x128xf32>, i32 -> vector<2000x128xf32>
    %broadcast_in_dim3A_384 = vector.shape_cast %ne3A_379 : vector<1x128xi1> to vector<1x128xi1>
    %broadcast_in_dim3A_385 = vector.broadcast %broadcast_in_dim3A_384 : vector<1x128xi1> to vector<2000x128xi1>
    %select_n3A_386 = arith.select %broadcast_in_dim3A_385, %roll3A_381, %roll3A_383 : vector<2000x128xi1>, vector<2000x128xf32>
    %and3A_387 = arith.constant 32 : i32
    %and3A_388 = vector.broadcast %and3A_387 : i32 to vector<1x128xi32>
    %and3A_389 = arith.andi %iota3A, %and3A_388 : vector<1x128xi32>
    %eq3A_390 = arith.constant 0 : i32
    %eq3A_391 = vector.broadcast %eq3A_390 : i32 to vector<1x128xi32>
    %eq3A_392 = arith.cmpi eq, %and3A_389, %eq3A_391 : vector<1x128xi32>
    %not3A_393 = arith.constant dense<true> : vector<1x128xi1>
    %not3A_394 = arith.xori %ne3A_379, %not3A_393 : vector<1x128xi1>
    %eq3A_395 = arith.xori %eq3A_392, %not3A_394 : vector<1x128xi1>
    %eq3A_396 = arith.constant dense<true> : vector<1x128xi1>
    %eq3A_397 = arith.xori %eq3A_395, %eq3A_396 : vector<1x128xi1>
    %min3A_398 = arith.minimumf %select_n3A_373, %select_n3A_386 : vector<2000x128xf32>
    %max3A_399 = arith.maximumf %select_n3A_373, %select_n3A_386 : vector<2000x128xf32>
    %broadcast_in_dim3A_400 = vector.shape_cast %eq3A_397 : vector<1x128xi1> to vector<1x128xi1>
    %broadcast_in_dim3A_401 = vector.broadcast %broadcast_in_dim3A_400 : vector<1x128xi1> to vector<2000x128xi1>
    %select_n3A_402 = arith.select %broadcast_in_dim3A_401, %min3A_398, %max3A_399 : vector<2000x128xi1>, vector<2000x128xf32>
    %and3A_403 = arith.constant 1 : i32
    %and3A_404 = vector.broadcast %and3A_403 : i32 to vector<1x128xi32>
    %and3A_405 = arith.andi %iota3A, %and3A_404 : vector<1x128xi32>
    %ne3A_406 = arith.constant 0 : i32
    %ne3A_407 = vector.broadcast %ne3A_406 : i32 to vector<1x128xi32>
    %ne3A_408 = arith.cmpi ne, %and3A_405, %ne3A_407 : vector<1x128xi32>
    %roll3A_409 = arith.constant 1 : i32
    %roll3A_410 = tpu.dynamic_rotate %select_n3A_402 by %roll3A_409 dim 1 : vector<2000x128xf32>, i32 -> vector<2000x128xf32>
    %roll3A_411 = arith.constant 127 : i32
    %roll3A_412 = tpu.dynamic_rotate %select_n3A_402 by %roll3A_411 dim 1 : vector<2000x128xf32>, i32 -> vector<2000x128xf32>
    %broadcast_in_dim3A_413 = vector.shape_cast %ne3A_408 : vector<1x128xi1> to vector<1x128xi1>
    %broadcast_in_dim3A_414 = vector.broadcast %broadcast_in_dim3A_413 : vector<1x128xi1> to vector<2000x128xi1>
    %select_n3A_415 = arith.select %broadcast_in_dim3A_414, %roll3A_410, %roll3A_412 : vector<2000x128xi1>, vector<2000x128xf32>
    %and3A_416 = arith.constant 32 : i32
    %and3A_417 = vector.broadcast %and3A_416 : i32 to vector<1x128xi32>
    %and3A_418 = arith.andi %iota3A, %and3A_417 : vector<1x128xi32>
    %eq3A_419 = arith.constant 0 : i32
    %eq3A_420 = vector.broadcast %eq3A_419 : i32 to vector<1x128xi32>
    %eq3A_421 = arith.cmpi eq, %and3A_418, %eq3A_420 : vector<1x128xi32>
    %not3A_422 = arith.constant dense<true> : vector<1x128xi1>
    %not3A_423 = arith.xori %ne3A_408, %not3A_422 : vector<1x128xi1>
    %eq3A_424 = arith.xori %eq3A_421, %not3A_423 : vector<1x128xi1>
    %eq3A_425 = arith.constant dense<true> : vector<1x128xi1>
    %eq3A_426 = arith.xori %eq3A_424, %eq3A_425 : vector<1x128xi1>
    %min3A_427 = arith.minimumf %select_n3A_402, %select_n3A_415 : vector<2000x128xf32>
    %max3A_428 = arith.maximumf %select_n3A_402, %select_n3A_415 : vector<2000x128xf32>
    %broadcast_in_dim3A_429 = vector.shape_cast %eq3A_426 : vector<1x128xi1> to vector<1x128xi1>
    %broadcast_in_dim3A_430 = vector.broadcast %broadcast_in_dim3A_429 : vector<1x128xi1> to vector<2000x128xi1>
    %select_n3A_431 = arith.select %broadcast_in_dim3A_430, %min3A_427, %max3A_428 : vector<2000x128xi1>, vector<2000x128xf32>
    %and3A_432 = arith.constant 32 : i32
    %and3A_433 = vector.broadcast %and3A_432 : i32 to vector<1x128xi32>
    %and3A_434 = arith.andi %iota3A, %and3A_433 : vector<1x128xi32>
    %ne3A_435 = arith.constant 0 : i32
    %ne3A_436 = vector.broadcast %ne3A_435 : i32 to vector<1x128xi32>
    %ne3A_437 = arith.cmpi ne, %and3A_434, %ne3A_436 : vector<1x128xi32>
    %roll3A_438 = arith.constant 32 : i32
    %roll3A_439 = tpu.dynamic_rotate %select_n3A_431 by %roll3A_438 dim 1 : vector<2000x128xf32>, i32 -> vector<2000x128xf32>
    %roll3A_440 = arith.constant 96 : i32
    %roll3A_441 = tpu.dynamic_rotate %select_n3A_431 by %roll3A_440 dim 1 : vector<2000x128xf32>, i32 -> vector<2000x128xf32>
    %broadcast_in_dim3A_442 = vector.shape_cast %ne3A_437 : vector<1x128xi1> to vector<1x128xi1>
    %broadcast_in_dim3A_443 = vector.broadcast %broadcast_in_dim3A_442 : vector<1x128xi1> to vector<2000x128xi1>
    %select_n3A_444 = arith.select %broadcast_in_dim3A_443, %roll3A_439, %roll3A_441 : vector<2000x128xi1>, vector<2000x128xf32>
    %and3A_445 = arith.constant 64 : i32
    %and3A_446 = vector.broadcast %and3A_445 : i32 to vector<1x128xi32>
    %and3A_447 = arith.andi %iota3A, %and3A_446 : vector<1x128xi32>
    %eq3A_448 = arith.constant 0 : i32
    %eq3A_449 = vector.broadcast %eq3A_448 : i32 to vector<1x128xi32>
    %eq3A_450 = arith.cmpi eq, %and3A_447, %eq3A_449 : vector<1x128xi32>
    %not3A_451 = arith.constant dense<true> : vector<1x128xi1>
    %not3A_452 = arith.xori %ne3A_437, %not3A_451 : vector<1x128xi1>
    %eq3A_453 = arith.xori %eq3A_450, %not3A_452 : vector<1x128xi1>
    %eq3A_454 = arith.constant dense<true> : vector<1x128xi1>
    %eq3A_455 = arith.xori %eq3A_453, %eq3A_454 : vector<1x128xi1>
    %min3A_456 = arith.minimumf %select_n3A_431, %select_n3A_444 : vector<2000x128xf32>
    %max3A_457 = arith.maximumf %select_n3A_431, %select_n3A_444 : vector<2000x128xf32>
    %broadcast_in_dim3A_458 = vector.shape_cast %eq3A_455 : vector<1x128xi1> to vector<1x128xi1>
    %broadcast_in_dim3A_459 = vector.broadcast %broadcast_in_dim3A_458 : vector<1x128xi1> to vector<2000x128xi1>
    %select_n3A_460 = arith.select %broadcast_in_dim3A_459, %min3A_456, %max3A_457 : vector<2000x128xi1>, vector<2000x128xf32>
    %and3A_461 = arith.constant 16 : i32
    %and3A_462 = vector.broadcast %and3A_461 : i32 to vector<1x128xi32>
    %and3A_463 = arith.andi %iota3A, %and3A_462 : vector<1x128xi32>
    %ne3A_464 = arith.constant 0 : i32
    %ne3A_465 = vector.broadcast %ne3A_464 : i32 to vector<1x128xi32>
    %ne3A_466 = arith.cmpi ne, %and3A_463, %ne3A_465 : vector<1x128xi32>
    %roll3A_467 = arith.constant 16 : i32
    %roll3A_468 = tpu.dynamic_rotate %select_n3A_460 by %roll3A_467 dim 1 : vector<2000x128xf32>, i32 -> vector<2000x128xf32>
    %roll3A_469 = arith.constant 112 : i32
    %roll3A_470 = tpu.dynamic_rotate %select_n3A_460 by %roll3A_469 dim 1 : vector<2000x128xf32>, i32 -> vector<2000x128xf32>
    %broadcast_in_dim3A_471 = vector.shape_cast %ne3A_466 : vector<1x128xi1> to vector<1x128xi1>
    %broadcast_in_dim3A_472 = vector.broadcast %broadcast_in_dim3A_471 : vector<1x128xi1> to vector<2000x128xi1>
    %select_n3A_473 = arith.select %broadcast_in_dim3A_472, %roll3A_468, %roll3A_470 : vector<2000x128xi1>, vector<2000x128xf32>
    %and3A_474 = arith.constant 64 : i32
    %and3A_475 = vector.broadcast %and3A_474 : i32 to vector<1x128xi32>
    %and3A_476 = arith.andi %iota3A, %and3A_475 : vector<1x128xi32>
    %eq3A_477 = arith.constant 0 : i32
    %eq3A_478 = vector.broadcast %eq3A_477 : i32 to vector<1x128xi32>
    %eq3A_479 = arith.cmpi eq, %and3A_476, %eq3A_478 : vector<1x128xi32>
    %not3A_480 = arith.constant dense<true> : vector<1x128xi1>
    %not3A_481 = arith.xori %ne3A_466, %not3A_480 : vector<1x128xi1>
    %eq3A_482 = arith.xori %eq3A_479, %not3A_481 : vector<1x128xi1>
    %eq3A_483 = arith.constant dense<true> : vector<1x128xi1>
    %eq3A_484 = arith.xori %eq3A_482, %eq3A_483 : vector<1x128xi1>
    %min3A_485 = arith.minimumf %select_n3A_460, %select_n3A_473 : vector<2000x128xf32>
    %max3A_486 = arith.maximumf %select_n3A_460, %select_n3A_473 : vector<2000x128xf32>
    %broadcast_in_dim3A_487 = vector.shape_cast %eq3A_484 : vector<1x128xi1> to vector<1x128xi1>
    %broadcast_in_dim3A_488 = vector.broadcast %broadcast_in_dim3A_487 : vector<1x128xi1> to vector<2000x128xi1>
    %select_n3A_489 = arith.select %broadcast_in_dim3A_488, %min3A_485, %max3A_486 : vector<2000x128xi1>, vector<2000x128xf32>
    %and3A_490 = arith.constant 8 : i32
    %and3A_491 = vector.broadcast %and3A_490 : i32 to vector<1x128xi32>
    %and3A_492 = arith.andi %iota3A, %and3A_491 : vector<1x128xi32>
    %ne3A_493 = arith.constant 0 : i32
    %ne3A_494 = vector.broadcast %ne3A_493 : i32 to vector<1x128xi32>
    %ne3A_495 = arith.cmpi ne, %and3A_492, %ne3A_494 : vector<1x128xi32>
    %roll3A_496 = arith.constant 8 : i32
    %roll3A_497 = tpu.dynamic_rotate %select_n3A_489 by %roll3A_496 dim 1 : vector<2000x128xf32>, i32 -> vector<2000x128xf32>
    %roll3A_498 = arith.constant 120 : i32
    %roll3A_499 = tpu.dynamic_rotate %select_n3A_489 by %roll3A_498 dim 1 : vector<2000x128xf32>, i32 -> vector<2000x128xf32>
    %broadcast_in_dim3A_500 = vector.shape_cast %ne3A_495 : vector<1x128xi1> to vector<1x128xi1>
    %broadcast_in_dim3A_501 = vector.broadcast %broadcast_in_dim3A_500 : vector<1x128xi1> to vector<2000x128xi1>
    %select_n3A_502 = arith.select %broadcast_in_dim3A_501, %roll3A_497, %roll3A_499 : vector<2000x128xi1>, vector<2000x128xf32>
    %and3A_503 = arith.constant 64 : i32
    %and3A_504 = vector.broadcast %and3A_503 : i32 to vector<1x128xi32>
    %and3A_505 = arith.andi %iota3A, %and3A_504 : vector<1x128xi32>
    %eq3A_506 = arith.constant 0 : i32
    %eq3A_507 = vector.broadcast %eq3A_506 : i32 to vector<1x128xi32>
    %eq3A_508 = arith.cmpi eq, %and3A_505, %eq3A_507 : vector<1x128xi32>
    %not3A_509 = arith.constant dense<true> : vector<1x128xi1>
    %not3A_510 = arith.xori %ne3A_495, %not3A_509 : vector<1x128xi1>
    %eq3A_511 = arith.xori %eq3A_508, %not3A_510 : vector<1x128xi1>
    %eq3A_512 = arith.constant dense<true> : vector<1x128xi1>
    %eq3A_513 = arith.xori %eq3A_511, %eq3A_512 : vector<1x128xi1>
    %min3A_514 = arith.minimumf %select_n3A_489, %select_n3A_502 : vector<2000x128xf32>
    %max3A_515 = arith.maximumf %select_n3A_489, %select_n3A_502 : vector<2000x128xf32>
    %broadcast_in_dim3A_516 = vector.shape_cast %eq3A_513 : vector<1x128xi1> to vector<1x128xi1>
    %broadcast_in_dim3A_517 = vector.broadcast %broadcast_in_dim3A_516 : vector<1x128xi1> to vector<2000x128xi1>
    %select_n3A_518 = arith.select %broadcast_in_dim3A_517, %min3A_514, %max3A_515 : vector<2000x128xi1>, vector<2000x128xf32>
    %and3A_519 = arith.constant 4 : i32
    %and3A_520 = vector.broadcast %and3A_519 : i32 to vector<1x128xi32>
    %and3A_521 = arith.andi %iota3A, %and3A_520 : vector<1x128xi32>
    %ne3A_522 = arith.constant 0 : i32
    %ne3A_523 = vector.broadcast %ne3A_522 : i32 to vector<1x128xi32>
    %ne3A_524 = arith.cmpi ne, %and3A_521, %ne3A_523 : vector<1x128xi32>
    %roll3A_525 = arith.constant 4 : i32
    %roll3A_526 = tpu.dynamic_rotate %select_n3A_518 by %roll3A_525 dim 1 : vector<2000x128xf32>, i32 -> vector<2000x128xf32>
    %roll3A_527 = arith.constant 124 : i32
    %roll3A_528 = tpu.dynamic_rotate %select_n3A_518 by %roll3A_527 dim 1 : vector<2000x128xf32>, i32 -> vector<2000x128xf32>
    %broadcast_in_dim3A_529 = vector.shape_cast %ne3A_524 : vector<1x128xi1> to vector<1x128xi1>
    %broadcast_in_dim3A_530 = vector.broadcast %broadcast_in_dim3A_529 : vector<1x128xi1> to vector<2000x128xi1>
    %select_n3A_531 = arith.select %broadcast_in_dim3A_530, %roll3A_526, %roll3A_528 : vector<2000x128xi1>, vector<2000x128xf32>
    %and3A_532 = arith.constant 64 : i32
    %and3A_533 = vector.broadcast %and3A_532 : i32 to vector<1x128xi32>
    %and3A_534 = arith.andi %iota3A, %and3A_533 : vector<1x128xi32>
    %eq3A_535 = arith.constant 0 : i32
    %eq3A_536 = vector.broadcast %eq3A_535 : i32 to vector<1x128xi32>
    %eq3A_537 = arith.cmpi eq, %and3A_534, %eq3A_536 : vector<1x128xi32>
    %not3A_538 = arith.constant dense<true> : vector<1x128xi1>
    %not3A_539 = arith.xori %ne3A_524, %not3A_538 : vector<1x128xi1>
    %eq3A_540 = arith.xori %eq3A_537, %not3A_539 : vector<1x128xi1>
    %eq3A_541 = arith.constant dense<true> : vector<1x128xi1>
    %eq3A_542 = arith.xori %eq3A_540, %eq3A_541 : vector<1x128xi1>
    %min3A_543 = arith.minimumf %select_n3A_518, %select_n3A_531 : vector<2000x128xf32>
    %max3A_544 = arith.maximumf %select_n3A_518, %select_n3A_531 : vector<2000x128xf32>
    %broadcast_in_dim3A_545 = vector.shape_cast %eq3A_542 : vector<1x128xi1> to vector<1x128xi1>
    %broadcast_in_dim3A_546 = vector.broadcast %broadcast_in_dim3A_545 : vector<1x128xi1> to vector<2000x128xi1>
    %select_n3A_547 = arith.select %broadcast_in_dim3A_546, %min3A_543, %max3A_544 : vector<2000x128xi1>, vector<2000x128xf32>
    %and3A_548 = arith.constant 2 : i32
    %and3A_549 = vector.broadcast %and3A_548 : i32 to vector<1x128xi32>
    %and3A_550 = arith.andi %iota3A, %and3A_549 : vector<1x128xi32>
    %ne3A_551 = arith.constant 0 : i32
    %ne3A_552 = vector.broadcast %ne3A_551 : i32 to vector<1x128xi32>
    %ne3A_553 = arith.cmpi ne, %and3A_550, %ne3A_552 : vector<1x128xi32>
    %roll3A_554 = arith.constant 2 : i32
    %roll3A_555 = tpu.dynamic_rotate %select_n3A_547 by %roll3A_554 dim 1 : vector<2000x128xf32>, i32 -> vector<2000x128xf32>
    %roll3A_556 = arith.constant 126 : i32
    %roll3A_557 = tpu.dynamic_rotate %select_n3A_547 by %roll3A_556 dim 1 : vector<2000x128xf32>, i32 -> vector<2000x128xf32>
    %broadcast_in_dim3A_558 = vector.shape_cast %ne3A_553 : vector<1x128xi1> to vector<1x128xi1>
    %broadcast_in_dim3A_559 = vector.broadcast %broadcast_in_dim3A_558 : vector<1x128xi1> to vector<2000x128xi1>
    %select_n3A_560 = arith.select %broadcast_in_dim3A_559, %roll3A_555, %roll3A_557 : vector<2000x128xi1>, vector<2000x128xf32>
    %and3A_561 = arith.constant 64 : i32
    %and3A_562 = vector.broadcast %and3A_561 : i32 to vector<1x128xi32>
    %and3A_563 = arith.andi %iota3A, %and3A_562 : vector<1x128xi32>
    %eq3A_564 = arith.constant 0 : i32
    %eq3A_565 = vector.broadcast %eq3A_564 : i32 to vector<1x128xi32>
    %eq3A_566 = arith.cmpi eq, %and3A_563, %eq3A_565 : vector<1x128xi32>
    %not3A_567 = arith.constant dense<true> : vector<1x128xi1>
    %not3A_568 = arith.xori %ne3A_553, %not3A_567 : vector<1x128xi1>
    %eq3A_569 = arith.xori %eq3A_566, %not3A_568 : vector<1x128xi1>
    %eq3A_570 = arith.constant dense<true> : vector<1x128xi1>
    %eq3A_571 = arith.xori %eq3A_569, %eq3A_570 : vector<1x128xi1>
    %min3A_572 = arith.minimumf %select_n3A_547, %select_n3A_560 : vector<2000x128xf32>
    %max3A_573 = arith.maximumf %select_n3A_547, %select_n3A_560 : vector<2000x128xf32>
    %broadcast_in_dim3A_574 = vector.shape_cast %eq3A_571 : vector<1x128xi1> to vector<1x128xi1>
    %broadcast_in_dim3A_575 = vector.broadcast %broadcast_in_dim3A_574 : vector<1x128xi1> to vector<2000x128xi1>
    %select_n3A_576 = arith.select %broadcast_in_dim3A_575, %min3A_572, %max3A_573 : vector<2000x128xi1>, vector<2000x128xf32>
    %and3A_577 = arith.constant 1 : i32
    %and3A_578 = vector.broadcast %and3A_577 : i32 to vector<1x128xi32>
    %and3A_579 = arith.andi %iota3A, %and3A_578 : vector<1x128xi32>
    %ne3A_580 = arith.constant 0 : i32
    %ne3A_581 = vector.broadcast %ne3A_580 : i32 to vector<1x128xi32>
    %ne3A_582 = arith.cmpi ne, %and3A_579, %ne3A_581 : vector<1x128xi32>
    %roll3A_583 = arith.constant 1 : i32
    %roll3A_584 = tpu.dynamic_rotate %select_n3A_576 by %roll3A_583 dim 1 : vector<2000x128xf32>, i32 -> vector<2000x128xf32>
    %roll3A_585 = arith.constant 127 : i32
    %roll3A_586 = tpu.dynamic_rotate %select_n3A_576 by %roll3A_585 dim 1 : vector<2000x128xf32>, i32 -> vector<2000x128xf32>
    %broadcast_in_dim3A_587 = vector.shape_cast %ne3A_582 : vector<1x128xi1> to vector<1x128xi1>
    %broadcast_in_dim3A_588 = vector.broadcast %broadcast_in_dim3A_587 : vector<1x128xi1> to vector<2000x128xi1>
    %select_n3A_589 = arith.select %broadcast_in_dim3A_588, %roll3A_584, %roll3A_586 : vector<2000x128xi1>, vector<2000x128xf32>
    %and3A_590 = arith.constant 64 : i32
    %and3A_591 = vector.broadcast %and3A_590 : i32 to vector<1x128xi32>
    %and3A_592 = arith.andi %iota3A, %and3A_591 : vector<1x128xi32>
    %eq3A_593 = arith.constant 0 : i32
    %eq3A_594 = vector.broadcast %eq3A_593 : i32 to vector<1x128xi32>
    %eq3A_595 = arith.cmpi eq, %and3A_592, %eq3A_594 : vector<1x128xi32>
    %not3A_596 = arith.constant dense<true> : vector<1x128xi1>
    %not3A_597 = arith.xori %ne3A_582, %not3A_596 : vector<1x128xi1>
    %eq3A_598 = arith.xori %eq3A_595, %not3A_597 : vector<1x128xi1>
    %eq3A_599 = arith.constant dense<true> : vector<1x128xi1>
    %eq3A_600 = arith.xori %eq3A_598, %eq3A_599 : vector<1x128xi1>
    %min3A_601 = arith.minimumf %select_n3A_576, %select_n3A_589 : vector<2000x128xf32>
    %max3A_602 = arith.maximumf %select_n3A_576, %select_n3A_589 : vector<2000x128xf32>
    %broadcast_in_dim3A_603 = vector.shape_cast %eq3A_600 : vector<1x128xi1> to vector<1x128xi1>
    %broadcast_in_dim3A_604 = vector.broadcast %broadcast_in_dim3A_603 : vector<1x128xi1> to vector<2000x128xi1>
    %select_n3A_605 = arith.select %broadcast_in_dim3A_604, %min3A_601, %max3A_602 : vector<2000x128xi1>, vector<2000x128xf32>
    %and3A_606 = arith.constant 64 : i32
    %and3A_607 = vector.broadcast %and3A_606 : i32 to vector<1x128xi32>
    %and3A_608 = arith.andi %iota3A, %and3A_607 : vector<1x128xi32>
    %ne3A_609 = arith.constant 0 : i32
    %ne3A_610 = vector.broadcast %ne3A_609 : i32 to vector<1x128xi32>
    %ne3A_611 = arith.cmpi ne, %and3A_608, %ne3A_610 : vector<1x128xi32>
    %roll3A_612 = arith.constant 64 : i32
    %roll3A_613 = tpu.dynamic_rotate %select_n3A_605 by %roll3A_612 dim 1 : vector<2000x128xf32>, i32 -> vector<2000x128xf32>
    %roll3A_614 = arith.constant 64 : i32
    %roll3A_615 = tpu.dynamic_rotate %select_n3A_605 by %roll3A_614 dim 1 : vector<2000x128xf32>, i32 -> vector<2000x128xf32>
    %broadcast_in_dim3A_616 = vector.shape_cast %ne3A_611 : vector<1x128xi1> to vector<1x128xi1>
    %broadcast_in_dim3A_617 = vector.broadcast %broadcast_in_dim3A_616 : vector<1x128xi1> to vector<2000x128xi1>
    %select_n3A_618 = arith.select %broadcast_in_dim3A_617, %roll3A_613, %roll3A_615 : vector<2000x128xi1>, vector<2000x128xf32>
    %and3A_619 = arith.constant 128 : i32
    %and3A_620 = vector.broadcast %and3A_619 : i32 to vector<1x128xi32>
    %and3A_621 = arith.andi %iota3A, %and3A_620 : vector<1x128xi32>
    %eq3A_622 = arith.constant 0 : i32
    %eq3A_623 = vector.broadcast %eq3A_622 : i32 to vector<1x128xi32>
    %eq3A_624 = arith.cmpi eq, %and3A_621, %eq3A_623 : vector<1x128xi32>
    %not3A_625 = arith.constant dense<true> : vector<1x128xi1>
    %not3A_626 = arith.xori %ne3A_611, %not3A_625 : vector<1x128xi1>
    %eq3A_627 = arith.xori %eq3A_624, %not3A_626 : vector<1x128xi1>
    %eq3A_628 = arith.constant dense<true> : vector<1x128xi1>
    %eq3A_629 = arith.xori %eq3A_627, %eq3A_628 : vector<1x128xi1>
    %min3A_630 = arith.minimumf %select_n3A_605, %select_n3A_618 : vector<2000x128xf32>
    %max3A_631 = arith.maximumf %select_n3A_605, %select_n3A_618 : vector<2000x128xf32>
    %broadcast_in_dim3A_632 = vector.shape_cast %eq3A_629 : vector<1x128xi1> to vector<1x128xi1>
    %broadcast_in_dim3A_633 = vector.broadcast %broadcast_in_dim3A_632 : vector<1x128xi1> to vector<2000x128xi1>
    %select_n3A_634 = arith.select %broadcast_in_dim3A_633, %min3A_630, %max3A_631 : vector<2000x128xi1>, vector<2000x128xf32>
    %and3A_635 = arith.constant 32 : i32
    %and3A_636 = vector.broadcast %and3A_635 : i32 to vector<1x128xi32>
    %and3A_637 = arith.andi %iota3A, %and3A_636 : vector<1x128xi32>
    %ne3A_638 = arith.constant 0 : i32
    %ne3A_639 = vector.broadcast %ne3A_638 : i32 to vector<1x128xi32>
    %ne3A_640 = arith.cmpi ne, %and3A_637, %ne3A_639 : vector<1x128xi32>
    %roll3A_641 = arith.constant 32 : i32
    %roll3A_642 = tpu.dynamic_rotate %select_n3A_634 by %roll3A_641 dim 1 : vector<2000x128xf32>, i32 -> vector<2000x128xf32>
    %roll3A_643 = arith.constant 96 : i32
    %roll3A_644 = tpu.dynamic_rotate %select_n3A_634 by %roll3A_643 dim 1 : vector<2000x128xf32>, i32 -> vector<2000x128xf32>
    %broadcast_in_dim3A_645 = vector.shape_cast %ne3A_640 : vector<1x128xi1> to vector<1x128xi1>
    %broadcast_in_dim3A_646 = vector.broadcast %broadcast_in_dim3A_645 : vector<1x128xi1> to vector<2000x128xi1>
    %select_n3A_647 = arith.select %broadcast_in_dim3A_646, %roll3A_642, %roll3A_644 : vector<2000x128xi1>, vector<2000x128xf32>
    %and3A_648 = arith.constant 128 : i32
    %and3A_649 = vector.broadcast %and3A_648 : i32 to vector<1x128xi32>
    %and3A_650 = arith.andi %iota3A, %and3A_649 : vector<1x128xi32>
    %eq3A_651 = arith.constant 0 : i32
    %eq3A_652 = vector.broadcast %eq3A_651 : i32 to vector<1x128xi32>
    %eq3A_653 = arith.cmpi eq, %and3A_650, %eq3A_652 : vector<1x128xi32>
    %not3A_654 = arith.constant dense<true> : vector<1x128xi1>
    %not3A_655 = arith.xori %ne3A_640, %not3A_654 : vector<1x128xi1>
    %eq3A_656 = arith.xori %eq3A_653, %not3A_655 : vector<1x128xi1>
    %eq3A_657 = arith.constant dense<true> : vector<1x128xi1>
    %eq3A_658 = arith.xori %eq3A_656, %eq3A_657 : vector<1x128xi1>
    %min3A_659 = arith.minimumf %select_n3A_634, %select_n3A_647 : vector<2000x128xf32>
    %max3A_660 = arith.maximumf %select_n3A_634, %select_n3A_647 : vector<2000x128xf32>
    %broadcast_in_dim3A_661 = vector.shape_cast %eq3A_658 : vector<1x128xi1> to vector<1x128xi1>
    %broadcast_in_dim3A_662 = vector.broadcast %broadcast_in_dim3A_661 : vector<1x128xi1> to vector<2000x128xi1>
    %select_n3A_663 = arith.select %broadcast_in_dim3A_662, %min3A_659, %max3A_660 : vector<2000x128xi1>, vector<2000x128xf32>
    %and3A_664 = arith.constant 16 : i32
    %and3A_665 = vector.broadcast %and3A_664 : i32 to vector<1x128xi32>
    %and3A_666 = arith.andi %iota3A, %and3A_665 : vector<1x128xi32>
    %ne3A_667 = arith.constant 0 : i32
    %ne3A_668 = vector.broadcast %ne3A_667 : i32 to vector<1x128xi32>
    %ne3A_669 = arith.cmpi ne, %and3A_666, %ne3A_668 : vector<1x128xi32>
    %roll3A_670 = arith.constant 16 : i32
    %roll3A_671 = tpu.dynamic_rotate %select_n3A_663 by %roll3A_670 dim 1 : vector<2000x128xf32>, i32 -> vector<2000x128xf32>
    %roll3A_672 = arith.constant 112 : i32
    %roll3A_673 = tpu.dynamic_rotate %select_n3A_663 by %roll3A_672 dim 1 : vector<2000x128xf32>, i32 -> vector<2000x128xf32>
    %broadcast_in_dim3A_674 = vector.shape_cast %ne3A_669 : vector<1x128xi1> to vector<1x128xi1>
    %broadcast_in_dim3A_675 = vector.broadcast %broadcast_in_dim3A_674 : vector<1x128xi1> to vector<2000x128xi1>
    %select_n3A_676 = arith.select %broadcast_in_dim3A_675, %roll3A_671, %roll3A_673 : vector<2000x128xi1>, vector<2000x128xf32>
    %and3A_677 = arith.constant 128 : i32
    %and3A_678 = vector.broadcast %and3A_677 : i32 to vector<1x128xi32>
    %and3A_679 = arith.andi %iota3A, %and3A_678 : vector<1x128xi32>
    %eq3A_680 = arith.constant 0 : i32
    %eq3A_681 = vector.broadcast %eq3A_680 : i32 to vector<1x128xi32>
    %eq3A_682 = arith.cmpi eq, %and3A_679, %eq3A_681 : vector<1x128xi32>
    %not3A_683 = arith.constant dense<true> : vector<1x128xi1>
    %not3A_684 = arith.xori %ne3A_669, %not3A_683 : vector<1x128xi1>
    %eq3A_685 = arith.xori %eq3A_682, %not3A_684 : vector<1x128xi1>
    %eq3A_686 = arith.constant dense<true> : vector<1x128xi1>
    %eq3A_687 = arith.xori %eq3A_685, %eq3A_686 : vector<1x128xi1>
    %min3A_688 = arith.minimumf %select_n3A_663, %select_n3A_676 : vector<2000x128xf32>
    %max3A_689 = arith.maximumf %select_n3A_663, %select_n3A_676 : vector<2000x128xf32>
    %broadcast_in_dim3A_690 = vector.shape_cast %eq3A_687 : vector<1x128xi1> to vector<1x128xi1>
    %broadcast_in_dim3A_691 = vector.broadcast %broadcast_in_dim3A_690 : vector<1x128xi1> to vector<2000x128xi1>
    %select_n3A_692 = arith.select %broadcast_in_dim3A_691, %min3A_688, %max3A_689 : vector<2000x128xi1>, vector<2000x128xf32>
    %and3A_693 = arith.constant 8 : i32
    %and3A_694 = vector.broadcast %and3A_693 : i32 to vector<1x128xi32>
    %and3A_695 = arith.andi %iota3A, %and3A_694 : vector<1x128xi32>
    %ne3A_696 = arith.constant 0 : i32
    %ne3A_697 = vector.broadcast %ne3A_696 : i32 to vector<1x128xi32>
    %ne3A_698 = arith.cmpi ne, %and3A_695, %ne3A_697 : vector<1x128xi32>
    %roll3A_699 = arith.constant 8 : i32
    %roll3A_700 = tpu.dynamic_rotate %select_n3A_692 by %roll3A_699 dim 1 : vector<2000x128xf32>, i32 -> vector<2000x128xf32>
    %roll3A_701 = arith.constant 120 : i32
    %roll3A_702 = tpu.dynamic_rotate %select_n3A_692 by %roll3A_701 dim 1 : vector<2000x128xf32>, i32 -> vector<2000x128xf32>
    %broadcast_in_dim3A_703 = vector.shape_cast %ne3A_698 : vector<1x128xi1> to vector<1x128xi1>
    %broadcast_in_dim3A_704 = vector.broadcast %broadcast_in_dim3A_703 : vector<1x128xi1> to vector<2000x128xi1>
    %select_n3A_705 = arith.select %broadcast_in_dim3A_704, %roll3A_700, %roll3A_702 : vector<2000x128xi1>, vector<2000x128xf32>
    %and3A_706 = arith.constant 128 : i32
    %and3A_707 = vector.broadcast %and3A_706 : i32 to vector<1x128xi32>
    %and3A_708 = arith.andi %iota3A, %and3A_707 : vector<1x128xi32>
    %eq3A_709 = arith.constant 0 : i32
    %eq3A_710 = vector.broadcast %eq3A_709 : i32 to vector<1x128xi32>
    %eq3A_711 = arith.cmpi eq, %and3A_708, %eq3A_710 : vector<1x128xi32>
    %not3A_712 = arith.constant dense<true> : vector<1x128xi1>
    %not3A_713 = arith.xori %ne3A_698, %not3A_712 : vector<1x128xi1>
    %eq3A_714 = arith.xori %eq3A_711, %not3A_713 : vector<1x128xi1>
    %eq3A_715 = arith.constant dense<true> : vector<1x128xi1>
    %eq3A_716 = arith.xori %eq3A_714, %eq3A_715 : vector<1x128xi1>
    %min3A_717 = arith.minimumf %select_n3A_692, %select_n3A_705 : vector<2000x128xf32>
    %max3A_718 = arith.maximumf %select_n3A_692, %select_n3A_705 : vector<2000x128xf32>
    %broadcast_in_dim3A_719 = vector.shape_cast %eq3A_716 : vector<1x128xi1> to vector<1x128xi1>
    %broadcast_in_dim3A_720 = vector.broadcast %broadcast_in_dim3A_719 : vector<1x128xi1> to vector<2000x128xi1>
    %select_n3A_721 = arith.select %broadcast_in_dim3A_720, %min3A_717, %max3A_718 : vector<2000x128xi1>, vector<2000x128xf32>
    %and3A_722 = arith.constant 4 : i32
    %and3A_723 = vector.broadcast %and3A_722 : i32 to vector<1x128xi32>
    %and3A_724 = arith.andi %iota3A, %and3A_723 : vector<1x128xi32>
    %ne3A_725 = arith.constant 0 : i32
    %ne3A_726 = vector.broadcast %ne3A_725 : i32 to vector<1x128xi32>
    %ne3A_727 = arith.cmpi ne, %and3A_724, %ne3A_726 : vector<1x128xi32>
    %roll3A_728 = arith.constant 4 : i32
    %roll3A_729 = tpu.dynamic_rotate %select_n3A_721 by %roll3A_728 dim 1 : vector<2000x128xf32>, i32 -> vector<2000x128xf32>
    %roll3A_730 = arith.constant 124 : i32
    %roll3A_731 = tpu.dynamic_rotate %select_n3A_721 by %roll3A_730 dim 1 : vector<2000x128xf32>, i32 -> vector<2000x128xf32>
    %broadcast_in_dim3A_732 = vector.shape_cast %ne3A_727 : vector<1x128xi1> to vector<1x128xi1>
    %broadcast_in_dim3A_733 = vector.broadcast %broadcast_in_dim3A_732 : vector<1x128xi1> to vector<2000x128xi1>
    %select_n3A_734 = arith.select %broadcast_in_dim3A_733, %roll3A_729, %roll3A_731 : vector<2000x128xi1>, vector<2000x128xf32>
    %and3A_735 = arith.constant 128 : i32
    %and3A_736 = vector.broadcast %and3A_735 : i32 to vector<1x128xi32>
    %and3A_737 = arith.andi %iota3A, %and3A_736 : vector<1x128xi32>
    %eq3A_738 = arith.constant 0 : i32
    %eq3A_739 = vector.broadcast %eq3A_738 : i32 to vector<1x128xi32>
    %eq3A_740 = arith.cmpi eq, %and3A_737, %eq3A_739 : vector<1x128xi32>
    %not3A_741 = arith.constant dense<true> : vector<1x128xi1>
    %not3A_742 = arith.xori %ne3A_727, %not3A_741 : vector<1x128xi1>
    %eq3A_743 = arith.xori %eq3A_740, %not3A_742 : vector<1x128xi1>
    %eq3A_744 = arith.constant dense<true> : vector<1x128xi1>
    %eq3A_745 = arith.xori %eq3A_743, %eq3A_744 : vector<1x128xi1>
    %min3A_746 = arith.minimumf %select_n3A_721, %select_n3A_734 : vector<2000x128xf32>
    %max3A_747 = arith.maximumf %select_n3A_721, %select_n3A_734 : vector<2000x128xf32>
    %broadcast_in_dim3A_748 = vector.shape_cast %eq3A_745 : vector<1x128xi1> to vector<1x128xi1>
    %broadcast_in_dim3A_749 = vector.broadcast %broadcast_in_dim3A_748 : vector<1x128xi1> to vector<2000x128xi1>
    %select_n3A_750 = arith.select %broadcast_in_dim3A_749, %min3A_746, %max3A_747 : vector<2000x128xi1>, vector<2000x128xf32>
    %and3A_751 = arith.constant 2 : i32
    %and3A_752 = vector.broadcast %and3A_751 : i32 to vector<1x128xi32>
    %and3A_753 = arith.andi %iota3A, %and3A_752 : vector<1x128xi32>
    %ne3A_754 = arith.constant 0 : i32
    %ne3A_755 = vector.broadcast %ne3A_754 : i32 to vector<1x128xi32>
    %ne3A_756 = arith.cmpi ne, %and3A_753, %ne3A_755 : vector<1x128xi32>
    %roll3A_757 = arith.constant 2 : i32
    %roll3A_758 = tpu.dynamic_rotate %select_n3A_750 by %roll3A_757 dim 1 : vector<2000x128xf32>, i32 -> vector<2000x128xf32>
    %roll3A_759 = arith.constant 126 : i32
    %roll3A_760 = tpu.dynamic_rotate %select_n3A_750 by %roll3A_759 dim 1 : vector<2000x128xf32>, i32 -> vector<2000x128xf32>
    %broadcast_in_dim3A_761 = vector.shape_cast %ne3A_756 : vector<1x128xi1> to vector<1x128xi1>
    %broadcast_in_dim3A_762 = vector.broadcast %broadcast_in_dim3A_761 : vector<1x128xi1> to vector<2000x128xi1>
    %select_n3A_763 = arith.select %broadcast_in_dim3A_762, %roll3A_758, %roll3A_760 : vector<2000x128xi1>, vector<2000x128xf32>
    %and3A_764 = arith.constant 128 : i32
    %and3A_765 = vector.broadcast %and3A_764 : i32 to vector<1x128xi32>
    %and3A_766 = arith.andi %iota3A, %and3A_765 : vector<1x128xi32>
    %eq3A_767 = arith.constant 0 : i32
    %eq3A_768 = vector.broadcast %eq3A_767 : i32 to vector<1x128xi32>
    %eq3A_769 = arith.cmpi eq, %and3A_766, %eq3A_768 : vector<1x128xi32>
    %not3A_770 = arith.constant dense<true> : vector<1x128xi1>
    %not3A_771 = arith.xori %ne3A_756, %not3A_770 : vector<1x128xi1>
    %eq3A_772 = arith.xori %eq3A_769, %not3A_771 : vector<1x128xi1>
    %eq3A_773 = arith.constant dense<true> : vector<1x128xi1>
    %eq3A_774 = arith.xori %eq3A_772, %eq3A_773 : vector<1x128xi1>
    %min3A_775 = arith.minimumf %select_n3A_750, %select_n3A_763 : vector<2000x128xf32>
    %max3A_776 = arith.maximumf %select_n3A_750, %select_n3A_763 : vector<2000x128xf32>
    %broadcast_in_dim3A_777 = vector.shape_cast %eq3A_774 : vector<1x128xi1> to vector<1x128xi1>
    %broadcast_in_dim3A_778 = vector.broadcast %broadcast_in_dim3A_777 : vector<1x128xi1> to vector<2000x128xi1>
    %select_n3A_779 = arith.select %broadcast_in_dim3A_778, %min3A_775, %max3A_776 : vector<2000x128xi1>, vector<2000x128xf32>
    %and3A_780 = arith.constant 1 : i32
    %and3A_781 = vector.broadcast %and3A_780 : i32 to vector<1x128xi32>
    %and3A_782 = arith.andi %iota3A, %and3A_781 : vector<1x128xi32>
    %ne3A_783 = arith.constant 0 : i32
    %ne3A_784 = vector.broadcast %ne3A_783 : i32 to vector<1x128xi32>
    %ne3A_785 = arith.cmpi ne, %and3A_782, %ne3A_784 : vector<1x128xi32>
    %roll3A_786 = arith.constant 1 : i32
    %roll3A_787 = tpu.dynamic_rotate %select_n3A_779 by %roll3A_786 dim 1 : vector<2000x128xf32>, i32 -> vector<2000x128xf32>
    %roll3A_788 = arith.constant 127 : i32
    %roll3A_789 = tpu.dynamic_rotate %select_n3A_779 by %roll3A_788 dim 1 : vector<2000x128xf32>, i32 -> vector<2000x128xf32>
    %broadcast_in_dim3A_790 = vector.shape_cast %ne3A_785 : vector<1x128xi1> to vector<1x128xi1>
    %broadcast_in_dim3A_791 = vector.broadcast %broadcast_in_dim3A_790 : vector<1x128xi1> to vector<2000x128xi1>
    %select_n3A_792 = arith.select %broadcast_in_dim3A_791, %roll3A_787, %roll3A_789 : vector<2000x128xi1>, vector<2000x128xf32>
    %and3A_793 = arith.constant 128 : i32
    %and3A_794 = vector.broadcast %and3A_793 : i32 to vector<1x128xi32>
    %and3A_795 = arith.andi %iota3A, %and3A_794 : vector<1x128xi32>
    %eq3A_796 = arith.constant 0 : i32
    %eq3A_797 = vector.broadcast %eq3A_796 : i32 to vector<1x128xi32>
    %eq3A_798 = arith.cmpi eq, %and3A_795, %eq3A_797 : vector<1x128xi32>
    %not3A_799 = arith.constant dense<true> : vector<1x128xi1>
    %not3A_800 = arith.xori %ne3A_785, %not3A_799 : vector<1x128xi1>
    %eq3A_801 = arith.xori %eq3A_798, %not3A_800 : vector<1x128xi1>
    %eq3A_802 = arith.constant dense<true> : vector<1x128xi1>
    %eq3A_803 = arith.xori %eq3A_801, %eq3A_802 : vector<1x128xi1>
    %min3A_804 = arith.minimumf %select_n3A_779, %select_n3A_792 : vector<2000x128xf32>
    %max3A_805 = arith.maximumf %select_n3A_779, %select_n3A_792 : vector<2000x128xf32>
    %broadcast_in_dim3A_806 = vector.shape_cast %eq3A_803 : vector<1x128xi1> to vector<1x128xi1>
    %broadcast_in_dim3A_807 = vector.broadcast %broadcast_in_dim3A_806 : vector<1x128xi1> to vector<2000x128xi1>
    %select_n3A_808 = arith.select %broadcast_in_dim3A_807, %min3A_804, %max3A_805 : vector<2000x128xi1>, vector<2000x128xf32>
    %slice3A = vector.extract_strided_slice %select_n3A_808 {offsets = [0, 96], sizes = [2000, 1], strides = [1, 1]} : vector<2000x128xf32> to vector<2000x1xf32>
    %ge3A = vector.broadcast %slice3A : vector<2000x1xf32> to vector<2000x128xf32>
    %ge3A_809 = arith.cmpf oge, %dot_general3A_5, %ge3A : vector<2000x128xf32>
    %get3A_810 = arith.constant 0 : index
    %get3A_811 = arith.constant 0 : index
    %get3A_812 = vector.load %arg3[%get3A_810, %get3A_811] : memref<2000x4xf32, #tpu.memory_space<vmem>>, vector<2000x4xf32>
    %slice3A_813 = vector.extract_strided_slice %get3A_812 {offsets = [0, 0], sizes = [2000, 1], strides = [1, 1]} : vector<2000x4xf32> to vector<2000x1xf32>
    %slice3A_814 = vector.extract_strided_slice %get3A_812 {offsets = [0, 1], sizes = [2000, 1], strides = [1, 1]} : vector<2000x4xf32> to vector<2000x1xf32>
    %add3A = arith.addf %slice3A_813, %slice3A_814 : vector<2000x1xf32>
    %max3A_815 = arith.constant 1.000000e+00 : f32
    %max3A_816 = vector.broadcast %max3A_815 : f32 to vector<2000x1xf32>
    %max3A_817 = arith.maximumf %add3A, %max3A_816 : vector<2000x1xf32>
    %slice3A_818 = vector.extract_strided_slice %get3A_812 {offsets = [0, 2], sizes = [2000, 1], strides = [1, 1]} : vector<2000x4xf32> to vector<2000x1xf32>
    %slice3A_819 = vector.extract_strided_slice %get3A_812 {offsets = [0, 3], sizes = [2000, 1], strides = [1, 1]} : vector<2000x4xf32> to vector<2000x1xf32>
    %add3A_820 = arith.addf %slice3A_818, %slice3A_819 : vector<2000x1xf32>
    %max3A_821 = arith.constant 1.000000e+00 : f32
    %max3A_822 = vector.broadcast %max3A_821 : f32 to vector<2000x1xf32>
    %max3A_823 = arith.maximumf %add3A_820, %max3A_822 : vector<2000x1xf32>
    %mul3A = arith.mulf %max3A_817, %max3A_823 : vector<2000x1xf32>
    %rsqrt3A = math.rsqrt %mul3A : vector<2000x1xf32>
    %jit3A = arith.constant 0.000000e+00 : f32
    %broadcast_in_dim3A_824 = vector.broadcast %jit3A : f32 to vector<2000x128xf32>
    %select_n3A_825 = arith.select %ge3A_809, %dot_general3A_5, %broadcast_in_dim3A_824 : vector<2000x128xi1>, vector<2000x128xf32>
    %mul3A_826 = vector.broadcast %rsqrt3A : vector<2000x1xf32> to vector<2000x128xf32>
    %mul3A_827 = arith.mulf %select_n3A_825, %mul3A_826 : vector<2000x128xf32>
    %swap3A = arith.constant 0 : index
    %swap3A_828 = arith.constant 0 : index
    %swap3A_829 = vector.load %arg4[%swap3A, %swap3A_828] : memref<2000x128xf32, #tpu.memory_space<vmem>>, vector<2000x128xf32>
    tpu.vector_store %arg4[%swap3A, %swap3A_828], %mul3A_827 {strides = array<i32>} : memref<2000x128xf32, #tpu.memory_space<vmem>>, vector<2000x128xf32>,
    return
  }
  func.func @transform_0(%arg0: i32) -> (i32, i32) {
    %c0_i32 = arith.constant 0 : i32
    %c0_i32_0 = arith.constant 0 : i32
    return %arg0, %c0_i32 : i32, i32
  }
  func.func @transform_1(%arg0: i32) -> (i32, i32) {
    %c0_i32 = arith.constant 0 : i32
    %c0_i32_0 = arith.constant 0 : i32
    %c0_i32_1 = arith.constant 0 : i32
    return %c0_i32, %c0_i32_0 : i32, i32
  }
  func.func @transform_2(%arg0: i32) -> (i32, i32) {
    %c0_i32 = arith.constant 0 : i32
    %c0_i32_0 = arith.constant 0 : i32
    return %arg0, %c0_i32 : i32, i32
  }
  func.func @transform_3(%arg0: i32) -> (i32, i32) {
    %c0_i32 = arith.constant 0 : i32
    %c0_i32_0 = arith.constant 0 : i32
    return %arg0, %c0_i32 : i32, i32
  }
}

module attributes {stable_mosaic.version = 14 : i64} {
  func.func @_merge_body(%arg0: i32, %arg1: memref<2x2000x128xf32, #tpu.memory_space<vmem>>, %arg2: memref<1x128xf32, #tpu.memory_space<vmem>>, %arg3: memref<2000x128xf32, #tpu.memory_space<vmem>>) attributes {dimension_semantics = [#tpu.dimension_semantics<arbitrary>], iteration_bounds = array<i64: 5>, scalar_prefetch = 0 : i64, scratch_operands = 0 : i64, tpu.core_type = #tpu.core_type<tc>, window_params = [{transform_indices = @transform_0, window_bounds = array<i64: 2, 2000, 128>}, {pipeline_mode = #tpu.pipeline_mode<synchronous>, transform_indices = @transform_1, window_bounds = array<i64: 1, 128>}, {transform_indices = @transform_2, window_bounds = array<i64: 2000, 128>}]} {
    %get3A = arith.constant 0 : index
    %get3A_0 = arith.constant 0 : index
    %get3A_1 = arith.constant 0 : index
    %get3A_2 = vector.load %arg1[%get3A, %get3A_0, %get3A_1] : memref<2x2000x128xf32, #tpu.memory_space<vmem>>, vector<1x2000x128xf32>
    %get3A_3 = vector.shape_cast %get3A_2 : vector<1x2000x128xf32> to vector<2000x128xf32>
    %get3A_4 = arith.constant 1 : index
    %get3A_5 = arith.constant 0 : index
    %get3A_6 = arith.constant 0 : index
    %get3A_7 = vector.load %arg1[%get3A_4, %get3A_5, %get3A_6] : memref<2x2000x128xf32, #tpu.memory_space<vmem>>, vector<1x2000x128xf32>
    %get3A_8 = vector.shape_cast %get3A_7 : vector<1x2000x128xf32> to vector<2000x128xf32>
    %add3A = arith.addf %get3A_3, %get3A_8 : vector<2000x128xf32>
    %get3A_9 = arith.constant 0 : index
    %get3A_10 = arith.constant 0 : index
    %get3A_11 = vector.load %arg2[%get3A_9, %get3A_10] : memref<1x128xf32, #tpu.memory_space<vmem>>, vector<1x128xf32>
    %get3A_12 = vector.shape_cast %get3A_11 : vector<1x128xf32> to vector<128xf32>
    %broadcast_in_dim3A = vector.shape_cast %get3A_12 : vector<128xf32> to vector<1x128xf32>
    %add3A_13 = vector.broadcast %broadcast_in_dim3A : vector<1x128xf32> to vector<2000x128xf32>
    %add3A_14 = arith.addf %add3A, %add3A_13 : vector<2000x128xf32>
    %swap3A = arith.constant 0 : index
    %swap3A_15 = arith.constant 0 : index
    %swap3A_16 = vector.load %arg3[%swap3A, %swap3A_15] : memref<2000x128xf32, #tpu.memory_space<vmem>>, vector<2000x128xf32>
    tpu.vector_store %arg3[%swap3A, %swap3A_15], %add3A_14 {strides = array<i32>} : memref<2000x128xf32, #tpu.memory_space<vmem>>, vector<2000x128xf32>,
    return
  }
  func.func @transform_0(%arg0: i32) -> (i32, i32, i32) {
    %c0_i32 = arith.constant 0 : i32
    %c0_i32_0 = arith.constant 0 : i32
    %c0_i32_1 = arith.constant 0 : i32
    return %c0_i32, %arg0, %c0_i32_0 : i32, i32, i32
  }
  func.func @transform_1(%arg0: i32) -> (i32, i32) {
    %c0_i32 = arith.constant 0 : i32
    %c0_i32_0 = arith.constant 0 : i32
    %c0_i32_1 = arith.constant 0 : i32
    return %c0_i32, %c0_i32_0 : i32, i32
  }
  func.func @transform_2(%arg0: i32) -> (i32, i32) {
    %c0_i32 = arith.constant 0 : i32
    %c0_i32_0 = arith.constant 0 : i32
    return %arg0, %c0_i32 : i32, i32
  }
}

</mosaic_0001>

<sc_bundles>
// kernel: kernel.6.cloned.1.call-start
scs
__scs_entry_jumppad:
0x0: {  	(pc) =	sbr.rel $0x88, $3  }
0x1: {  	(tag) =	ssettag $0x0;
	lr =	simm.s32 $0x1  }
0x2: {  	[smem:$0x3F9D] =	sst lr;
	_ =	strace $0xD0000000  }
0x3: {  	_ = 	snop  }
0x4: {  	_ = 	snop  }
0x5: {  	_ = 	snop  }
0x6: {  	_ = 	snop  }
0x7: {  	_ = 	snop  }
__scs_overlays_trampoline_lowered:
0x8: {  	[smem:$0x3FAC] =	sst s0  }
0x9: {  	[smem:$0x3FAD] =	sst s1  }
0xa: {  	[smem:$0x3FAE] =	sst s2  }
0xb: {  	[smem:$0x3FAF] =	sst s3  }
0xc: {  	[smem:$0x3FB0] =	sst s4  }
0xd: {  	[smem:$0x3FB1] =	sst s5  }
0xe: {  	[smem:$0x3FB2] =	sst s6  }
0xf: {  	[smem:$0x3FB3] =	sst s7  }
0x10: {  	[smem:$0x3FB4] =	sst s8  }
0x11: {  	[smem:$0x3FB5] =	sst s9;
	s0 =	simm.s32 @!p0 $0x0  }
0x12: {  	s1 =	sld [smem:$0x3F9B];
	s0 =	simm.s32 @p0 $0x1  }
0x13: {  	[smem:$0x3FB6] =	sst s0;
	s0 =	simm.s32 @!p1 $0x0  }
0x14: {  	s2 =	sld [smem:$0x3F9A];
	s0 =	simm.s32 @p1 $0x1  }
0x15: {  	[smem:$0x3FB7] =	sst s0;
	s0 =	simm.s32 @!p2 $0x0  }
0x16: {  	s3 =	sld [smem:$0x3FDB];
	s0 =	simm.s32 @p2 $0x1  }
0x17: {  	s4 =	simm.s32 $0x1BF5;
	[smem:$0x3FB9] =	sst s0  }
0x18: {  	s0 =	sld [smem:$0x3F9C];
	_ =	swait.ge [sflag:s4], $0x0  }
0x19: {  	s7 =	sld [smem:$0x3F9D]  }
0x1a: {  	s8 =	sadd.s32 $0xFFFFE003, lr  }
0x1b: {  	s9 =	sadd.s32 $0xFFFFFEF7, lr;
	s5 =	simm.s32 $0xFFFFFFFF;
	p2 =	slt.u32 s8, $0xFFFFF086  }
0x1c: {  	p1 =	slt.u32 s9, $0xF7A;
	s5 =	simm.s32 @!p2 $0x0  }
0x1d: {  	s5 =	simm.s32 @p1 $0x1;
	p0 =	seq.s32 s7, s2  }
0x1e: {  	s7 =	smul.u32 @!p0 $0xF7A, s2;
	p2 =	seq.s32 @!p0 s5, $0x0  }
0x1f: {  	s9 =	smul.u32 $0xF7A, s1;
	s8 =	simm.s32 @!p0 $0x1BF5;
	p2 =	por !p2, p0  }
0x20: {  	[sflag:s8] =	ssyncset.s32 @!p0 $0xFFFFF086;
	s6 =	sadd.s32 @!p0 s3, s7;
	s7 =	simm.s32 @!p0 $0x108  }
0x21: {  	s3 =	sadd.s32 s3, s9;
	s6 =	sadd.s32 @!p0 $0x88, s6;
	s7 =	simm.s32 @p2 $0x1082  }
0x22: {  	[simem:s7], [sflag:s8] =	dma.local @!p0 [hbm:s6], $0xF7A  }
0x23: {  	s9 =	sor.u32 $0xD0000000, s2;
	s6 =	simm.s32 $0x108;
	_ =	swait.ge @!p0 [sflag:s8], $0x0  }
0x24: {  	s3 =	sadd.s32 $0x88, s3;
	s6 =	simm.s32 @!p1 $0x1082;
	[sflag:s4] =	ssyncset.s32 $0xFFFFF086  }
0x25: {  	[simem:s6], [sflag:s4] =	dma.local [hbm:s3], $0xF7A  }
0x26: {  	[smem:$0x3F9D] =	sst s1;
	(tag) =	ssettag s2;
	_ =	strace s9  }
0x27: {  	s1 =	sld [smem:$0x3FAD]  }
0x28: {  	s2 =	sld [smem:$0x3FAE]  }
0x29: {  	s4 =	sld [smem:$0x3FB0]  }
0x2a: {  	p0 =	seq.s32 s5, $0x0;
	s5 =	sld [smem:$0x3FB1]  }
0x2b: {  	s6 =	sld [smem:$0x3FB2]  }
0x2c: {  	s7 =	sld [smem:$0x3FB3]  }
0x2d: {  	s3 =	simm.s32 $0x108;
	s8 =	sld [smem:$0x3FB4]  }
0x2e: {  	s3 =	simm.s32 @!p0 $0x1082;
	s9 =	sld [smem:$0x3FB5]  }
0x2f: {  	lr =	sadd.s32 s0, s3;
	s0 =	sld [smem:$0x3FAC]  }
0x30: {  	s3 =	sld [smem:$0x3FAF]  }
0x31: {  	[smem:$0x3FB8] =	sst s10  }
0x32: {  	s10 =	sld [smem:$0x3FB6];
	_ =	sdelay $0x3  }
0x33: {  	p0 =	seq.s32 s10, $0x1;
	s10 =	sld [smem:$0x3FB8];
	_ =	sdelay $0x3  }
0x34: {  	[smem:$0x3FB8] =	sst s10  }
0x35: {  	s10 =	sld [smem:$0x3FB7];
	_ =	sdelay $0x3  }
0x36: {  	p1 =	seq.s32 s10, $0x1;
	s10 =	sld [smem:$0x3FB8];
	_ =	sdelay $0x3  }
0x37: {  	[smem:$0x3FB8] =	sst s10  }
0x38: {  	s10 =	sld [smem:$0x3FB9]  }
0x39: {  	_ = 	snop;
	(pc) =	sbr.ind lr, $3  }
0x3a: {  	_ = 	snop  }
0x3b: {  	_ = 	snop  }
0x3c: {  	p2 =	seq.s32 s10, $0x1;
	s10 =	sld [smem:$0x3FB8]  }
0x3d: {  	_ =	shalt  }
0x3e: {  	_ =	shalt  }
0x3f: {  	_ =	shalt  }
0x40: {  	_ =	shalt  }
0x41: {  	_ =	shalt  }
0x42: {  	_ =	shalt  }
0x43: {  	_ =	shalt  }
0x44: {  	_ =	shalt  }
0x45: {  	_ =	shalt  }
0x46: {  	_ =	shalt  }
0x47: {  	_ =	shalt  }
0x48: {  	_ =	shalt  }
0x49: {  	_ =	shalt  }
0x4a: {  	_ =	shalt  }
0x4b: {  	_ =	shalt  }
0x4c: {  	_ =	shalt  }
0x4d: {  	_ =	shalt  }
0x4e: {  	_ =	shalt  }
0x4f: {  	_ =	shalt  }
0x50: {  	_ =	shalt  }
0x51: {  	_ =	shalt  }
0x52: {  	_ =	shalt  }
0x53: {  	_ =	shalt  }
0x54: {  	_ =	shalt  }
0x55: {  	_ =	shalt  }
0x56: {  	_ =	shalt  }
0x57: {  	_ =	shalt  }
0x58: {  	_ =	shalt  }
0x59: {  	_ =	shalt  }
0x5a: {  	_ =	shalt  }
0x5b: {  	_ =	shalt  }
0x5c: {  	_ =	shalt  }
0x5d: {  	_ =	shalt  }
0x5e: {  	_ =	shalt  }
0x5f: {  	_ =	shalt  }
0x60: {  	_ =	shalt  }
0x61: {  	_ =	shalt  }
0x62: {  	_ =	shalt  }
0x63: {  	_ =	shalt  }
0x64: {  	_ =	shalt  }
0x65: {  	_ =	shalt  }
0x66: {  	_ =	shalt  }
0x67: {  	_ =	shalt  }
0x68: {  	_ =	shalt  }
0x69: {  	_ =	shalt  }
0x6a: {  	_ =	shalt  }
0x6b: {  	_ =	shalt  }
0x6c: {  	_ =	shalt  }
0x6d: {  	_ =	shalt  }
0x6e: {  	_ =	shalt  }
0x6f: {  	_ =	shalt  }
0x70: {  	_ =	shalt  }
0x71: {  	_ =	shalt  }
0x72: {  	_ =	shalt  }
0x73: {  	_ =	shalt  }
0x74: {  	_ =	shalt  }
0x75: {  	_ =	shalt  }
0x76: {  	_ =	shalt  }
0x77: {  	_ =	shalt  }
0x78: {  	_ =	shalt  }
0x79: {  	_ =	shalt  }
0x7a: {  	_ =	shalt  }
0x7b: {  	_ =	shalt  }
0x7c: {  	_ =	shalt  }
0x7d: {  	_ =	shalt  }
0x7e: {  	_ =	shalt  }
0x7f: {  	_ =	shalt  }
0x80: {  	_ =	shalt  }
0x81: {  	_ =	shalt  }
0x82: {  	_ =	shalt  }
0x83: {  	_ =	shalt  }
0x84: {  	_ =	shalt  }
0x85: {  	_ =	shalt  }
0x86: {  	_ =	shalt  }
0x87: {  	_ =	shalt  }
.Lfunc_end0:
.L_simem_size_0:
called_computation_lowered:
.L_overlay_start_0:
0x88: {  	s2 =	sld [smem:$0x3FD9]  }
0x89: {  	s3 =	sld [smem:$0x3FFE];
	_ =	sdelay $0x1  }
0x8a: {  	s1 =	srdreg.scid  }
0x8b: {  	s0 =	sand.u32 $0x1, s1  }
0x8c: {  	s17 =	sshll.u32 s0, $0xA;
	s2 =	sadd.s32 s3, s2  }
0x8d: {  	s2 =	sadd.s32 s2, s17  }
0x8e: {  	[smem:$0x3FC4] =	sst s2  }
0x8f: {  	_ = 	snop  }
0x90: {  	s2 =	sld [smem:$0x3FD0];
	(tm) =	ssettm $0x1  }
0x91: {  	s18 =	sld [smem:$0x3FFB];
	_ =	sdelay $0x3  }
0x92: {  	_ =	strace s18  }
0x93: {  	s3 =	sld [smem:$0x3FFC];
	_ =	sdelay $0x3  }
0x94: {  	_ =	strace s3  }
0x95: {  	s3 =	sld [smem:$0x3FFD];
	_ =	sdelay $0x3  }
0x96: {  	_ =	strace s3  }
0x97: {  	_ =	strace $0x8FFFFFFF  }
0x98: {  	s19 =	sld [smem:$0x3FDB];
	_ =	sdelay $0x1  }
0x99: {  	s4 =	simm.s32 $_scs_section_size  }
0x9a: {  	s5 =	simm.s32 $_size__tile_overlayer_lowered;
	s6 =	simm.s32 $_tile_overlayer_lowered  }
0x9b: {  	s22 =	simm.s32 $0x1BFF;
	s21 =	sshll.u32 s6, $0x1;
	s3 =	sadd.s32 s4, s19  }
0x9c: {  	s7 =	simm.s32 $0x0;
	s20 =	sshll.u32 s5, $0x1;
	s5 =	sadd.s32 s21, s3  }
0x9d: {  	[timem:s7], [sflag:s22] =	dma.local [hbm:s5], s20  }
0x9e: {  	_ =	swait.ge [sflag:s22], s20  }
0x9f: {  	s4 =	ssub.s32 $0x0, s20;
	[sflag:s22] =	ssyncset.done $0x0  }
0xa0: {  	[sflag:s22] =	ssyncadd.s32 s4;
	_ =	sdelay $0x1  }
0xa1: {  	s23 =	simm.s32 $0x1B8B  }
0xa2: {  	_ =	swait.ge [sflag:s23], $0x1  }
0xa3: {  	[sflag:s23] =	ssyncset.done $0x0  }
0xa4: {  	s25 =	simm.s32 $0x1B8E;
	s24 =	sld [smem:$0x3FFE];
	[sflag:s23] =	ssyncadd.s32 $0xFFFFFFFF  }
0xa5: {  	s26 =	simm.s32 $execute0_lowered;
	[smem:$0x3FD2] =	sst s25  }
0xa6: {  	s5 =	sshll.u32 s26, $0x1;
	_ =	strace $0x80000046;
	[dreg:$0x1] =	wrdreg $0xFFFFFFFF  }
0xa7: {  	s28 =	simm.s32 $_size_execute0_lowered;
	s3 =	sadd.s32 s3, s5;
	[dreg:$0x0] =	wrdreg $0x0  }
0xa8: {  	s5 =	sshll.u32 s28, $0x1;
	[dreg:$0x2] =	wrdreg s3  }
0xa9: {  	[dreg:$0x3] =	wrdreg s5  }
0xaa: {  	[dreg:$0x4] =	wrdreg $0xC0  }
0xab: {  	_ =	task [dreg:s7], $0x5FFFF  }
0xac: {  	[dreg:$0x1] =	wrdreg $0xFFFFFFFF  }
0xad: {  	[dreg:$0x0] =	wrdreg $0x60  }
0xae: {  	[dreg:$0x2] =	wrdreg s24  }
0xaf: {  	[dreg:$0x3] =	wrdreg s2  }
0xb0: {  	[dreg:$0x4] =	wrdreg $0x2B000  }
0xb1: {  	[dreg:$0x5] =	wrdreg $0x2D800  }
0xb2: {  	[dreg:$0x6] =	wrdreg $0x9  }
0xb3: {  	_ =	task.clear_ibuf [dreg:s7], $0x7FFFF;
	_ =	strace $0x90000046  }
0xb4: {  	s29 =	simm.s32 $0x9;
	_ =	strace $0x80000048  }
0xb5: {  	_ =	swait.ge [sflag:s29], $0x1  }
0xb6: {  	[sflag:s29] =	ssyncadd.s32 $0xFFFFFFFF  }
0xb7: {  	_ =	strace $0x90000048  }
0xb8: {  	_ =	sfence  }
0xb9: {  	s30 =	sld [smem:$0x0];
	_ =	sdelay $0x2  }
0xba: {  	s31 =	sshll.u32 s1, $0xD;
	s1 =	sshrl.u32 s1, $0x2  }
0xbb: {  	s3 =	sand.u32 $0x4000, s31;
	s1 =	sadd.s32 s1, s30  }
0xbc: {  	s0 =	sor.u32 s3, s0;
	s1 =	sshll.u32 s1, $0x11  }
0xbd: {  	s0 =	sor.u32 s1, s0  }
0xbe: {  	s0 =	sadd.s32 $0x8F2B, s0  }
0xbf: {  	[sflag:s0] =	ssyncadd.remote.s32 $0x1  }
0xc0: {  	_ =	sfence.sel $0xFFFF  }
0xc1: {  	[dreg:$0x0] =	wrdreg $0xFFFFFFFF;
	(pc) =	sbr.abs _section_cstart, $3  }
0xc2: {  	[dreg:$0x1] =	wrdreg $0xFFFFFFFF  }
0xc3: {  	_ =	task.clear_ibuf [dreg:s7], $0x2FFFF;
	_ =	strace $0x9FFFFFFF  }
0xc4: {  	(tm) =	ssettm $0x7FFFFFFF  }
0xc5: {  	_ =	shalt  }
tec
execute0_lowered:
.L_overlay_start_1:
0x0: {  	(tag) =	ssettag $0x1  }
0x1: {  	s5 =	rddreg [dreg:$0x0]  }
0x2: {  	s9 =	rddreg [dreg:$0x1]  }
0x3: {  	s2 =	rddreg [dreg:$0x2]  }
0x4: {  	s0 =	srdreg.scid;
	s3 =	rddreg [dreg:$0x3];
	s4 =	simm.s32 $0x0  }
0x5: {  	s13 =	simm.s32 $0x2;
	s14 =	simm.s32 $0x7D;
	s15 =	simm.s32 $0x2800  }
0x6: {  	s16 =	simm.s32 $0x80;
	s17 =	simm.s32 $0x100;
	s18 =	simm.s32 $0x180  }
0x7: {  	s19 =	simm.s32 $0x1;
	s6 =	sand.u32 $0x1, s0;
	s0 =	stileid.u32  }
0x8: {  	s23 =	simm.s32 $0x0;
	[smem:$0x7FF] =	sst s4;
	s8 =	smul.u32 $0x280, s0  }
0x9: {  	s1 =	sshll.u32 s6, $0x4;
	s10 =	ssub.s32 $0x2, s6;
	s6 =	smul.u32 $0x2800, s6  }
0xa: {  	s20 =	sshll.u32 s0, $0x6;
	s1 =	sor.u32 s0, s1;
	s11 =	sshrl.u32 s10, $0x1  }
0xb: {  	s20 =	sor.u32 $0x1C02, s20;
	s7 =	smul.u32 $0x500, s1;
	s1 =	rddreg [dreg:$0x4]  }
0xc: {  	_ =	strace $0x80000047;
	s11 =	ssub.s32 s10, s11;
	s30 =	sadd.s32 s8, s6  }
0xd: {  	s6 =	sadd.s32 s8, s3;
	s31 =	sshrl.u32 s30, $0x3;
	s11 =	smax.u32 s11, $0x1  }
0xe: {  	s22 =	sshrl.u32 s6, $0x3;
	s12 =	sadd.s32 s7, s5;
	s5 =	sadd.s32 s8, s2  }
0xf: {  	s9 =	sadd.s32 s9, s31;
	s7 =	sadd.s32 $0xB000, s12;
	s8 =	sadd.s32 $0x1000, s12  }
0x10: {  	v0 =	vimm.f32 $0.0e+00;
	v1 =	vimm.f32 $1.000000000e+00;
	s10 =	sadd.s32 $0xA00, s9;
	s12 =	simm.s32 $0x2880;
	s21 =	sshrl.u32 s5, $0x3  }
.LBB2_1:
0x11: {  	[tilespmem:$0x2880] =	vst v0  }
0x12: {  	[tilespmem:$0x2890] =	vst v0  }
0x13: {  	[tilespmem:$0x28A0] =	vst v0  }
0x14: {  	[tilespmem:$0x28B0] =	vst v0  }
0x15: {  	[tilespmem:$0x28C0] =	vst v0  }
0x16: {  	[tilespmem:$0x28D0] =	vst v0  }
0x17: {  	[tilespmem:$0x28E0] =	vst v0  }
0x18: {  	[tilespmem:$0x28F0] =	vst v0  }
0x19: {  	[tilespmem:$0x2900] =	vst v0  }
0x1a: {  	[tilespmem:$0x2910] =	vst v0  }
0x1b: {  	[tilespmem:$0x2920] =	vst v0  }
0x1c: {  	[tilespmem:$0x2930] =	vst v0  }
0x1d: {  	[tilespmem:$0x2940] =	vst v0  }
0x1e: {  	[tilespmem:$0x2950] =	vst v0  }
0x1f: {  	[tilespmem:$0x2960] =	vst v0  }
0x20: {  	[tilespmem:$0x2970] =	vst v0  }
0x21: {  	[tilespmem:$0x2980] =	vst v0  }
0x22: {  	[tilespmem:$0x2990] =	vst v0  }
0x23: {  	[tilespmem:$0x29A0] =	vst v0  }
0x24: {  	[tilespmem:$0x29B0] =	vst v0  }
0x25: {  	[tilespmem:$0x29C0] =	vst v0  }
0x26: {  	[tilespmem:$0x29D0] =	vst v0  }
0x27: {  	[tilespmem:$0x29E0] =	vst v0  }
0x28: {  	[tilespmem:$0x29F0] =	vst v0  }
0x29: {  	[tilespmem:$0x2A00] =	vst v0  }
0x2a: {  	[tilespmem:$0x2A10] =	vst v0  }
0x2b: {  	[tilespmem:$0x2A20] =	vst v0  }
0x2c: {  	[tilespmem:$0x2A30] =	vst v0  }
0x2d: {  	[tilespmem:$0x2A40] =	vst v0  }
0x2e: {  	[tilespmem:$0x2A50] =	vst v0  }
0x2f: {  	[tilespmem:$0x2A60] =	vst v0  }
0x30: {  	[tilespmem:$0x2A70] =	vst v0  }
0x31: {  	[tilespmem:$0x2A80] =	vst v0  }
0x32: {  	[tilespmem:$0x2A90] =	vst v0  }
0x33: {  	[tilespmem:$0x2AA0] =	vst v0  }
0x34: {  	[tilespmem:$0x2AB0] =	vst v0  }
0x35: {  	[tilespmem:$0x2AC0] =	vst v0  }
0x36: {  	[tilespmem:$0x2AD0] =	vst v0  }
0x37: {  	[tilespmem:$0x2AE0] =	vst v0  }
0x38: {  	[tilespmem:$0x2AF0] =	vst v0  }
0x39: {  	[tilespmem:$0x2800] =	vst v1  }
0x3a: {  	[tilespmem:$0x2810] =	vst v1  }
0x3b: {  	[tilespmem:$0x2820] =	vst v1  }
0x3c: {  	[tilespmem:$0x2830] =	vst v1  }
0x3d: {  	[tilespmem:$0x2840] =	vst v1  }
0x3e: {  	[tilespmem:$0x2850] =	vst v1  }
0x3f: {  	[tilespmem:$0x2860] =	vst v1  }
0x40: {  	[tilespmem:$0x2870] =	vst v1  }
0x41: {  	[spmem:s5] =	stream.linear.scatter [tilespmem:s12], [sflag:$0x2], $0x280, $0x38;
	[tilespmem:$0x3000] =	vst v63  }
0x42: {  	_ =	swait.ge [sflag:s13], $0x280  }
0x43: {  	[sflag:s13] =	ssyncset.done $0x0  }
0x44: {  	[sflag:s13] =	ssyncadd.s32 $0xFFFFFD80  }
0x45: {  	[spmem:s6] =	stream.linear.scatter [tilespmem:s12], [sflag:$0x2], $0x280, $0x38;
	[tilespmem:$0x3000] =	vst v63  }
0x46: {  	_ =	swait.ge [sflag:s13], $0x280  }
0x47: {  	[sflag:s13] =	ssyncset.done $0x0  }
0x48: {  	[sflag:s13] =	ssyncadd.s32 $0xFFFFFD80  }
0x49: {  	[bflag:$0x0] =	sbarrier.arrive $0xFFFF  }
0x4a: {  	[tilespmem:s4], [sflag:$0x2] =	stream.linear.gather [hbm4b:s7+s4], $0x2800, $0x38;
	[tilespmem:$0x3000] =	vst v63  }
0x4b: {  	_ =	swait.ge [sflag:s13], $0x2800  }
0x4c: {  	[sflag:s13] =	ssyncset.done $0x0  }
0x4d: {  	[sflag:s13] =	ssyncadd.s32 $0xFFFFD800  }
0x4e: {  	[spmem:s2] =	stream.indirect.scatter.add.f32 [tilespmem:s15], [sflag:$0x1], $0x1, s4, s14, $0xb8;
	[tilespmem:$0x3000] =	vst v63  }
0x4f: {  	_ = 	snop  }
0x50: {  	[spmem:s2] =	stream.indirect.scatter.add.f32 [tilespmem:s15], [sflag:$0x1], $0x1, s16, s14, $0xb8;
	[tilespmem:$0x3000] =	vst v63  }
0x51: {  	_ = 	snop  }
0x52: {  	[spmem:s2] =	stream.indirect.scatter.add.f32 [tilespmem:s15], [sflag:$0x1], $0x1, s17, s14, $0xb8;
	[tilespmem:$0x3000] =	vst v63  }
0x53: {  	_ = 	snop  }
0x54: {  	[spmem:s2] =	stream.indirect.scatter.add.f32 [tilespmem:s15], [sflag:$0x1], $0x1, s18, s14, $0xb8;
	[tilespmem:$0x3000] =	vst v63  }
0x55: {  	s24 =	simm.s32 $0x200  }
0x56: {  	[spmem:s2] =	stream.indirect.scatter.add.f32 [tilespmem:s15], [sflag:$0x1], $0x1, s24, s14, $0xb8;
	[tilespmem:$0x3000] =	vst v63  }
0x57: {  	_ =	swait.ge [sflag:s19], $0x7D  }
0x58: {  	s24 =	simm.s32 $0xA00;
	[sflag:s19] =	ssyncset.done $0x0  }
.LBB2_2:
0x59: {  	s25 =	sshra.s32 s24, $0x2;
	[sflag:s19] =	ssyncadd.s32 $0xFFFFFF83;
	p0 =	sne.s32 s24, $0x9E00  }
0x5a: {  	[spmem:s2] =	stream.indirect.scatter.add.f32 [tilespmem:s15], [sflag:$0x1], $0x1, s25, s14, $0xb8;
	[tilespmem:$0x3000] =	vst v63  }
.Ltmp0:
0x5b: {  	_ = 	snop;
	(pc) =	sbr.rel @p0 .LBB2_2-.Ltmp0, $4  }
0x5c: {  	_ = 	snop  }
0x5d: {  	s24 =	sadd.s32 $0x200, s24  }
0x5e: {  	_ =	swait.ge [sflag:s19], $0x7D  }
0x5f: {  	[sflag:s19] =	ssyncset.done $0x0  }
0x60: {  	[sflag:s19] =	ssyncadd.s32 $0xFFFFFF83  }
0x61: {  	_ =	swait.ge [sflag:s19], $0x7D  }
0x62: {  	[sflag:s19] =	ssyncset.done $0x0  }
0x63: {  	[sflag:s19] =	ssyncadd.s32 $0xFFFFFF83  }
0x64: {  	_ =	swait.ge [sflag:s19], $0x7D  }
0x65: {  	[sflag:s19] =	ssyncset.done $0x0  }
0x66: {  	[sflag:s19] =	ssyncadd.s32 $0xFFFFFF83  }
0x67: {  	_ =	swait.ge [sflag:s19], $0x7D  }
0x68: {  	[sflag:s19] =	ssyncset.done $0x0  }
0x69: {  	[sflag:s19] =	ssyncadd.s32 $0xFFFFFF83  }
0x6a: {  	_ =	swait.ge [sflag:s19], $0x7D  }
0x6b: {  	[sflag:s19] =	ssyncset.done $0x0  }
0x6c: {  	[sflag:s19] =	ssyncadd.s32 $0xFFFFFF83  }
0x6d: {  	[tilespmem:s4], [sflag:$0x2] =	stream.linear.gather [hbm4b:s8+s4], $0x2800, $0x38;
	[tilespmem:$0x3000] =	vst v63  }
0x6e: {  	_ =	swait.ge [sflag:s13], $0x2800  }
0x6f: {  	[sflag:s13] =	ssyncset.done $0x0  }
0x70: {  	[sflag:s13] =	ssyncadd.s32 $0xFFFFD800  }
0x71: {  	[spmem:s3] =	stream.indirect.scatter.add.f32 [tilespmem:s15], [sflag:$0x1], $0x1, s4, s14, $0xb8;
	[tilespmem:$0x3000] =	vst v63  }
0x72: {  	_ = 	snop  }
0x73: {  	[spmem:s3] =	stream.indirect.scatter.add.f32 [tilespmem:s15], [sflag:$0x1], $0x1, s16, s14, $0xb8;
	[tilespmem:$0x3000] =	vst v63  }
0x74: {  	_ = 	snop  }
0x75: {  	[spmem:s3] =	stream.indirect.scatter.add.f32 [tilespmem:s15], [sflag:$0x1], $0x1, s17, s14, $0xb8;
	[tilespmem:$0x3000] =	vst v63  }
0x76: {  	_ = 	snop  }
0x77: {  	[spmem:s3] =	stream.indirect.scatter.add.f32 [tilespmem:s15], [sflag:$0x1], $0x1, s18, s14, $0xb8;
	[tilespmem:$0x3000] =	vst v63  }
0x78: {  	s24 =	simm.s32 $0x200  }
0x79: {  	[spmem:s3] =	stream.indirect.scatter.add.f32 [tilespmem:s15], [sflag:$0x1], $0x1, s24, s14, $0xb8;
	[tilespmem:$0x3000] =	vst v63  }
0x7a: {  	_ =	swait.ge [sflag:s19], $0x7D  }
0x7b: {  	s24 =	simm.s32 $0xA00;
	[sflag:s19] =	ssyncset.done $0x0  }
.LBB2_4:
0x7c: {  	s25 =	sshra.s32 s24, $0x2;
	[sflag:s19] =	ssyncadd.s32 $0xFFFFFF83;
	p0 =	sne.s32 s24, $0x9E00  }
0x7d: {  	[spmem:s3] =	stream.indirect.scatter.add.f32 [tilespmem:s15], [sflag:$0x1], $0x1, s25, s14, $0xb8;
	[tilespmem:$0x3000] =	vst v63  }
.Ltmp1:
0x7e: {  	_ = 	snop;
	(pc) =	sbr.rel @p0 .LBB2_4-.Ltmp1, $4  }
0x7f: {  	_ = 	snop  }
0x80: {  	s24 =	sadd.s32 $0x200, s24  }
0x81: {  	_ =	swait.ge [sflag:s19], $0x7D  }
0x82: {  	[sflag:s19] =	ssyncset.done $0x0  }
0x83: {  	[sflag:s19] =	ssyncadd.s32 $0xFFFFFF83  }
0x84: {  	_ =	swait.ge [sflag:s19], $0x7D  }
0x85: {  	[sflag:s19] =	ssyncset.done $0x0  }
0x86: {  	[sflag:s19] =	ssyncadd.s32 $0xFFFFFF83  }
0x87: {  	_ =	swait.ge [sflag:s19], $0x7D  }
0x88: {  	[sflag:s19] =	ssyncset.done $0x0  }
0x89: {  	[sflag:s19] =	ssyncadd.s32 $0xFFFFFF83  }
0x8a: {  	_ =	swait.ge [sflag:s19], $0x7D  }
0x8b: {  	[sflag:s19] =	ssyncset.done $0x0  }
0x8c: {  	[sflag:s19] =	ssyncadd.s32 $0xFFFFFF83  }
0x8d: {  	_ =	swait.ge [sflag:s19], $0x7D  }
0x8e: {  	[sflag:s19] =	ssyncset.done $0x0  }
0x8f: {  	[sflag:s19] =	ssyncadd.s32 $0xFFFFFF83  }
0x90: {  	[bflag:$0x0] =	sbarrier.arrive $0xFFFF  }
0x91: {  	[hbm:s9], [sflag:s20] =	dma.local [spmem:s21], $0x50  }
0x92: {  	s23 =	sadd.s32 $0x1, s23;
	_ =	swait.ge [sflag:s13], $0x50  }
0x93: {  	p0 =	sne.s32 s23, s11;
	[sflag:s13] =	ssyncset.done $0x0  }
.Ltmp2:
0x94: {  	[sflag:s13] =	ssyncadd.s32 $0xFFFFFFB0;
	(pc) =	sbr.rel @p0 .LBB2_1-.Ltmp2, $4  }
0x95: {  	[hbm:s10], [sflag:s20] =	dma.local [spmem:s22], $0x50  }
0x96: {  	_ =	swait.ge [sflag:s13], $0x50  }
0x97: {  	[sflag:s13] =	ssyncset.done $0x0  }
0x98: {  	[sflag:s13] =	ssyncadd.s32 $0xFFFFFFB0  }
0x99: {  	_ =	sfence.sel $0x180000  }
0x9a: {  	[bflag:$0x0] =	sbarrier.arrive $0xFFFF  }
0x9b: {  	p0 =	sne.s32 s0, $0x0;
	_ =	strace $0x90000047  }
0x9c: {  	s0 =	sadd.s32 @!p0 $0x100000, s1;
	[bflag:$0x2] =	sbarrier.arrive $0xFFFF  }
0x9d: {  	[sflag:s0] =	ssyncadd.tile.s32 @!p0 $0x1;
	_ =	shalt  }
.Lfunc_end2:
_tile_overlayer_lowered:
.L_overlay_start_2:
0x9e: {  	(tag) =	ssettag $0x2  }
0x9f: {  	s0 =	rddreg [dreg:$0x0];
	s2 =	stileid.u32  }
0xa0: {  	s1 =	rddreg [dreg:$0x1];
	p0 =	sne.s32 s2, $0x0  }
0xa1: {  	s3 =	rddreg [dreg:$0x2];
	[bflag:$0x3] =	sbarrier.arrive $0xFFFF;
	s2 =	simm.s32 @!p0 $0x1C02  }
0xa2: {  	[timem:s3], [sflag:s2] =	dma.local @!p0 [hbm:s0], s1  }
0xa3: {  	s0 =	simm.s32 @!p0 $0x2  }
0xa4: {  	_ =	swait.ge @!p0 [sflag:s0], s1  }
0xa5: {  	s1 =	ssub.s32 @!p0 $0x0, s1;
	[sflag:s0] =	ssyncset.done @!p0 $0x0  }
0xa6: {  	[sflag:s0] =	ssyncadd.s32 @!p0 s1  }
0xa7: {  	[bflag:$0x3] =	sbarrier.arrive $0xFFFF  }
0xa8: {  	_ =	shalt  }

// kernel: kernel.9.cloned.1.call-start
scs
__scs_entry_jumppad:
0x0: {  	(pc) =	sbr.rel $0x88, $3  }
0x1: {  	(tag) =	ssettag $0x0;
	lr =	simm.s32 $0x1  }
0x2: {  	[smem:$0x3F9D] =	sst lr;
	_ =	strace $0xD0000000  }
0x3: {  	_ = 	snop  }
0x4: {  	_ = 	snop  }
0x5: {  	_ = 	snop  }
0x6: {  	_ = 	snop  }
0x7: {  	_ = 	snop  }
__scs_overlays_trampoline_lowered:
0x8: {  	[smem:$0x3FAC] =	sst s0  }
0x9: {  	[smem:$0x3FAD] =	sst s1  }
0xa: {  	[smem:$0x3FAE] =	sst s2  }
0xb: {  	[smem:$0x3FAF] =	sst s3  }
0xc: {  	[smem:$0x3FB0] =	sst s4  }
0xd: {  	[smem:$0x3FB1] =	sst s5  }
0xe: {  	[smem:$0x3FB2] =	sst s6  }
0xf: {  	[smem:$0x3FB3] =	sst s7  }
0x10: {  	[smem:$0x3FB4] =	sst s8  }
0x11: {  	[smem:$0x3FB5] =	sst s9;
	s0 =	simm.s32 @!p0 $0x0  }
0x12: {  	s1 =	sld [smem:$0x3F9B];
	s0 =	simm.s32 @p0 $0x1  }
0x13: {  	[smem:$0x3FB6] =	sst s0;
	s0 =	simm.s32 @!p1 $0x0  }
0x14: {  	s2 =	sld [smem:$0x3F9A];
	s0 =	simm.s32 @p1 $0x1  }
0x15: {  	[smem:$0x3FB7] =	sst s0;
	s0 =	simm.s32 @!p2 $0x0  }
0x16: {  	s3 =	sld [smem:$0x3FDB];
	s0 =	simm.s32 @p2 $0x1  }
0x17: {  	s4 =	simm.s32 $0x1BF5;
	[smem:$0x3FB9] =	sst s0  }
0x18: {  	s0 =	sld [smem:$0x3F9C];
	_ =	swait.ge [sflag:s4], $0x0  }
0x19: {  	s7 =	sld [smem:$0x3F9D]  }
0x1a: {  	s8 =	sadd.s32 $0xFFFFE003, lr  }
0x1b: {  	s9 =	sadd.s32 $0xFFFFFEF7, lr;
	s5 =	simm.s32 $0xFFFFFFFF;
	p2 =	slt.u32 s8, $0xFFFFF086  }
0x1c: {  	p1 =	slt.u32 s9, $0xF7A;
	s5 =	simm.s32 @!p2 $0x0  }
0x1d: {  	s5 =	simm.s32 @p1 $0x1;
	p0 =	seq.s32 s7, s2  }
0x1e: {  	s7 =	smul.u32 @!p0 $0xF7A, s2;
	p2 =	seq.s32 @!p0 s5, $0x0  }
0x1f: {  	s9 =	smul.u32 $0xF7A, s1;
	s8 =	simm.s32 @!p0 $0x1BF5;
	p2 =	por !p2, p0  }
0x20: {  	[sflag:s8] =	ssyncset.s32 @!p0 $0xFFFFF086;
	s6 =	sadd.s32 @!p0 s3, s7;
	s7 =	simm.s32 @!p0 $0x108  }
0x21: {  	s3 =	sadd.s32 s3, s9;
	s6 =	sadd.s32 @!p0 $0x88, s6;
	s7 =	simm.s32 @p2 $0x1082  }
0x22: {  	[simem:s7], [sflag:s8] =	dma.local @!p0 [hbm:s6], $0xF7A  }
0x23: {  	s9 =	sor.u32 $0xD0000000, s2;
	s6 =	simm.s32 $0x108;
	_ =	swait.ge @!p0 [sflag:s8], $0x0  }
0x24: {  	s3 =	sadd.s32 $0x88, s3;
	s6 =	simm.s32 @!p1 $0x1082;
	[sflag:s4] =	ssyncset.s32 $0xFFFFF086  }
0x25: {  	[simem:s6], [sflag:s4] =	dma.local [hbm:s3], $0xF7A  }
0x26: {  	[smem:$0x3F9D] =	sst s1;
	(tag) =	ssettag s2;
	_ =	strace s9  }
0x27: {  	s1 =	sld [smem:$0x3FAD]  }
0x28: {  	s2 =	sld [smem:$0x3FAE]  }
0x29: {  	s4 =	sld [smem:$0x3FB0]  }
0x2a: {  	p0 =	seq.s32 s5, $0x0;
	s5 =	sld [smem:$0x3FB1]  }
0x2b: {  	s6 =	sld [smem:$0x3FB2]  }
0x2c: {  	s7 =	sld [smem:$0x3FB3]  }
0x2d: {  	s3 =	simm.s32 $0x108;
	s8 =	sld [smem:$0x3FB4]  }
0x2e: {  	s3 =	simm.s32 @!p0 $0x1082;
	s9 =	sld [smem:$0x3FB5]  }
0x2f: {  	lr =	sadd.s32 s0, s3;
	s0 =	sld [smem:$0x3FAC]  }
0x30: {  	s3 =	sld [smem:$0x3FAF]  }
0x31: {  	[smem:$0x3FB8] =	sst s10  }
0x32: {  	s10 =	sld [smem:$0x3FB6];
	_ =	sdelay $0x3  }
0x33: {  	p0 =	seq.s32 s10, $0x1;
	s10 =	sld [smem:$0x3FB8];
	_ =	sdelay $0x3  }
0x34: {  	[smem:$0x3FB8] =	sst s10  }
0x35: {  	s10 =	sld [smem:$0x3FB7];
	_ =	sdelay $0x3  }
0x36: {  	p1 =	seq.s32 s10, $0x1;
	s10 =	sld [smem:$0x3FB8];
	_ =	sdelay $0x3  }
0x37: {  	[smem:$0x3FB8] =	sst s10  }
0x38: {  	s10 =	sld [smem:$0x3FB9]  }
0x39: {  	_ = 	snop;
	(pc) =	sbr.ind lr, $3  }
0x3a: {  	_ = 	snop  }
0x3b: {  	_ = 	snop  }
0x3c: {  	p2 =	seq.s32 s10, $0x1;
	s10 =	sld [smem:$0x3FB8]  }
0x3d: {  	_ =	shalt  }
0x3e: {  	_ =	shalt  }
0x3f: {  	_ =	shalt  }
0x40: {  	_ =	shalt  }
0x41: {  	_ =	shalt  }
0x42: {  	_ =	shalt  }
0x43: {  	_ =	shalt  }
0x44: {  	_ =	shalt  }
0x45: {  	_ =	shalt  }
0x46: {  	_ =	shalt  }
0x47: {  	_ =	shalt  }
0x48: {  	_ =	shalt  }
0x49: {  	_ =	shalt  }
0x4a: {  	_ =	shalt  }
0x4b: {  	_ =	shalt  }
0x4c: {  	_ =	shalt  }
0x4d: {  	_ =	shalt  }
0x4e: {  	_ =	shalt  }
0x4f: {  	_ =	shalt  }
0x50: {  	_ =	shalt  }
0x51: {  	_ =	shalt  }
0x52: {  	_ =	shalt  }
0x53: {  	_ =	shalt  }
0x54: {  	_ =	shalt  }
0x55: {  	_ =	shalt  }
0x56: {  	_ =	shalt  }
0x57: {  	_ =	shalt  }
0x58: {  	_ =	shalt  }
0x59: {  	_ =	shalt  }
0x5a: {  	_ =	shalt  }
0x5b: {  	_ =	shalt  }
0x5c: {  	_ =	shalt  }
0x5d: {  	_ =	shalt  }
0x5e: {  	_ =	shalt  }
0x5f: {  	_ =	shalt  }
0x60: {  	_ =	shalt  }
0x61: {  	_ =	shalt  }
0x62: {  	_ =	shalt  }
0x63: {  	_ =	shalt  }
0x64: {  	_ =	shalt  }
0x65: {  	_ =	shalt  }
0x66: {  	_ =	shalt  }
0x67: {  	_ =	shalt  }
0x68: {  	_ =	shalt  }
0x69: {  	_ =	shalt  }
0x6a: {  	_ =	shalt  }
0x6b: {  	_ =	shalt  }
0x6c: {  	_ =	shalt  }
0x6d: {  	_ =	shalt  }
0x6e: {  	_ =	shalt  }
0x6f: {  	_ =	shalt  }
0x70: {  	_ =	shalt  }
0x71: {  	_ =	shalt  }
0x72: {  	_ =	shalt  }
0x73: {  	_ =	shalt  }
0x74: {  	_ =	shalt  }
0x75: {  	_ =	shalt  }
0x76: {  	_ =	shalt  }
0x77: {  	_ =	shalt  }
0x78: {  	_ =	shalt  }
0x79: {  	_ =	shalt  }
0x7a: {  	_ =	shalt  }
0x7b: {  	_ =	shalt  }
0x7c: {  	_ =	shalt  }
0x7d: {  	_ =	shalt  }
0x7e: {  	_ =	shalt  }
0x7f: {  	_ =	shalt  }
0x80: {  	_ =	shalt  }
0x81: {  	_ =	shalt  }
0x82: {  	_ =	shalt  }
0x83: {  	_ =	shalt  }
0x84: {  	_ =	shalt  }
0x85: {  	_ =	shalt  }
0x86: {  	_ =	shalt  }
0x87: {  	_ =	shalt  }
.Lfunc_end0:
.L_simem_size_0:
called_computation.1_lowered:
.L_overlay_start_0:
0x88: {  	s2 =	sld [smem:$0x3FD9]  }
0x89: {  	s3 =	sld [smem:$0x3FFE];
	_ =	sdelay $0x1  }
0x8a: {  	s1 =	srdreg.scid  }
0x8b: {  	s0 =	sand.u32 $0x1, s1  }
0x8c: {  	s17 =	sshll.u32 s0, $0xA;
	s2 =	sadd.s32 s3, s2  }
0x8d: {  	s2 =	sadd.s32 s2, s17  }
0x8e: {  	[smem:$0x3FC4] =	sst s2  }
0x8f: {  	_ = 	snop  }
0x90: {  	s2 =	sld [smem:$0x3FD0];
	(tm) =	ssettm $0x1  }
0x91: {  	s18 =	sld [smem:$0x3FFB];
	_ =	sdelay $0x3  }
0x92: {  	_ =	strace s18  }
0x93: {  	s3 =	sld [smem:$0x3FFC];
	_ =	sdelay $0x3  }
0x94: {  	_ =	strace s3  }
0x95: {  	s3 =	sld [smem:$0x3FFD];
	_ =	sdelay $0x3  }
0x96: {  	_ =	strace s3  }
0x97: {  	_ =	strace $0x8FFFFFFF  }
0x98: {  	s19 =	sld [smem:$0x3FDB];
	_ =	sdelay $0x1  }
0x99: {  	s4 =	simm.s32 $_scs_section_size  }
0x9a: {  	s5 =	simm.s32 $_size__tile_overlayer_lowered;
	s6 =	simm.s32 $_tile_overlayer_lowered  }
0x9b: {  	s22 =	simm.s32 $0x1BFF;
	s21 =	sshll.u32 s6, $0x1;
	s3 =	sadd.s32 s4, s19  }
0x9c: {  	s7 =	simm.s32 $0x0;
	s20 =	sshll.u32 s5, $0x1;
	s5 =	sadd.s32 s21, s3  }
0x9d: {  	[timem:s7], [sflag:s22] =	dma.local [hbm:s5], s20  }
0x9e: {  	_ =	swait.ge [sflag:s22], s20  }
0x9f: {  	s4 =	ssub.s32 $0x0, s20;
	[sflag:s22] =	ssyncset.done $0x0  }
0xa0: {  	[sflag:s22] =	ssyncadd.s32 s4;
	_ =	sdelay $0x1  }
0xa1: {  	s23 =	simm.s32 $0x1B8B  }
0xa2: {  	_ =	swait.ge [sflag:s23], $0x1  }
0xa3: {  	[sflag:s23] =	ssyncset.done $0x0  }
0xa4: {  	s25 =	simm.s32 $0x1B8E;
	s24 =	sld [smem:$0x3FFE];
	[sflag:s23] =	ssyncadd.s32 $0xFFFFFFFF  }
0xa5: {  	s26 =	simm.s32 $execute0_lowered;
	[smem:$0x3FD2] =	sst s25  }
0xa6: {  	s5 =	sshll.u32 s26, $0x1;
	_ =	strace $0x80000049;
	[dreg:$0x1] =	wrdreg $0xFFFFFFFF  }
0xa7: {  	s28 =	simm.s32 $_size_execute0_lowered;
	s3 =	sadd.s32 s3, s5;
	[dreg:$0x0] =	wrdreg $0x0  }
0xa8: {  	s5 =	sshll.u32 s28, $0x1;
	[dreg:$0x2] =	wrdreg s3  }
0xa9: {  	[dreg:$0x3] =	wrdreg s5  }
0xaa: {  	[dreg:$0x4] =	wrdreg $0xC0  }
0xab: {  	_ =	task [dreg:s7], $0x5FFFF  }
0xac: {  	[dreg:$0x1] =	wrdreg $0xFFFFFFFF  }
0xad: {  	[dreg:$0x0] =	wrdreg $0x60  }
0xae: {  	[dreg:$0x2] =	wrdreg s24  }
0xaf: {  	[dreg:$0x3] =	wrdreg s2  }
0xb0: {  	[dreg:$0x4] =	wrdreg $0xA8000  }
0xb1: {  	[dreg:$0x5] =	wrdreg $0x9  }
0xb2: {  	_ =	task.clear_ibuf [dreg:s7], $0x6FFFF;
	_ =	strace $0x90000049  }
0xb3: {  	s29 =	simm.s32 $0x9;
	_ =	strace $0x8000004B  }
0xb4: {  	_ =	swait.ge [sflag:s29], $0x1  }
0xb5: {  	[sflag:s29] =	ssyncadd.s32 $0xFFFFFFFF  }
0xb6: {  	_ =	strace $0x9000004B  }
0xb7: {  	_ =	sfence  }
0xb8: {  	s30 =	sld [smem:$0x0];
	_ =	sdelay $0x2  }
0xb9: {  	s31 =	sshll.u32 s1, $0xD;
	s1 =	sshrl.u32 s1, $0x2  }
0xba: {  	s3 =	sand.u32 $0x4000, s31;
	s1 =	sadd.s32 s1, s30  }
0xbb: {  	s0 =	sor.u32 s3, s0;
	s1 =	sshll.u32 s1, $0x11  }
0xbc: {  	s0 =	sor.u32 s1, s0  }
0xbd: {  	s0 =	sadd.s32 $0x8F2B, s0  }
0xbe: {  	[sflag:s0] =	ssyncadd.remote.s32 $0x1  }
0xbf: {  	_ =	sfence.sel $0xFFFF  }
0xc0: {  	[dreg:$0x0] =	wrdreg $0xFFFFFFFF;
	(pc) =	sbr.abs _section_cstart, $3  }
0xc1: {  	[dreg:$0x1] =	wrdreg $0xFFFFFFFF  }
0xc2: {  	_ =	task.clear_ibuf [dreg:s7], $0x2FFFF;
	_ =	strace $0x9FFFFFFF  }
0xc3: {  	(tm) =	ssettm $0x7FFFFFFF  }
tec
execute0_lowered:
.L_overlay_start_1:
0x0: {  	(tag) =	ssettag $0x1  }
0x1: {  	s0 =	rddreg [dreg:$0x0]  }
0x2: {  	s2 =	rddreg [dreg:$0x1]  }
0x3: {  	s1 =	srdreg.scid;
	s10 =	stileid.u32  }
0x4: {  	s3 =	rddreg [dreg:$0x2];
	s1 =	sand.u32 $0x1, s1;
	s6 =	smul.u32 $0x14000, s10  }
0x5: {  	s5 =	smul.u32 $0x140000, s1;
	s9 =	ssub.s32 $0x2, s1;
	s1 =	sshll.u32 s1, $0x4  }
0x6: {  	s4 =	simm.s32 $0x0;
	s15 =	smul.u32 $0x50000, s10;
	s1 =	sor.u32 s10, s1  }
0x7: {  	s28 =	simm.s32 $0x3;
	[smem:$0x7FF] =	sst s4;
	s21 =	smul.u32 $0x2800, s1  }
0x8: {  	s7 =	sadd.s32 $0xB000, s0;
	s5 =	sadd.s32 s6, s5;
	s1 =	smul.u32 $0x500, s1  }
0x9: {  	s8 =	sadd.s32 $0x1000, s0;
	_ =	strace $0x8000004A;
	s5 =	sshrl.u32 s5, $0x3  }
0xa: {  	s16 =	sshrl.u32 s15, $0x2;
	s0 =	sadd.s32 s5, s0;
	s26 =	sadd.s32 s7, s1  }
0xb: {  	s5 =	sadd.s32 s16, s3;
	s1 =	sadd.s32 s8, s1;
	[dreg:$0xb] =	wrdreg s26  }
0xc: {  	s29 =	simm.s32 $0x4;
	s18 =	sadd.s32 $0x2800, s5;
	[dreg:$0xc] =	wrdreg s1  }
0xd: {  	s30 =	simm.s32 $0x0;
	s19 =	sadd.s32 $0x5000, s5;
	[dreg:$0x4] =	wrdreg s18  }
0xe: {  	s17 =	sshrl.u32 s9, $0x1;
	s20 =	sadd.s32 $0x7800, s5;
	[dreg:$0x5] =	wrdreg s19  }
0xf: {  	s6 =	ssub.s32 s9, s17;
	s22 =	sadd.s32 $0xA000, s5;
	[dreg:$0x6] =	wrdreg s20  }
0x10: {  	s9 =	sshrl.u32 s21, $0x3;
	s23 =	sadd.s32 $0xC800, s5;
	[dreg:$0x7] =	wrdreg s22  }
0x11: {  	s21 =	simm.s32 $0x1400;
	s24 =	sadd.s32 $0xF000, s5;
	[dreg:$0x8] =	wrdreg s23  }
0x12: {  	s25 =	sadd.s32 $0x11800, s5;
	s31 =	sadd.s32 $0x280, s9;
	[dreg:$0x9] =	wrdreg s24  }
0x13: {  	s17 =	sadd.s32 $0x15000, s0;
	s26 =	simm.s32 $0x2780;
	[dreg:$0xa] =	wrdreg s25  }
0x14: {  	s15 =	sadd.s32 s7, s31;
	s16 =	sadd.s32 s8, s31;
	s18 =	smax.u32 s6, $0x1  }
0x15: {  	s19 =	simm.s32 $0x2800;
	s20 =	simm.s32 $0x5;
	s22 =	simm.s32 $0x7D  }
0x16: {  	v0 =	vimm.f32 $0.0e+00;
	s23 =	simm.s32 $0x80;
	s24 =	simm.s32 $0x6800;
	s25 =	simm.s32 $0x2  }
.LBB2_1:
0x17: {  	s0 =	sand.u32 $0xFE00, s4  }
0x18: {  	s1 =	sand.u32 $0x70, s4;
	s6 =	sshrl.u32 s0, $0x2  }
0x19: {  	s0 =	simm.s32 $0x40;
	s6 =	sor.u32 s1, s6;
	s1 =	simm.s32 $0x0  }
.LBB2_2:
0x1a: {  	p0 =	sne.s32 s0, $0x9FC0  }
0x1b: {  	[tilespmem:s6+$0x2800] =	vst v0;
	s1 =	sadd.s32 $0x10, s1;
	s6 =	smov.u32 s0;
	s0 =	sadd.s32 $0x40, s0  }
.Ltmp0:
0x1c: {  	(pc) =	sbr.rel @p0 .LBB2_2-.Ltmp0, $4  }
0x1d: {  	_ = 	snop  }
0x1e: {  	s6 =	sand.u32 $0xFE00, s6  }
0x1f: {  	s7 =	sand.u32 $0x70, s1;
	s6 =	sshrl.u32 s6, $0x2  }
0x20: {  	s6 =	sor.u32 s7, s6  }
0x21: {  	[tilespmem:s6+$0x2800] =	vst v0  }
0x22: {  	[spmem:s5] =	stream.linear.scatter [tilespmem:s19], [sflag:$0x5], $0x2800, $0x38;
	[tilespmem:$0x1E800] =	vst v63  }
0x23: {  	_ =	swait.ge [sflag:s20], $0x2800  }
0x24: {  	[sflag:s20] =	ssyncset.done $0x0  }
0x25: {  	s0 =	rddreg [dreg:$0x4];
	[sflag:s20] =	ssyncadd.s32 $0xFFFFD800  }
0x26: {  	[spmem:s0] =	stream.linear.scatter [tilespmem:s19], [sflag:$0x5], $0x2800, $0x38;
	[tilespmem:$0x1E800] =	vst v63  }
0x27: {  	_ =	swait.ge [sflag:s20], $0x2800  }
0x28: {  	[sflag:s20] =	ssyncset.done $0x0  }
0x29: {  	s14 =	rddreg [dreg:$0x5];
	[sflag:s20] =	ssyncadd.s32 $0xFFFFD800  }
0x2a: {  	[spmem:s14] =	stream.linear.scatter [tilespmem:s19], [sflag:$0x5], $0x2800, $0x38;
	[tilespmem:$0x1E800] =	vst v63  }
0x2b: {  	_ =	swait.ge [sflag:s20], $0x2800  }
0x2c: {  	[sflag:s20] =	ssyncset.done $0x0  }
0x2d: {  	s1 =	rddreg [dreg:$0x6];
	[sflag:s20] =	ssyncadd.s32 $0xFFFFD800  }
0x2e: {  	[spmem:s1] =	stream.linear.scatter [tilespmem:s19], [sflag:$0x5], $0x2800, $0x38;
	[tilespmem:$0x1E800] =	vst v63  }
0x2f: {  	_ =	swait.ge [sflag:s20], $0x2800  }
0x30: {  	[sflag:s20] =	ssyncset.done $0x0  }
0x31: {  	s6 =	rddreg [dreg:$0x7];
	[sflag:s20] =	ssyncadd.s32 $0xFFFFD800  }
0x32: {  	[spmem:s6] =	stream.linear.scatter [tilespmem:s19], [sflag:$0x5], $0x2800, $0x38;
	[tilespmem:$0x1E800] =	vst v63  }
0x33: {  	_ =	swait.ge [sflag:s20], $0x2800  }
0x34: {  	[sflag:s20] =	ssyncset.done $0x0  }
0x35: {  	s7 =	rddreg [dreg:$0x8];
	[sflag:s20] =	ssyncadd.s32 $0xFFFFD800  }
0x36: {  	[spmem:s7] =	stream.linear.scatter [tilespmem:s19], [sflag:$0x5], $0x2800, $0x38;
	[tilespmem:$0x1E800] =	vst v63  }
0x37: {  	_ =	swait.ge [sflag:s20], $0x2800  }
0x38: {  	[sflag:s20] =	ssyncset.done $0x0  }
0x39: {  	s8 =	rddreg [dreg:$0x9];
	[sflag:s20] =	ssyncadd.s32 $0xFFFFD800  }
0x3a: {  	[spmem:s8] =	stream.linear.scatter [tilespmem:s19], [sflag:$0x5], $0x2800, $0x38;
	[tilespmem:$0x1E800] =	vst v63  }
0x3b: {  	_ =	swait.ge [sflag:s20], $0x2800  }
0x3c: {  	[sflag:s20] =	ssyncset.done $0x0  }
0x3d: {  	s9 =	rddreg [dreg:$0xa];
	[sflag:s20] =	ssyncadd.s32 $0xFFFFD800  }
0x3e: {  	[spmem:s9] =	stream.linear.scatter [tilespmem:s19], [sflag:$0x5], $0x2800, $0x38;
	[tilespmem:$0x1E800] =	vst v63  }
0x3f: {  	_ =	swait.ge [sflag:s20], $0x2800  }
0x40: {  	[sflag:s20] =	ssyncset.done $0x0  }
0x41: {  	[sflag:s20] =	ssyncadd.s32 $0xFFFFD800  }
0x42: {  	[bflag:$0x0] =	sbarrier.arrive $0xFFFF  }
0x43: {  	s10 =	rddreg [dreg:$0xb]  }
0x44: {  	[tilespmem:s4], [sflag:$0x5] =	stream.linear.gather [hbm4b:s10+s4], $0x1400, $0x38;
	[tilespmem:$0x1E800] =	vst v63  }
0x45: {  	_ =	swait.ge [sflag:s20], $0x1400  }
0x46: {  	[sflag:s20] =	ssyncset.done $0x0  }
0x47: {  	s11 =	rddreg [dreg:$0xc];
	[sflag:s20] =	ssyncadd.s32 $0xFFFFEC00  }
0x48: {  	[tilespmem:s21], [sflag:$0x5] =	stream.linear.gather [hbm4b:s11+s4], $0x1400, $0x38;
	[tilespmem:$0x1E800] =	vst v63  }
0x49: {  	_ =	swait.ge [sflag:s20], $0x1400  }
0x4a: {  	[sflag:s20] =	ssyncset.done $0x0  }
0x4b: {  	[sflag:s20] =	ssyncadd.s32 $0xFFFFEC00  }
0x4c: {  	[tilespmem:s19], [sflag:$0x1] =	stream.indirect.gather [hbm4b:s2+s22], $0x80, s4, s22, $0xb8;
	[tilespmem:$0x1E800] =	vst v63  }
0x4d: {  	s12 =	simm.s32 $0x1  }
0x4e: {  	[tilespmem:s24], [sflag:$0x2] =	stream.indirect.gather [hbm4b:s2+s22], $0x80, s23, s22, $0xb8;
	[tilespmem:$0x1E800] =	vst v63  }
0x4f: {  	s13 =	simm.s32 $0x100;
	s10 =	sand.u32 $0x1, s12;
	_ =	swait.ge [sflag:s12], $0x3E80  }
0x50: {  	s31 =	simm.s32 $0x1500;
	s0 =	sxor.u32 $0x1, s10;
	[sflag:s12] =	ssyncset.done $0x0  }
0x51: {  	s14 =	simm.s32 $0x2;
	s1 =	sadd.s32 $0x3, s0;
	[sflag:s12] =	ssyncadd.s32 $0xFFFFC180  }
0x52: {  	[spmem:s3] =	stream.indirect.scatter.add.f32 [tilespmem:s19], [sflag:$0x3], $0x80, s21, s22, $0xb8;
	[tilespmem:$0x1E800] =	vst v63  }
0x53: {  	s6 =	simm.s32 $0x180;
	s7 =	simm.s32 $0x1480;
	_ =	swait.ge [sflag:s1], $0x3E80  }
0x54: {  	s9 =	sadd.s32 $0x1, s10;
	s8 =	sshll.u32 s0, $0xE;
	[sflag:s1] =	ssyncset.done $0x0  }
0x55: {  	s0 =	sadd.s32 $0x1, s0;
	s8 =	sor.u32 $0x2800, s8;
	[sflag:s1] =	ssyncadd.s32 $0xFFFFC180  }
0x56: {  	[tilespmem:s8], [sflag:s0] =	stream.indirect.gather [hbm4b:s2+s22], $0x80, s13, s22, $0xb8;
	[tilespmem:$0x1E800] =	vst v63  }
0x57: {  	s11 =	sshll.u32 s10, $0xE;
	s10 =	sadd.s32 $0x3, s10;
	_ =	swait.ge [sflag:s9], $0x3E80  }
0x58: {  	s0 =	sand.u32 $0x1, s14;
	s8 =	simm.s32 $0x3;
	[sflag:s9] =	ssyncset.done $0x0  }
0x59: {  	s1 =	sshll.u32 s0, $0xE;
	[sflag:s9] =	ssyncadd.s32 $0xFFFFC180;
	s9 =	sor.u32 $0x2800, s11  }
.LBB2_4:
0x5a: {  	[spmem:s3] =	stream.indirect.scatter.add.f32 [tilespmem:s9], [sflag:s10], $0x80, s7, s22, $0xb8;
	[tilespmem:$0x1E800] =	vst v63  }
0x5b: {  	s10 =	smov.u32 s0;
	s0 =	smov.u32 s8;
	s9 =	smov.u32 s1  }
0x5c: {  	s11 =	sadd.s32 $0x1, s8;
	s0 =	sand.u32 $0x1, s0;
	s12 =	sxor.u32 $0x1, s10  }
0x5d: {  	s1 =	sshll.u32 s0, $0xE;
	s13 =	sshll.u32 s12, $0xE;
	s14 =	sadd.s32 $0x3, s12  }
0x5e: {  	p0 =	sne.s32 s8, $0x26;
	s7 =	smov.u32 s31;
	_ =	swait.ge [sflag:s14], $0x3E80  }
0x5f: {  	s8 =	sadd.s32 $0x1, s12;
	s12 =	sadd.s32 $0x1, s10;
	[sflag:s14] =	ssyncset.done $0x0  }
.Ltmp1:
0x60: {  	s13 =	sor.u32 $0x2800, s13;
	[sflag:s14] =	ssyncadd.s32 $0xFFFFC180;
	(pc) =	sbr.rel @p0 .LBB2_4-.Ltmp1, $4  }
0x61: {  	[tilespmem:s13], [sflag:s8] =	stream.indirect.gather [hbm4b:s2+s22], $0x80, s6, s22, $0xb8;
	[tilespmem:$0x1E800] =	vst v63  }
0x62: {  	s31 =	sadd.s32 $0x80, s31;
	_ =	swait.ge [sflag:s12], $0x3E80  }
0x63: {  	s9 =	sor.u32 $0x2800, s9;
	s6 =	sadd.s32 $0x80, s6;
	[sflag:s12] =	ssyncset.done $0x0  }
0x64: {  	s10 =	sadd.s32 $0x3, s10;
	s8 =	smov.u32 s11;
	[sflag:s12] =	ssyncadd.s32 $0xFFFFC180  }
0x65: {  	[spmem:s3] =	stream.indirect.scatter.add.f32 [tilespmem:s9], [sflag:s10], $0x80, s7, s22, $0xb8;
	[tilespmem:$0x1E800] =	vst v63  }
0x66: {  	s12 =	sxor.u32 $0x1, s0  }
0x67: {  	s8 =	sadd.s32 $0x3, s12  }
0x68: {  	_ =	swait.ge [sflag:s8], $0x3E80  }
0x69: {  	s14 =	sadd.s32 $0x1, s0;
	s13 =	sshll.u32 s12, $0xE;
	[sflag:s8] =	ssyncset.done $0x0  }
0x6a: {  	s7 =	sadd.s32 $0x1, s12;
	s9 =	sor.u32 $0x2800, s13;
	[sflag:s8] =	ssyncadd.s32 $0xFFFFC180  }
0x6b: {  	[tilespmem:s9], [sflag:s7] =	stream.indirect.gather [hbm4b:s2+s22], $0x80, s6, s22, $0xb8;
	[tilespmem:$0x1E800] =	vst v63  }
0x6c: {  	_ =	swait.ge [sflag:s14], $0x3E80  }
0x6d: {  	[sflag:s14] =	ssyncset.done $0x0  }
0x6e: {  	s1 =	sor.u32 $0x2800, s1;
	s7 =	sadd.s32 $0x3, s0;
	[sflag:s14] =	ssyncadd.s32 $0xFFFFC180  }
0x6f: {  	[spmem:s3] =	stream.indirect.scatter.add.f32 [tilespmem:s1], [sflag:s7], $0x80, s31, s22, $0xb8;
	[tilespmem:$0x1E800] =	vst v63  }
0x70: {  	_ =	swait.ge [sflag:s25], $0x3E80  }
0x71: {  	[sflag:s25] =	ssyncset.done $0x0  }
0x72: {  	[sflag:s25] =	ssyncadd.s32 $0xFFFFC180  }
0x73: {  	[spmem:s3] =	stream.indirect.scatter.add.f32 [tilespmem:s24], [sflag:$0x4], $0x80, s26, s22, $0xb8;
	[tilespmem:$0x1E800] =	vst v63  }
0x74: {  	_ =	swait.ge [sflag:s28], $0x3E80  }
0x75: {  	[sflag:s28] =	ssyncset.done $0x0  }
0x76: {  	[sflag:s28] =	ssyncadd.s32 $0xFFFFC180  }
0x77: {  	_ =	swait.ge [sflag:s29], $0x3E80  }
0x78: {  	[sflag:s29] =	ssyncset.done $0x0  }
0x79: {  	[sflag:s29] =	ssyncadd.s32 $0xFFFFC180  }
0x7a: {  	[tilespmem:s4], [sflag:$0x5] =	stream.linear.gather [hbm4b:s15+s4], $0x1400, $0x38;
	[tilespmem:$0x1E800] =	vst v63  }
0x7b: {  	_ =	swait.ge [sflag:s20], $0x1400  }
0x7c: {  	[sflag:s20] =	ssyncset.done $0x0  }
0x7d: {  	[sflag:s20] =	ssyncadd.s32 $0xFFFFEC00  }
0x7e: {  	[tilespmem:s21], [sflag:$0x5] =	stream.linear.gather [hbm4b:s16+s4], $0x1400, $0x38;
	[tilespmem:$0x1E800] =	vst v63  }
0x7f: {  	_ =	swait.ge [sflag:s20], $0x1400  }
0x80: {  	[sflag:s20] =	ssyncset.done $0x0  }
0x81: {  	[sflag:s20] =	ssyncadd.s32 $0xFFFFEC00  }
0x82: {  	[tilespmem:s19], [sflag:$0x1] =	stream.indirect.gather [hbm4b:s2+s22], $0x80, s4, s22, $0xb8;
	[tilespmem:$0x1E800] =	vst v63  }
0x83: {  	s8 =	simm.s32 $0x1  }
0x84: {  	[tilespmem:s24], [sflag:$0x2] =	stream.indirect.gather [hbm4b:s2+s22], $0x80, s23, s22, $0xb8;
	[tilespmem:$0x1E800] =	vst v63  }
0x85: {  	s11 =	simm.s32 $0x2;
	s10 =	sand.u32 $0x1, s8;
	_ =	swait.ge [sflag:s8], $0x3E80  }
0x86: {  	s9 =	simm.s32 $0x100;
	s0 =	sxor.u32 $0x1, s10;
	[sflag:s8] =	ssyncset.done $0x0  }
0x87: {  	s13 =	sshll.u32 s10, $0xE;
	s12 =	sadd.s32 $0x3, s0;
	[sflag:s8] =	ssyncadd.s32 $0xFFFFC180  }
0x88: {  	[spmem:s3] =	stream.indirect.scatter.add.f32 [tilespmem:s19], [sflag:$0x3], $0x80, s21, s22, $0xb8;
	[tilespmem:$0x1E800] =	vst v63  }
0x89: {  	s14 =	sshll.u32 s0, $0xE;
	s0 =	sadd.s32 $0x1, s0;
	_ =	swait.ge [sflag:s12], $0x3E80  }
0x8a: {  	s7 =	simm.s32 $0x1480;
	s31 =	sand.u32 $0x1, s11;
	[sflag:s12] =	ssyncset.done $0x0  }
0x8b: {  	s11 =	sadd.s32 $0x1, s10;
	s6 =	sor.u32 $0x2800, s14;
	[sflag:s12] =	ssyncadd.s32 $0xFFFFC180  }
0x8c: {  	[tilespmem:s6], [sflag:s0] =	stream.indirect.gather [hbm4b:s2+s22], $0x80, s9, s22, $0xb8;
	[tilespmem:$0x1E800] =	vst v63  }
0x8d: {  	s10 =	sadd.s32 $0x3, s10;
	s1 =	sshll.u32 s31, $0xE;
	_ =	swait.ge [sflag:s11], $0x3E80  }
0x8e: {  	s8 =	simm.s32 $0x3;
	s0 =	simm.s32 $0x1500;
	[sflag:s11] =	ssyncset.done $0x0  }
0x8f: {  	s6 =	simm.s32 $0x180;
	s9 =	sor.u32 $0x2800, s13;
	[sflag:s11] =	ssyncadd.s32 $0xFFFFC180  }
.LBB2_6:
0x90: {  	[spmem:s3] =	stream.indirect.scatter.add.f32 [tilespmem:s9], [sflag:s10], $0x80, s7, s22, $0xb8;
	[tilespmem:$0x1E800] =	vst v63  }
0x91: {  	s10 =	smov.u32 s31;
	s7 =	smov.u32 s8;
	s9 =	smov.u32 s1  }
0x92: {  	s11 =	sadd.s32 $0x1, s8;
	s31 =	sand.u32 $0x1, s7;
	s12 =	sxor.u32 $0x1, s10  }
0x93: {  	s1 =	sshll.u32 s31, $0xE;
	s13 =	sshll.u32 s12, $0xE;
	s14 =	sadd.s32 $0x3, s12  }
0x94: {  	p0 =	sne.s32 s8, $0x26;
	s7 =	smov.u32 s0;
	_ =	swait.ge [sflag:s14], $0x3E80  }
0x95: {  	s8 =	sadd.s32 $0x1, s12;
	s12 =	sadd.s32 $0x1, s10;
	[sflag:s14] =	ssyncset.done $0x0  }
.Ltmp2:
0x96: {  	s13 =	sor.u32 $0x2800, s13;
	[sflag:s14] =	ssyncadd.s32 $0xFFFFC180;
	(pc) =	sbr.rel @p0 .LBB2_6-.Ltmp2, $4  }
0x97: {  	[tilespmem:s13], [sflag:s8] =	stream.indirect.gather [hbm4b:s2+s22], $0x80, s6, s22, $0xb8;
	[tilespmem:$0x1E800] =	vst v63  }
0x98: {  	s0 =	sadd.s32 $0x80, s0;
	_ =	swait.ge [sflag:s12], $0x3E80  }
0x99: {  	s9 =	sor.u32 $0x2800, s9;
	s6 =	sadd.s32 $0x80, s6;
	[sflag:s12] =	ssyncset.done $0x0  }
0x9a: {  	s10 =	sadd.s32 $0x3, s10;
	s8 =	smov.u32 s11;
	[sflag:s12] =	ssyncadd.s32 $0xFFFFC180  }
0x9b: {  	[spmem:s3] =	stream.indirect.scatter.add.f32 [tilespmem:s9], [sflag:s10], $0x80, s7, s22, $0xb8;
	[tilespmem:$0x1E800] =	vst v63  }
0x9c: {  	s10 =	sxor.u32 $0x1, s31  }
0x9d: {  	s8 =	sadd.s32 $0x3, s10  }
0x9e: {  	_ =	swait.ge [sflag:s8], $0x3E80  }
0x9f: {  	s12 =	sadd.s32 $0x1, s31;
	s11 =	sshll.u32 s10, $0xE;
	[sflag:s8] =	ssyncset.done $0x0  }
0xa0: {  	s7 =	sadd.s32 $0x1, s10;
	s9 =	sor.u32 $0x2800, s11;
	[sflag:s8] =	ssyncadd.s32 $0xFFFFC180  }
0xa1: {  	[tilespmem:s9], [sflag:s7] =	stream.indirect.gather [hbm4b:s2+s22], $0x80, s6, s22, $0xb8;
	[tilespmem:$0x1E800] =	vst v63  }
0xa2: {  	_ =	swait.ge [sflag:s12], $0x3E80  }
0xa3: {  	[sflag:s12] =	ssyncset.done $0x0  }
0xa4: {  	s1 =	sor.u32 $0x2800, s1;
	s13 =	sadd.s32 $0x3, s31;
	[sflag:s12] =	ssyncadd.s32 $0xFFFFC180  }
0xa5: {  	[spmem:s3] =	stream.indirect.scatter.add.f32 [tilespmem:s1], [sflag:s13], $0x80, s0, s22, $0xb8;
	[tilespmem:$0x1E800] =	vst v63  }
0xa6: {  	_ =	swait.ge [sflag:s25], $0x3E80  }
0xa7: {  	[sflag:s25] =	ssyncset.done $0x0  }
0xa8: {  	[sflag:s25] =	ssyncadd.s32 $0xFFFFC180  }
0xa9: {  	[spmem:s3] =	stream.indirect.scatter.add.f32 [tilespmem:s24], [sflag:$0x4], $0x80, s26, s22, $0xb8;
	[tilespmem:$0x1E800] =	vst v63  }
0xaa: {  	_ =	swait.ge [sflag:s28], $0x3E80  }
0xab: {  	[sflag:s28] =	ssyncset.done $0x0  }
0xac: {  	[sflag:s28] =	ssyncadd.s32 $0xFFFFC180  }
0xad: {  	s14 =	stileid.u32;
	_ =	swait.ge [sflag:s29], $0x3E80  }
0xae: {  	s31 =	sshrl.u32 s5, $0x3;
	s30 =	sadd.s32 $0x1, s30;
	[sflag:s29] =	ssyncset.done $0x0  }
0xaf: {  	p0 =	sne.s32 s30, s18;
	s0 =	sshll.u32 s14, $0x6;
	[sflag:s29] =	ssyncadd.s32 $0xFFFFC180  }
.Ltmp3:
0xb0: {  	s0 =	sor.u32 $0x1C05, s0;
	[bflag:$0x0] =	sbarrier.arrive $0xFFFF;
	(pc) =	sbr.rel @p0 .LBB2_1-.Ltmp3, $4  }
0xb1: {  	[hbm:s17], [sflag:s0] =	dma.local [spmem:s31], $0x2800  }
0xb2: {  	_ =	swait.ge [sflag:s20], $0x2800  }
0xb3: {  	[sflag:s20] =	ssyncset.done $0x0  }
0xb4: {  	[sflag:s20] =	ssyncadd.s32 $0xFFFFD800  }
0xb5: {  	_ =	sfence.sel $0x180000  }
0xb6: {  	[bflag:$0x0] =	sbarrier.arrive $0xFFFF  }
0xb7: {  	_ =	strace $0x9000004A  }
0xb8: {  	s0 =	stileid.u32;
	[bflag:$0x2] =	sbarrier.arrive $0xFFFF  }
0xb9: {  	p0 =	sne.s32 s0, $0x0;
	s0 =	rddreg [dreg:$0x3]  }
0xba: {  	s0 =	sadd.s32 @!p0 $0x100000, s0  }
0xbb: {  	[sflag:s0] =	ssyncadd.tile.s32 @!p0 $0x1;
	_ =	shalt  }
.Lfunc_end2:
_tile_overlayer_lowered:
.L_overlay_start_2:
0xbc: {  	(tag) =	ssettag $0x2  }
0xbd: {  	s0 =	rddreg [dreg:$0x0];
	s2 =	stileid.u32  }
0xbe: {  	s1 =	rddreg [dreg:$0x1];
	p0 =	sne.s32 s2, $0x0  }
0xbf: {  	s3 =	rddreg [dreg:$0x2];
	[bflag:$0x3] =	sbarrier.arrive $0xFFFF;
	s2 =	simm.s32 @!p0 $0x1C05  }
0xc0: {  	[timem:s3], [sflag:s2] =	dma.local @!p0 [hbm:s0], s1  }
0xc1: {  	s0 =	simm.s32 @!p0 $0x5  }
0xc2: {  	_ =	swait.ge @!p0 [sflag:s0], s1  }
0xc3: {  	s1 =	ssub.s32 @!p0 $0x0, s1;
	[sflag:s0] =	ssyncset.done @!p0 $0x0  }
0xc4: {  	[sflag:s0] =	ssyncadd.s32 @!p0 s1  }
0xc5: {  	[bflag:$0x3] =	sbarrier.arrive $0xFFFF  }
0xc6: {  	_ =	shalt  }

</sc_bundles>
